<compile_context>
chip_gen: v7x
topology: tpu7x:2x2x1
jax: 0.10.2.dev20260603
libtpu: 0.0.44.dev20260713+nightly
codegen_flags: <defaults>
</compile_context>

<pallas_src>
import functools

import jax
import jax.numpy as jnp
from jax import lax
from jax.experimental import pallas as pl
from jax.experimental.pallas import tpu as pltpu
from jax.experimental.pallas import tpu_sc as plsc

VOCAB = 1000000
EMB = 64
HID = 1024
OUT = 128
NTOK = 16384

LANES = 16

CW = 1664
CROWS = 608
CBIG = CROWS * CW
CPT = CBIG // 16
ZCH = CPT // 16

MBLK = 76800
NMAIN = 13
TAIL0 = NMAIN * MBLK
TAILW = CW


def _sc_counts(idx128):
    mesh = plsc.VectorSubcoreMesh(core_axis_name="c", subcore_axis_name="s")

    @functools.partial(
        pl.kernel,
        mesh=mesh,
        out_type=(
            jax.ShapeDtypeStruct((CBIG,), jnp.float32),
            jax.ShapeDtypeStruct((CBIG,), jnp.float32),
        ),
        scratch_types=[
            pltpu.VMEM((4, 128), jnp.int32),
            pltpu.VMEM((128,), jnp.float32),
            pltpu.VMEM((ZCH,), jnp.float32),
            pltpu.VMEM_SHARED((CBIG,), jnp.float32),
            pltpu.SemaphoreType.DMA,
        ],
    )
    def k(idx_hbm, out0_hbm, out1_hbm, idx_v, ones_v, zeros_v, shared, sem):
        s = lax.axis_index("s")
        c = lax.axis_index("c")
        g = s * 2 + c
        pltpu.sync_copy(idx_hbm.at[pl.ds(g * 4, 4)], idx_v)

        zero = jnp.zeros((LANES,), jnp.float32)

        def zv(r, carry):
            zeros_v[pl.ds(pl.multiple_of(r * LANES, LANES), LANES)] = zero
            return carry
        lax.fori_loop(0, ZCH // LANES, zv, 0)
        for l in range(8):
            ones_v[pl.ds(l * LANES, LANES)] = jnp.ones((LANES,), jnp.float32)

        base = pl.multiple_of(s * CPT, 8)
        zcopies = [
            pltpu.async_copy(
                zeros_v, shared.at[pl.ds(base + kk * ZCH, ZCH)], sem
            )
            for kk in range(16)
        ]
        for cp in zcopies:
            cp.wait()
        plsc.subcore_barrier()

        scopies = [
            pltpu.async_copy(ones_v, shared.at[idx_v.at[j]], sem, add=True)
            for j in range(4)
        ]
        for cp in scopies:
            cp.wait()
        plsc.subcore_barrier()

        out = [out0_hbm, out1_hbm]
        for ci in range(2):
            @pl.when(c == ci)
            def _():
                pltpu.sync_copy(
                    shared.at[pl.ds(base, CPT)],
                    out[ci].at[pl.ds(base, CPT)],
                )

    return k(idx128)


NSTR = 3
SBLK = 13312
GMAIN = 25


def _tc_matvec_main(table_t, c0, c1):
    def body(t0, t1, t2, a0, a1, a2, b0, b1, b2, o_ref):
        acc = jnp.zeros((EMB, 128), jnp.float32)
        for t_ref, ca_ref, cb_ref in ((t0, a0, b0), (t1, a1, b1),
                                      (t2, a2, b2)):
            cc = ca_ref[...] + cb_ref[...]
            tb = t_ref[...]
            for gg in range(SBLK // 128):
                acc = acc + (tb[:, gg * 128:(gg + 1) * 128]
                             * cc[gg * 128:(gg + 1) * 128])

        @pl.when(pl.program_id(0) == 0)
        def _():
            o_ref[...] = jnp.zeros_like(o_ref)

        o_ref[...] += acc

    tspecs = [
        pl.BlockSpec((EMB, SBLK), lambda i, j=j: (0, NSTR * i + j))
        for j in range(NSTR)
    ]
    cspecs = [
        pl.BlockSpec((SBLK,), lambda i, j=j: (NSTR * i + j,))
        for j in range(NSTR)
    ]
    return pl.pallas_call(
        body,
        grid=(GMAIN,),
        in_specs=tspecs + cspecs + cspecs,
        out_specs=pl.BlockSpec((EMB, 128), lambda i: (0, 0)),
        out_shape=jax.ShapeDtypeStruct((EMB, 128), jnp.float32),
    )(table_t, table_t, table_t, c0, c0, c0, c1, c1, c1)


def _tc_ffnn_tail(acc_main, table_t, c0, c1, W1, b1, W2, b2):
    def body(a_ref, t_ref, c0_ref, c1_ref, w1_ref, b1_ref, w2_ref, b2_ref,
             o_ref):
        cc = c0_ref[pl.ds(0, TAILW)] + c1_ref[pl.ds(0, TAILW)]
        tb = t_ref[...]
        acc = a_ref[...]
        for gg in range(TAILW // 128):
            prod = tb[:, gg * 128:(gg + 1) * 128] * cc[gg * 128:(gg + 1) * 128]
            if (gg + 1) * 128 > VOCAB - TAIL0:
                valid = jax.lax.broadcasted_iota(jnp.int32, (1, 128), 1) < (
                    VOCAB - TAIL0 - gg * 128
                )
                prod = jnp.where(valid, prod, 0.0)
            acc = acc + prod

        bagc = jnp.sum(acc, axis=1, keepdims=True) * (1.0 / NTOK)
        h = lax.dot_general(
            bagc, w1_ref[...], (((0,), (0,)), ((), ())),
            preferred_element_type=jnp.float32,
        )
        h = jnp.maximum(h + b1_ref[...], 0.0)
        logits = jnp.dot(h, w2_ref[...], preferred_element_type=jnp.float32)
        logits = logits + b2_ref[...]
        m = jnp.max(logits, axis=-1, keepdims=True)
        lse = jnp.log(jnp.sum(jnp.exp(logits - m), axis=-1, keepdims=True)) + m
        o_ref[...] = logits - lse

    return pl.pallas_call(
        body,
        grid=(1,),
        in_specs=[
            pl.BlockSpec((EMB, 128), lambda i: (0, 0)),
            pl.BlockSpec((EMB, TAILW), lambda i: (0, TAIL0 // TAILW)),
            pl.BlockSpec((13312,), lambda i: (TAIL0 // 13312,)),
            pl.BlockSpec((13312,), lambda i: (TAIL0 // 13312,)),
            pl.BlockSpec((EMB, HID), lambda i: (0, 0)),
            pl.BlockSpec((1, HID), lambda i: (0, 0)),
            pl.BlockSpec((HID, OUT), lambda i: (0, 0)),
            pl.BlockSpec((1, OUT), lambda i: (0, 0)),
        ],
        out_specs=pl.BlockSpec((1, OUT), lambda i: (0, 0)),
        out_shape=jax.ShapeDtypeStruct((1, OUT), jnp.float32),
    )(acc_main, table_t, c0, c1, W1, b1.reshape(1, HID), W2,
      b2.reshape(1, OUT))


def kernel(input, embeddings, W1, b1, W2, b2):
    c0, c1 = _sc_counts(input.reshape(128, 128))
    table_t = embeddings.T
    acc_main = _tc_matvec_main(table_t, c0, c1)
    return _tc_ffnn_tail(acc_main, table_t, c0, c1, W1, b1, W2, b2)

# --- scband reference (transcript-rebuilt; emitter-appended) ---
"""Pipeline reference for scband-bow-ffnn-53266184405670 (READ-ONLY COPY).

The authoritative reference and input builder live on the scoring server;
editing this copy changes nothing except your own understanding.
"""

import jax, jax.numpy as jnp
import numpy as np

VOCAB = 1000000
EMB = 64
HID = 1024
OUT = 128
NTOK = 16384


def setup_inputs(seed: int = 0) -> dict:
    key = jax.random.key(seed)
    k1, k2, k3, k4, k5, k6 = jax.random.split(key, 6)
    inp = jax.random.randint(k1, (NTOK,), 0, VOCAB, dtype=jnp.int32)
    embeddings = jax.random.normal(k2, (VOCAB, EMB), dtype=jnp.float32)
    W1 = jax.random.normal(k3, (EMB, HID), dtype=jnp.float32) * (1.0 / np.sqrt(EMB))
    b1 = jax.random.normal(k4, (HID,), dtype=jnp.float32) * 0.01
    W2 = jax.random.normal(k5, (HID, OUT), dtype=jnp.float32) * (1.0 / np.sqrt(HID))
    b2 = jax.random.normal(k6, (OUT,), dtype=jnp.float32) * 0.01
    return {"input": inp, "embeddings": embeddings, "W1": W1, "b1": b1, "W2": W2, "b2": b2}


def reference(input, embeddings, W1, b1, W2, b2):
    # EmbeddingBag(mode='mean') with offsets=[0]: a single bag that averages
    # the embedding rows of ALL indices -> shape [1, EMB]
    gathered = jnp.take(embeddings, input, axis=0)  # [NTOK, EMB] gather
    bag = jnp.mean(gathered, axis=0, keepdims=True)  # [1, EMB]
    # FFNN: Linear -> ReLU -> Linear
    h = jnp.maximum(bag @ W1 + b1, 0.0)  # [1, HID]
    logits = h @ W2 + b2  # [1, OUT]
    # torch log_softmax with implicit dim on 2D input -> dim=1
    return jax.nn.log_softmax(logits, axis=-1)

if __name__ == "__main__":
    import jax
    _d = setup_inputs()
    print(jax.jit(kernel)(*tuple(_d.values())))

</pallas_src>

<mosaic_0001>
#map = affine_map<(d0, d1) -> (0, 0)>
#map1 = affine_map<(d0, d1) -> (0)>
module attributes {stable_mosaic.version = 14 : i64} {
  func.func @k(%arg0: i32, %arg1: i32, %arg2: memref<128x128xi32, #tpu.memory_space<hbm>>, %arg3: memref<1011712xf32, #tpu.memory_space<hbm>>, %arg4: memref<1011712xf32, #tpu.memory_space<hbm>>, %arg5: memref<4x128xi32, #tpu.memory_space<vmem>>, %arg6: memref<128xf32, #tpu.memory_space<vmem>>, %arg7: memref<3952xf32, #tpu.memory_space<vmem>>, %arg8: memref<1011712xf32, #tpu.memory_space<vmem_shared>>, %arg9: memref<!tpu.dma_semaphore, #tpu.memory_space<semaphore_mem>>) attributes {dimension_semantics = [#tpu.dimension_semantics<core_parallel>, #tpu.dimension_semantics<subcore_parallel>], iteration_bounds = array<i64: 2, 16>, scalar_prefetch = 0 : i64, scratch_operands = 5 : i64, tpu.core_type = #tpu.core_type<sc_vector_subcore>, window_params = [{transform_indices = #map}, {transform_indices = #map1}, {transform_indices = #map1}]} {
    %mul3A = arith.constant 2 : i32
    %mul3A_0 = arith.muli %arg1, %mul3A : i32
    %add3A = arith.addi %mul3A_0, %arg0 : i32
    %mul3A_1 = arith.constant 4 : i32
    %mul3A_2 = arith.muli %add3A, %mul3A_1 : i32
    "tpu.region"() ({
      %run_scoped3A = tpu.sem_alloc : memref<!tpu.dma_semaphore, #tpu.memory_space<semaphore_mem>>
      %dma_start3A_208 = arith.constant 0 : i32
      %dma_start3A_209 = tpu.memref_slice %arg2[%mul3A_2, %dma_start3A_208] : memref<128x128xi32, #tpu.memory_space<hbm>> -> memref<4x128xi32, #tpu.memory_space<hbm>>
      %dma_start3A_210 = arith.constant 0 : i32
      %dma_start3A_211 = tpu.memref_slice %arg2[%mul3A_2, %dma_start3A_210] : memref<128x128xi32, #tpu.memory_space<hbm>> -> memref<4x128xi32, #tpu.memory_space<hbm>>
      tpu.enqueue_dma source(%dma_start3A_211 : memref<4x128xi32, #tpu.memory_space<hbm>>) target(%arg5 : memref<4x128xi32, #tpu.memory_space<vmem>>) target_semaphore(%run_scoped3A : memref<!tpu.dma_semaphore, #tpu.memory_space<semaphore_mem>>)
      %dma_wait3A_212 = arith.constant 0 : i32
      %dma_wait3A_213 = tpu.memref_slice %arg2[%mul3A_2, %dma_wait3A_212] : memref<128x128xi32, #tpu.memory_space<hbm>> -> memref<4x128xi32, #tpu.memory_space<hbm>>
      %dma_wait3A_214 = arith.constant 0 : i32
      %dma_wait3A_215 = tpu.memref_slice %arg2[%mul3A_2, %dma_wait3A_214] : memref<128x128xi32, #tpu.memory_space<hbm>> -> memref<4x128xi32, #tpu.memory_space<hbm>>
      tpu.wait_dma2 semaphore(%run_scoped3A : memref<!tpu.dma_semaphore, #tpu.memory_space<semaphore_mem>>) src(%dma_wait3A_215 : memref<4x128xi32, #tpu.memory_space<hbm>>) dst(%arg5 : memref<4x128xi32, #tpu.memory_space<vmem>>)
      tpu.yield
    }) : () -> ()
    %broadcast_in_dim3A = arith.constant 0.000000e+00 : f32
    %broadcast_in_dim3A_3 = vector.broadcast %broadcast_in_dim3A : f32 to vector<16xf32>
    %scan3A = arith.constant 0 : i32
    %scan3A_4 = arith.constant 0 : i32
    %scan3A_5 = arith.constant 247 : i32
    %scan3A_6 = arith.addi %scan3A_4, %scan3A_5 : i32
    %scan3A_7 = arith.constant 1 : i32
    scf.for %scan3A_208 = %scan3A_4 to %scan3A_6 step %scan3A_7  : i32 {
      %mul3A_209 = arith.constant 16 : i32
      %mul3A_210 = arith.muli %scan3A_208, %mul3A_209 : i32
      %multiple_of3A_211 = tpu.assume_multiple %mul3A_210, 16 : i32
      %swap3A_212 = arith.index_cast %multiple_of3A_211 : i32 to index
      %swap3A_213 = tpu.vector_load %arg7[%swap3A_212] {strides = array<i32>} : memref<3952xf32, #tpu.memory_space<vmem>>, vector<16xf32>,
      %swap3A_214 = vector.shape_cast %swap3A_213 : vector<16xf32> to vector<16xf32>
      %swap3A_215 = vector.shape_cast %broadcast_in_dim3A_3 : vector<16xf32> to vector<16xf32>
      tpu.vector_store %arg7[%swap3A_212], %swap3A_215 {strides = array<i32>} : memref<3952xf32, #tpu.memory_space<vmem>>, vector<16xf32>,
    }
    %scan3A_8 = arith.constant 247 : i32
    %broadcast_in_dim3A_9 = arith.constant 1.000000e+00 : f32
    %broadcast_in_dim3A_10 = vector.broadcast %broadcast_in_dim3A_9 : f32 to vector<16xf32>
    %swap3A = arith.constant 0 : index
    %swap3A_11 = tpu.vector_load %arg6[%swap3A] {strides = array<i32>} : memref<128xf32, #tpu.memory_space<vmem>>, vector<16xf32>,
    %swap3A_12 = vector.shape_cast %swap3A_11 : vector<16xf32> to vector<16xf32>
    %swap3A_13 = vector.shape_cast %broadcast_in_dim3A_10 : vector<16xf32> to vector<16xf32>
    tpu.vector_store %arg6[%swap3A], %swap3A_13 {strides = array<i32>} : memref<128xf32, #tpu.memory_space<vmem>>, vector<16xf32>,
    %broadcast_in_dim3A_14 = arith.constant 1.000000e+00 : f32
    %broadcast_in_dim3A_15 = vector.broadcast %broadcast_in_dim3A_14 : f32 to vector<16xf32>
    %swap3A_16 = arith.constant 16 : index
    %swap3A_17 = tpu.vector_load %arg6[%swap3A_16] {strides = array<i32>} : memref<128xf32, #tpu.memory_space<vmem>>, vector<16xf32>,
    %swap3A_18 = vector.shape_cast %swap3A_17 : vector<16xf32> to vector<16xf32>
    %swap3A_19 = vector.shape_cast %broadcast_in_dim3A_15 : vector<16xf32> to vector<16xf32>
    tpu.vector_store %arg6[%swap3A_16], %swap3A_19 {strides = array<i32>} : memref<128xf32, #tpu.memory_space<vmem>>, vector<16xf32>,
    %broadcast_in_dim3A_20 = arith.constant 1.000000e+00 : f32
    %broadcast_in_dim3A_21 = vector.broadcast %broadcast_in_dim3A_20 : f32 to vector<16xf32>
    %swap3A_22 = arith.constant 32 : index
    %swap3A_23 = tpu.vector_load %arg6[%swap3A_22] {strides = array<i32>} : memref<128xf32, #tpu.memory_space<vmem>>, vector<16xf32>,
    %swap3A_24 = vector.shape_cast %swap3A_23 : vector<16xf32> to vector<16xf32>
    %swap3A_25 = vector.shape_cast %broadcast_in_dim3A_21 : vector<16xf32> to vector<16xf32>
    tpu.vector_store %arg6[%swap3A_22], %swap3A_25 {strides = array<i32>} : memref<128xf32, #tpu.memory_space<vmem>>, vector<16xf32>,
    %broadcast_in_dim3A_26 = arith.constant 1.000000e+00 : f32
    %broadcast_in_dim3A_27 = vector.broadcast %broadcast_in_dim3A_26 : f32 to vector<16xf32>
    %swap3A_28 = arith.constant 48 : index
    %swap3A_29 = tpu.vector_load %arg6[%swap3A_28] {strides = array<i32>} : memref<128xf32, #tpu.memory_space<vmem>>, vector<16xf32>,
    %swap3A_30 = vector.shape_cast %swap3A_29 : vector<16xf32> to vector<16xf32>
    %swap3A_31 = vector.shape_cast %broadcast_in_dim3A_27 : vector<16xf32> to vector<16xf32>
    tpu.vector_store %arg6[%swap3A_28], %swap3A_31 {strides = array<i32>} : memref<128xf32, #tpu.memory_space<vmem>>, vector<16xf32>,
    %broadcast_in_dim3A_32 = arith.constant 1.000000e+00 : f32
    %broadcast_in_dim3A_33 = vector.broadcast %broadcast_in_dim3A_32 : f32 to vector<16xf32>
    %swap3A_34 = arith.constant 64 : index
    %swap3A_35 = tpu.vector_load %arg6[%swap3A_34] {strides = array<i32>} : memref<128xf32, #tpu.memory_space<vmem>>, vector<16xf32>,
    %swap3A_36 = vector.shape_cast %swap3A_35 : vector<16xf32> to vector<16xf32>
    %swap3A_37 = vector.shape_cast %broadcast_in_dim3A_33 : vector<16xf32> to vector<16xf32>
    tpu.vector_store %arg6[%swap3A_34], %swap3A_37 {strides = array<i32>} : memref<128xf32, #tpu.memory_space<vmem>>, vector<16xf32>,
    %broadcast_in_dim3A_38 = arith.constant 1.000000e+00 : f32
    %broadcast_in_dim3A_39 = vector.broadcast %broadcast_in_dim3A_38 : f32 to vector<16xf32>
    %swap3A_40 = arith.constant 80 : index
    %swap3A_41 = tpu.vector_load %arg6[%swap3A_40] {strides = array<i32>} : memref<128xf32, #tpu.memory_space<vmem>>, vector<16xf32>,
    %swap3A_42 = vector.shape_cast %swap3A_41 : vector<16xf32> to vector<16xf32>
    %swap3A_43 = vector.shape_cast %broadcast_in_dim3A_39 : vector<16xf32> to vector<16xf32>
    tpu.vector_store %arg6[%swap3A_40], %swap3A_43 {strides = array<i32>} : memref<128xf32, #tpu.memory_space<vmem>>, vector<16xf32>,
    %broadcast_in_dim3A_44 = arith.constant 1.000000e+00 : f32
    %broadcast_in_dim3A_45 = vector.broadcast %broadcast_in_dim3A_44 : f32 to vector<16xf32>
    %swap3A_46 = arith.constant 96 : index
    %swap3A_47 = tpu.vector_load %arg6[%swap3A_46] {strides = array<i32>} : memref<128xf32, #tpu.memory_space<vmem>>, vector<16xf32>,
    %swap3A_48 = vector.shape_cast %swap3A_47 : vector<16xf32> to vector<16xf32>
    %swap3A_49 = vector.shape_cast %broadcast_in_dim3A_45 : vector<16xf32> to vector<16xf32>
    tpu.vector_store %arg6[%swap3A_46], %swap3A_49 {strides = array<i32>} : memref<128xf32, #tpu.memory_space<vmem>>, vector<16xf32>,
    %broadcast_in_dim3A_50 = arith.constant 1.000000e+00 : f32
    %broadcast_in_dim3A_51 = vector.broadcast %broadcast_in_dim3A_50 : f32 to vector<16xf32>
    %swap3A_52 = arith.constant 112 : index
    %swap3A_53 = tpu.vector_load %arg6[%swap3A_52] {strides = array<i32>} : memref<128xf32, #tpu.memory_space<vmem>>, vector<16xf32>,
    %swap3A_54 = vector.shape_cast %swap3A_53 : vector<16xf32> to vector<16xf32>
    %swap3A_55 = vector.shape_cast %broadcast_in_dim3A_51 : vector<16xf32> to vector<16xf32>
    tpu.vector_store %arg6[%swap3A_52], %swap3A_55 {strides = array<i32>} : memref<128xf32, #tpu.memory_space<vmem>>, vector<16xf32>,
    %mul3A_56 = arith.constant 63232 : i32
    %mul3A_57 = arith.muli %arg1, %mul3A_56 : i32
    %multiple_of3A = tpu.assume_multiple %mul3A_57, 8 : i32
    %add3A_58 = arith.constant 0 : i32
    %add3A_59 = arith.addi %multiple_of3A, %add3A_58 : i32
    %dma_start3A = tpu.memref_slice %arg8[%add3A_59] : memref<1011712xf32, #tpu.memory_space<vmem_shared>> -> memref<3952xf32, #tpu.memory_space<vmem_shared>>
    %dma_start3A_60 = tpu.memref_slice %arg8[%add3A_59] : memref<1011712xf32, #tpu.memory_space<vmem_shared>> -> memref<3952xf32, #tpu.memory_space<vmem_shared>>
    tpu.enqueue_dma source(%arg7 : memref<3952xf32, #tpu.memory_space<vmem>>) target(%dma_start3A_60 : memref<3952xf32, #tpu.memory_space<vmem_shared>>) target_semaphore(%arg9 : memref<!tpu.dma_semaphore, #tpu.memory_space<semaphore_mem>>)
    %add3A_61 = arith.constant 3952 : i32
    %add3A_62 = arith.addi %multiple_of3A, %add3A_61 : i32
    %dma_start3A_63 = tpu.memref_slice %arg8[%add3A_62] : memref<1011712xf32, #tpu.memory_space<vmem_shared>> -> memref<3952xf32, #tpu.memory_space<vmem_shared>>
    %dma_start3A_64 = tpu.memref_slice %arg8[%add3A_62] : memref<1011712xf32, #tpu.memory_space<vmem_shared>> -> memref<3952xf32, #tpu.memory_space<vmem_shared>>
    tpu.enqueue_dma source(%arg7 : memref<3952xf32, #tpu.memory_space<vmem>>) target(%dma_start3A_64 : memref<3952xf32, #tpu.memory_space<vmem_shared>>) target_semaphore(%arg9 : memref<!tpu.dma_semaphore, #tpu.memory_space<semaphore_mem>>)
    %add3A_65 = arith.constant 7904 : i32
    %add3A_66 = arith.addi %multiple_of3A, %add3A_65 : i32
    %dma_start3A_67 = tpu.memref_slice %arg8[%add3A_66] : memref<1011712xf32, #tpu.memory_space<vmem_shared>> -> memref<3952xf32, #tpu.memory_space<vmem_shared>>
    %dma_start3A_68 = tpu.memref_slice %arg8[%add3A_66] : memref<1011712xf32, #tpu.memory_space<vmem_shared>> -> memref<3952xf32, #tpu.memory_space<vmem_shared>>
    tpu.enqueue_dma source(%arg7 : memref<3952xf32, #tpu.memory_space<vmem>>) target(%dma_start3A_68 : memref<3952xf32, #tpu.memory_space<vmem_shared>>) target_semaphore(%arg9 : memref<!tpu.dma_semaphore, #tpu.memory_space<semaphore_mem>>)
    %add3A_69 = arith.constant 11856 : i32
    %add3A_70 = arith.addi %multiple_of3A, %add3A_69 : i32
    %dma_start3A_71 = tpu.memref_slice %arg8[%add3A_70] : memref<1011712xf32, #tpu.memory_space<vmem_shared>> -> memref<3952xf32, #tpu.memory_space<vmem_shared>>
    %dma_start3A_72 = tpu.memref_slice %arg8[%add3A_70] : memref<1011712xf32, #tpu.memory_space<vmem_shared>> -> memref<3952xf32, #tpu.memory_space<vmem_shared>>
    tpu.enqueue_dma source(%arg7 : memref<3952xf32, #tpu.memory_space<vmem>>) target(%dma_start3A_72 : memref<3952xf32, #tpu.memory_space<vmem_shared>>) target_semaphore(%arg9 : memref<!tpu.dma_semaphore, #tpu.memory_space<semaphore_mem>>)
    %add3A_73 = arith.constant 15808 : i32
    %add3A_74 = arith.addi %multiple_of3A, %add3A_73 : i32
    %dma_start3A_75 = tpu.memref_slice %arg8[%add3A_74] : memref<1011712xf32, #tpu.memory_space<vmem_shared>> -> memref<3952xf32, #tpu.memory_space<vmem_shared>>
    %dma_start3A_76 = tpu.memref_slice %arg8[%add3A_74] : memref<1011712xf32, #tpu.memory_space<vmem_shared>> -> memref<3952xf32, #tpu.memory_space<vmem_shared>>
    tpu.enqueue_dma source(%arg7 : memref<3952xf32, #tpu.memory_space<vmem>>) target(%dma_start3A_76 : memref<3952xf32, #tpu.memory_space<vmem_shared>>) target_semaphore(%arg9 : memref<!tpu.dma_semaphore, #tpu.memory_space<semaphore_mem>>)
    %add3A_77 = arith.constant 19760 : i32
    %add3A_78 = arith.addi %multiple_of3A, %add3A_77 : i32
    %dma_start3A_79 = tpu.memref_slice %arg8[%add3A_78] : memref<1011712xf32, #tpu.memory_space<vmem_shared>> -> memref<3952xf32, #tpu.memory_space<vmem_shared>>
    %dma_start3A_80 = tpu.memref_slice %arg8[%add3A_78] : memref<1011712xf32, #tpu.memory_space<vmem_shared>> -> memref<3952xf32, #tpu.memory_space<vmem_shared>>
    tpu.enqueue_dma source(%arg7 : memref<3952xf32, #tpu.memory_space<vmem>>) target(%dma_start3A_80 : memref<3952xf32, #tpu.memory_space<vmem_shared>>) target_semaphore(%arg9 : memref<!tpu.dma_semaphore, #tpu.memory_space<semaphore_mem>>)
    %add3A_81 = arith.constant 23712 : i32
    %add3A_82 = arith.addi %multiple_of3A, %add3A_81 : i32
    %dma_start3A_83 = tpu.memref_slice %arg8[%add3A_82] : memref<1011712xf32, #tpu.memory_space<vmem_shared>> -> memref<3952xf32, #tpu.memory_space<vmem_shared>>
    %dma_start3A_84 = tpu.memref_slice %arg8[%add3A_82] : memref<1011712xf32, #tpu.memory_space<vmem_shared>> -> memref<3952xf32, #tpu.memory_space<vmem_shared>>
    tpu.enqueue_dma source(%arg7 : memref<3952xf32, #tpu.memory_space<vmem>>) target(%dma_start3A_84 : memref<3952xf32, #tpu.memory_space<vmem_shared>>) target_semaphore(%arg9 : memref<!tpu.dma_semaphore, #tpu.memory_space<semaphore_mem>>)
    %add3A_85 = arith.constant 27664 : i32
    %add3A_86 = arith.addi %multiple_of3A, %add3A_85 : i32
    %dma_start3A_87 = tpu.memref_slice %arg8[%add3A_86] : memref<1011712xf32, #tpu.memory_space<vmem_shared>> -> memref<3952xf32, #tpu.memory_space<vmem_shared>>
    %dma_start3A_88 = tpu.memref_slice %arg8[%add3A_86] : memref<1011712xf32, #tpu.memory_space<vmem_shared>> -> memref<3952xf32, #tpu.memory_space<vmem_shared>>
    tpu.enqueue_dma source(%arg7 : memref<3952xf32, #tpu.memory_space<vmem>>) target(%dma_start3A_88 : memref<3952xf32, #tpu.memory_space<vmem_shared>>) target_semaphore(%arg9 : memref<!tpu.dma_semaphore, #tpu.memory_space<semaphore_mem>>)
    %add3A_89 = arith.constant 31616 : i32
    %add3A_90 = arith.addi %multiple_of3A, %add3A_89 : i32
    %dma_start3A_91 = tpu.memref_slice %arg8[%add3A_90] : memref<1011712xf32, #tpu.memory_space<vmem_shared>> -> memref<3952xf32, #tpu.memory_space<vmem_shared>>
    %dma_start3A_92 = tpu.memref_slice %arg8[%add3A_90] : memref<1011712xf32, #tpu.memory_space<vmem_shared>> -> memref<3952xf32, #tpu.memory_space<vmem_shared>>
    tpu.enqueue_dma source(%arg7 : memref<3952xf32, #tpu.memory_space<vmem>>) target(%dma_start3A_92 : memref<3952xf32, #tpu.memory_space<vmem_shared>>) target_semaphore(%arg9 : memref<!tpu.dma_semaphore, #tpu.memory_space<semaphore_mem>>)
    %add3A_93 = arith.constant 35568 : i32
    %add3A_94 = arith.addi %multiple_of3A, %add3A_93 : i32
    %dma_start3A_95 = tpu.memref_slice %arg8[%add3A_94] : memref<1011712xf32, #tpu.memory_space<vmem_shared>> -> memref<3952xf32, #tpu.memory_space<vmem_shared>>
    %dma_start3A_96 = tpu.memref_slice %arg8[%add3A_94] : memref<1011712xf32, #tpu.memory_space<vmem_shared>> -> memref<3952xf32, #tpu.memory_space<vmem_shared>>
    tpu.enqueue_dma source(%arg7 : memref<3952xf32, #tpu.memory_space<vmem>>) target(%dma_start3A_96 : memref<3952xf32, #tpu.memory_space<vmem_shared>>) target_semaphore(%arg9 : memref<!tpu.dma_semaphore, #tpu.memory_space<semaphore_mem>>)
    %add3A_97 = arith.constant 39520 : i32
    %add3A_98 = arith.addi %multiple_of3A, %add3A_97 : i32
    %dma_start3A_99 = tpu.memref_slice %arg8[%add3A_98] : memref<1011712xf32, #tpu.memory_space<vmem_shared>> -> memref<3952xf32, #tpu.memory_space<vmem_shared>>
    %dma_start3A_100 = tpu.memref_slice %arg8[%add3A_98] : memref<1011712xf32, #tpu.memory_space<vmem_shared>> -> memref<3952xf32, #tpu.memory_space<vmem_shared>>
    tpu.enqueue_dma source(%arg7 : memref<3952xf32, #tpu.memory_space<vmem>>) target(%dma_start3A_100 : memref<3952xf32, #tpu.memory_space<vmem_shared>>) target_semaphore(%arg9 : memref<!tpu.dma_semaphore, #tpu.memory_space<semaphore_mem>>)
    %add3A_101 = arith.constant 43472 : i32
    %add3A_102 = arith.addi %multiple_of3A, %add3A_101 : i32
    %dma_start3A_103 = tpu.memref_slice %arg8[%add3A_102] : memref<1011712xf32, #tpu.memory_space<vmem_shared>> -> memref<3952xf32, #tpu.memory_space<vmem_shared>>
    %dma_start3A_104 = tpu.memref_slice %arg8[%add3A_102] : memref<1011712xf32, #tpu.memory_space<vmem_shared>> -> memref<3952xf32, #tpu.memory_space<vmem_shared>>
    tpu.enqueue_dma source(%arg7 : memref<3952xf32, #tpu.memory_space<vmem>>) target(%dma_start3A_104 : memref<3952xf32, #tpu.memory_space<vmem_shared>>) target_semaphore(%arg9 : memref<!tpu.dma_semaphore, #tpu.memory_space<semaphore_mem>>)
    %add3A_105 = arith.constant 47424 : i32
    %add3A_106 = arith.addi %multiple_of3A, %add3A_105 : i32
    %dma_start3A_107 = tpu.memref_slice %arg8[%add3A_106] : memref<1011712xf32, #tpu.memory_space<vmem_shared>> -> memref<3952xf32, #tpu.memory_space<vmem_shared>>
    %dma_start3A_108 = tpu.memref_slice %arg8[%add3A_106] : memref<1011712xf32, #tpu.memory_space<vmem_shared>> -> memref<3952xf32, #tpu.memory_space<vmem_shared>>
    tpu.enqueue_dma source(%arg7 : memref<3952xf32, #tpu.memory_space<vmem>>) target(%dma_start3A_108 : memref<3952xf32, #tpu.memory_space<vmem_shared>>) target_semaphore(%arg9 : memref<!tpu.dma_semaphore, #tpu.memory_space<semaphore_mem>>)
    %add3A_109 = arith.constant 51376 : i32
    %add3A_110 = arith.addi %multiple_of3A, %add3A_109 : i32
    %dma_start3A_111 = tpu.memref_slice %arg8[%add3A_110] : memref<1011712xf32, #tpu.memory_space<vmem_shared>> -> memref<3952xf32, #tpu.memory_space<vmem_shared>>
    %dma_start3A_112 = tpu.memref_slice %arg8[%add3A_110] : memref<1011712xf32, #tpu.memory_space<vmem_shared>> -> memref<3952xf32, #tpu.memory_space<vmem_shared>>
    tpu.enqueue_dma source(%arg7 : memref<3952xf32, #tpu.memory_space<vmem>>) target(%dma_start3A_112 : memref<3952xf32, #tpu.memory_space<vmem_shared>>) target_semaphore(%arg9 : memref<!tpu.dma_semaphore, #tpu.memory_space<semaphore_mem>>)
    %add3A_113 = arith.constant 55328 : i32
    %add3A_114 = arith.addi %multiple_of3A, %add3A_113 : i32
    %dma_start3A_115 = tpu.memref_slice %arg8[%add3A_114] : memref<1011712xf32, #tpu.memory_space<vmem_shared>> -> memref<3952xf32, #tpu.memory_space<vmem_shared>>
    %dma_start3A_116 = tpu.memref_slice %arg8[%add3A_114] : memref<1011712xf32, #tpu.memory_space<vmem_shared>> -> memref<3952xf32, #tpu.memory_space<vmem_shared>>
    tpu.enqueue_dma source(%arg7 : memref<3952xf32, #tpu.memory_space<vmem>>) target(%dma_start3A_116 : memref<3952xf32, #tpu.memory_space<vmem_shared>>) target_semaphore(%arg9 : memref<!tpu.dma_semaphore, #tpu.memory_space<semaphore_mem>>)
    %add3A_117 = arith.constant 59280 : i32
    %add3A_118 = arith.addi %multiple_of3A, %add3A_117 : i32
    %dma_start3A_119 = tpu.memref_slice %arg8[%add3A_118] : memref<1011712xf32, #tpu.memory_space<vmem_shared>> -> memref<3952xf32, #tpu.memory_space<vmem_shared>>
    %dma_start3A_120 = tpu.memref_slice %arg8[%add3A_118] : memref<1011712xf32, #tpu.memory_space<vmem_shared>> -> memref<3952xf32, #tpu.memory_space<vmem_shared>>
    tpu.enqueue_dma source(%arg7 : memref<3952xf32, #tpu.memory_space<vmem>>) target(%dma_start3A_120 : memref<3952xf32, #tpu.memory_space<vmem_shared>>) target_semaphore(%arg9 : memref<!tpu.dma_semaphore, #tpu.memory_space<semaphore_mem>>)
    %dma_wait3A = tpu.memref_slice %arg8[%add3A_59] : memref<1011712xf32, #tpu.memory_space<vmem_shared>> -> memref<3952xf32, #tpu.memory_space<vmem_shared>>
    %dma_wait3A_121 = tpu.memref_slice %arg8[%add3A_59] : memref<1011712xf32, #tpu.memory_space<vmem_shared>> -> memref<3952xf32, #tpu.memory_space<vmem_shared>>
    tpu.wait_dma2 semaphore(%arg9 : memref<!tpu.dma_semaphore, #tpu.memory_space<semaphore_mem>>) src(%arg7 : memref<3952xf32, #tpu.memory_space<vmem>>) dst(%dma_wait3A_121 : memref<3952xf32, #tpu.memory_space<vmem_shared>>)
    %dma_wait3A_122 = tpu.memref_slice %arg8[%add3A_62] : memref<1011712xf32, #tpu.memory_space<vmem_shared>> -> memref<3952xf32, #tpu.memory_space<vmem_shared>>
    %dma_wait3A_123 = tpu.memref_slice %arg8[%add3A_62] : memref<1011712xf32, #tpu.memory_space<vmem_shared>> -> memref<3952xf32, #tpu.memory_space<vmem_shared>>
    tpu.wait_dma2 semaphore(%arg9 : memref<!tpu.dma_semaphore, #tpu.memory_space<semaphore_mem>>) src(%arg7 : memref<3952xf32, #tpu.memory_space<vmem>>) dst(%dma_wait3A_123 : memref<3952xf32, #tpu.memory_space<vmem_shared>>)
    %dma_wait3A_124 = tpu.memref_slice %arg8[%add3A_66] : memref<1011712xf32, #tpu.memory_space<vmem_shared>> -> memref<3952xf32, #tpu.memory_space<vmem_shared>>
    %dma_wait3A_125 = tpu.memref_slice %arg8[%add3A_66] : memref<1011712xf32, #tpu.memory_space<vmem_shared>> -> memref<3952xf32, #tpu.memory_space<vmem_shared>>
    tpu.wait_dma2 semaphore(%arg9 : memref<!tpu.dma_semaphore, #tpu.memory_space<semaphore_mem>>) src(%arg7 : memref<3952xf32, #tpu.memory_space<vmem>>) dst(%dma_wait3A_125 : memref<3952xf32, #tpu.memory_space<vmem_shared>>)
    %dma_wait3A_126 = tpu.memref_slice %arg8[%add3A_70] : memref<1011712xf32, #tpu.memory_space<vmem_shared>> -> memref<3952xf32, #tpu.memory_space<vmem_shared>>
    %dma_wait3A_127 = tpu.memref_slice %arg8[%add3A_70] : memref<1011712xf32, #tpu.memory_space<vmem_shared>> -> memref<3952xf32, #tpu.memory_space<vmem_shared>>
    tpu.wait_dma2 semaphore(%arg9 : memref<!tpu.dma_semaphore, #tpu.memory_space<semaphore_mem>>) src(%arg7 : memref<3952xf32, #tpu.memory_space<vmem>>) dst(%dma_wait3A_127 : memref<3952xf32, #tpu.memory_space<vmem_shared>>)
    %dma_wait3A_128 = tpu.memref_slice %arg8[%add3A_74] : memref<1011712xf32, #tpu.memory_space<vmem_shared>> -> memref<3952xf32, #tpu.memory_space<vmem_shared>>
    %dma_wait3A_129 = tpu.memref_slice %arg8[%add3A_74] : memref<1011712xf32, #tpu.memory_space<vmem_shared>> -> memref<3952xf32, #tpu.memory_space<vmem_shared>>
    tpu.wait_dma2 semaphore(%arg9 : memref<!tpu.dma_semaphore, #tpu.memory_space<semaphore_mem>>) src(%arg7 : memref<3952xf32, #tpu.memory_space<vmem>>) dst(%dma_wait3A_129 : memref<3952xf32, #tpu.memory_space<vmem_shared>>)
    %dma_wait3A_130 = tpu.memref_slice %arg8[%add3A_78] : memref<1011712xf32, #tpu.memory_space<vmem_shared>> -> memref<3952xf32, #tpu.memory_space<vmem_shared>>
    %dma_wait3A_131 = tpu.memref_slice %arg8[%add3A_78] : memref<1011712xf32, #tpu.memory_space<vmem_shared>> -> memref<3952xf32, #tpu.memory_space<vmem_shared>>
    tpu.wait_dma2 semaphore(%arg9 : memref<!tpu.dma_semaphore, #tpu.memory_space<semaphore_mem>>) src(%arg7 : memref<3952xf32, #tpu.memory_space<vmem>>) dst(%dma_wait3A_131 : memref<3952xf32, #tpu.memory_space<vmem_shared>>)
    %dma_wait3A_132 = tpu.memref_slice %arg8[%add3A_82] : memref<1011712xf32, #tpu.memory_space<vmem_shared>> -> memref<3952xf32, #tpu.memory_space<vmem_shared>>
    %dma_wait3A_133 = tpu.memref_slice %arg8[%add3A_82] : memref<1011712xf32, #tpu.memory_space<vmem_shared>> -> memref<3952xf32, #tpu.memory_space<vmem_shared>>
    tpu.wait_dma2 semaphore(%arg9 : memref<!tpu.dma_semaphore, #tpu.memory_space<semaphore_mem>>) src(%arg7 : memref<3952xf32, #tpu.memory_space<vmem>>) dst(%dma_wait3A_133 : memref<3952xf32, #tpu.memory_space<vmem_shared>>)
    %dma_wait3A_134 = tpu.memref_slice %arg8[%add3A_86] : memref<1011712xf32, #tpu.memory_space<vmem_shared>> -> memref<3952xf32, #tpu.memory_space<vmem_shared>>
    %dma_wait3A_135 = tpu.memref_slice %arg8[%add3A_86] : memref<1011712xf32, #tpu.memory_space<vmem_shared>> -> memref<3952xf32, #tpu.memory_space<vmem_shared>>
    tpu.wait_dma2 semaphore(%arg9 : memref<!tpu.dma_semaphore, #tpu.memory_space<semaphore_mem>>) src(%arg7 : memref<3952xf32, #tpu.memory_space<vmem>>) dst(%dma_wait3A_135 : memref<3952xf32, #tpu.memory_space<vmem_shared>>)
    %dma_wait3A_136 = tpu.memref_slice %arg8[%add3A_90] : memref<1011712xf32, #tpu.memory_space<vmem_shared>> -> memref<3952xf32, #tpu.memory_space<vmem_shared>>
    %dma_wait3A_137 = tpu.memref_slice %arg8[%add3A_90] : memref<1011712xf32, #tpu.memory_space<vmem_shared>> -> memref<3952xf32, #tpu.memory_space<vmem_shared>>
    tpu.wait_dma2 semaphore(%arg9 : memref<!tpu.dma_semaphore, #tpu.memory_space<semaphore_mem>>) src(%arg7 : memref<3952xf32, #tpu.memory_space<vmem>>) dst(%dma_wait3A_137 : memref<3952xf32, #tpu.memory_space<vmem_shared>>)
    %dma_wait3A_138 = tpu.memref_slice %arg8[%add3A_94] : memref<1011712xf32, #tpu.memory_space<vmem_shared>> -> memref<3952xf32, #tpu.memory_space<vmem_shared>>
    %dma_wait3A_139 = tpu.memref_slice %arg8[%add3A_94] : memref<1011712xf32, #tpu.memory_space<vmem_shared>> -> memref<3952xf32, #tpu.memory_space<vmem_shared>>
    tpu.wait_dma2 semaphore(%arg9 : memref<!tpu.dma_semaphore, #tpu.memory_space<semaphore_mem>>) src(%arg7 : memref<3952xf32, #tpu.memory_space<vmem>>) dst(%dma_wait3A_139 : memref<3952xf32, #tpu.memory_space<vmem_shared>>)
    %dma_wait3A_140 = tpu.memref_slice %arg8[%add3A_98] : memref<1011712xf32, #tpu.memory_space<vmem_shared>> -> memref<3952xf32, #tpu.memory_space<vmem_shared>>
    %dma_wait3A_141 = tpu.memref_slice %arg8[%add3A_98] : memref<1011712xf32, #tpu.memory_space<vmem_shared>> -> memref<3952xf32, #tpu.memory_space<vmem_shared>>
    tpu.wait_dma2 semaphore(%arg9 : memref<!tpu.dma_semaphore, #tpu.memory_space<semaphore_mem>>) src(%arg7 : memref<3952xf32, #tpu.memory_space<vmem>>) dst(%dma_wait3A_141 : memref<3952xf32, #tpu.memory_space<vmem_shared>>)
    %dma_wait3A_142 = tpu.memref_slice %arg8[%add3A_102] : memref<1011712xf32, #tpu.memory_space<vmem_shared>> -> memref<3952xf32, #tpu.memory_space<vmem_shared>>
    %dma_wait3A_143 = tpu.memref_slice %arg8[%add3A_102] : memref<1011712xf32, #tpu.memory_space<vmem_shared>> -> memref<3952xf32, #tpu.memory_space<vmem_shared>>
    tpu.wait_dma2 semaphore(%arg9 : memref<!tpu.dma_semaphore, #tpu.memory_space<semaphore_mem>>) src(%arg7 : memref<3952xf32, #tpu.memory_space<vmem>>) dst(%dma_wait3A_143 : memref<3952xf32, #tpu.memory_space<vmem_shared>>)
    %dma_wait3A_144 = tpu.memref_slice %arg8[%add3A_106] : memref<1011712xf32, #tpu.memory_space<vmem_shared>> -> memref<3952xf32, #tpu.memory_space<vmem_shared>>
    %dma_wait3A_145 = tpu.memref_slice %arg8[%add3A_106] : memref<1011712xf32, #tpu.memory_space<vmem_shared>> -> memref<3952xf32, #tpu.memory_space<vmem_shared>>
    tpu.wait_dma2 semaphore(%arg9 : memref<!tpu.dma_semaphore, #tpu.memory_space<semaphore_mem>>) src(%arg7 : memref<3952xf32, #tpu.memory_space<vmem>>) dst(%dma_wait3A_145 : memref<3952xf32, #tpu.memory_space<vmem_shared>>)
    %dma_wait3A_146 = tpu.memref_slice %arg8[%add3A_110] : memref<1011712xf32, #tpu.memory_space<vmem_shared>> -> memref<3952xf32, #tpu.memory_space<vmem_shared>>
    %dma_wait3A_147 = tpu.memref_slice %arg8[%add3A_110] : memref<1011712xf32, #tpu.memory_space<vmem_shared>> -> memref<3952xf32, #tpu.memory_space<vmem_shared>>
    tpu.wait_dma2 semaphore(%arg9 : memref<!tpu.dma_semaphore, #tpu.memory_space<semaphore_mem>>) src(%arg7 : memref<3952xf32, #tpu.memory_space<vmem>>) dst(%dma_wait3A_147 : memref<3952xf32, #tpu.memory_space<vmem_shared>>)
    %dma_wait3A_148 = tpu.memref_slice %arg8[%add3A_114] : memref<1011712xf32, #tpu.memory_space<vmem_shared>> -> memref<3952xf32, #tpu.memory_space<vmem_shared>>
    %dma_wait3A_149 = tpu.memref_slice %arg8[%add3A_114] : memref<1011712xf32, #tpu.memory_space<vmem_shared>> -> memref<3952xf32, #tpu.memory_space<vmem_shared>>
    tpu.wait_dma2 semaphore(%arg9 : memref<!tpu.dma_semaphore, #tpu.memory_space<semaphore_mem>>) src(%arg7 : memref<3952xf32, #tpu.memory_space<vmem>>) dst(%dma_wait3A_149 : memref<3952xf32, #tpu.memory_space<vmem_shared>>)
    %dma_wait3A_150 = tpu.memref_slice %arg8[%add3A_118] : memref<1011712xf32, #tpu.memory_space<vmem_shared>> -> memref<3952xf32, #tpu.memory_space<vmem_shared>>
    %dma_wait3A_151 = tpu.memref_slice %arg8[%add3A_118] : memref<1011712xf32, #tpu.memory_space<vmem_shared>> -> memref<3952xf32, #tpu.memory_space<vmem_shared>>
    tpu.wait_dma2 semaphore(%arg9 : memref<!tpu.dma_semaphore, #tpu.memory_space<semaphore_mem>>) src(%arg7 : memref<3952xf32, #tpu.memory_space<vmem>>) dst(%dma_wait3A_151 : memref<3952xf32, #tpu.memory_space<vmem_shared>>)
    %barrier3A = arith.constant 0 : index
    tpu.barrier barrier_id(%barrier3A)
    %dma_start3A_152 = arith.constant 0 : i32
    %dma_start3A_153 = arith.constant 0 : i32
    %dma_start3A_154 = tpu.memref_slice %arg5[%dma_start3A_152, %dma_start3A_153] : memref<4x128xi32, #tpu.memory_space<vmem>> -> memref<1x128xi32, #tpu.memory_space<vmem>>
    %dma_start3A_155 = tpu.memref_squeeze %dma_start3A_154 : memref<1x128xi32, #tpu.memory_space<vmem>> -> memref<128xi32, #tpu.memory_space<vmem>>
    %dma_start3A_156 = arith.constant 0 : i32
    %dma_start3A_157 = tpu.memref_slice %arg8[%dma_start3A_156] : memref<1011712xf32, #tpu.memory_space<vmem_shared>> -> memref<1011712xf32, #tpu.memory_space<vmem_shared>>
    tpu.enqueue_indirect_dma source(%arg6 : memref<128xf32, #tpu.memory_space<vmem>>) target(%dma_start3A_157 : memref<1011712xf32, #tpu.memory_space<vmem_shared>>) offsets(%dma_start3A_155 : memref<128xi32, #tpu.memory_space<vmem>>) semaphore(%arg9 : memref<!tpu.dma_semaphore, #tpu.memory_space<semaphore_mem>>) {add = true}
    %dma_start3A_158 = arith.constant 1 : i32
    %dma_start3A_159 = arith.constant 0 : i32
    %dma_start3A_160 = tpu.memref_slice %arg5[%dma_start3A_158, %dma_start3A_159] : memref<4x128xi32, #tpu.memory_space<vmem>> -> memref<1x128xi32, #tpu.memory_space<vmem>>
    %dma_start3A_161 = tpu.memref_squeeze %dma_start3A_160 : memref<1x128xi32, #tpu.memory_space<vmem>> -> memref<128xi32, #tpu.memory_space<vmem>>
    %dma_start3A_162 = arith.constant 0 : i32
    %dma_start3A_163 = tpu.memref_slice %arg8[%dma_start3A_162] : memref<1011712xf32, #tpu.memory_space<vmem_shared>> -> memref<1011712xf32, #tpu.memory_space<vmem_shared>>
    tpu.enqueue_indirect_dma source(%arg6 : memref<128xf32, #tpu.memory_space<vmem>>) target(%dma_start3A_163 : memref<1011712xf32, #tpu.memory_space<vmem_shared>>) offsets(%dma_start3A_161 : memref<128xi32, #tpu.memory_space<vmem>>) semaphore(%arg9 : memref<!tpu.dma_semaphore, #tpu.memory_space<semaphore_mem>>) {add = true}
    %dma_start3A_164 = arith.constant 2 : i32
    %dma_start3A_165 = arith.constant 0 : i32
    %dma_start3A_166 = tpu.memref_slice %arg5[%dma_start3A_164, %dma_start3A_165] : memref<4x128xi32, #tpu.memory_space<vmem>> -> memref<1x128xi32, #tpu.memory_space<vmem>>
    %dma_start3A_167 = tpu.memref_squeeze %dma_start3A_166 : memref<1x128xi32, #tpu.memory_space<vmem>> -> memref<128xi32, #tpu.memory_space<vmem>>
    %dma_start3A_168 = arith.constant 0 : i32
    %dma_start3A_169 = tpu.memref_slice %arg8[%dma_start3A_168] : memref<1011712xf32, #tpu.memory_space<vmem_shared>> -> memref<1011712xf32, #tpu.memory_space<vmem_shared>>
    tpu.enqueue_indirect_dma source(%arg6 : memref<128xf32, #tpu.memory_space<vmem>>) target(%dma_start3A_169 : memref<1011712xf32, #tpu.memory_space<vmem_shared>>) offsets(%dma_start3A_167 : memref<128xi32, #tpu.memory_space<vmem>>) semaphore(%arg9 : memref<!tpu.dma_semaphore, #tpu.memory_space<semaphore_mem>>) {add = true}
    %dma_start3A_170 = arith.constant 3 : i32
    %dma_start3A_171 = arith.constant 0 : i32
    %dma_start3A_172 = tpu.memref_slice %arg5[%dma_start3A_170, %dma_start3A_171] : memref<4x128xi32, #tpu.memory_space<vmem>> -> memref<1x128xi32, #tpu.memory_space<vmem>>
    %dma_start3A_173 = tpu.memref_squeeze %dma_start3A_172 : memref<1x128xi32, #tpu.memory_space<vmem>> -> memref<128xi32, #tpu.memory_space<vmem>>
    %dma_start3A_174 = arith.constant 0 : i32
    %dma_start3A_175 = tpu.memref_slice %arg8[%dma_start3A_174] : memref<1011712xf32, #tpu.memory_space<vmem_shared>> -> memref<1011712xf32, #tpu.memory_space<vmem_shared>>
    tpu.enqueue_indirect_dma source(%arg6 : memref<128xf32, #tpu.memory_space<vmem>>) target(%dma_start3A_175 : memref<1011712xf32, #tpu.memory_space<vmem_shared>>) offsets(%dma_start3A_173 : memref<128xi32, #tpu.memory_space<vmem>>) semaphore(%arg9 : memref<!tpu.dma_semaphore, #tpu.memory_space<semaphore_mem>>) {add = true}
    %dma_wait3A_176 = arith.constant 0 : i32
    %dma_wait3A_177 = arith.constant 0 : i32
    %dma_wait3A_178 = tpu.memref_slice %arg5[%dma_wait3A_176, %dma_wait3A_177] : memref<4x128xi32, #tpu.memory_space<vmem>> -> memref<1x128xi32, #tpu.memory_space<vmem>>
    %dma_wait3A_179 = tpu.memref_squeeze %dma_wait3A_178 : memref<1x128xi32, #tpu.memory_space<vmem>> -> memref<128xi32, #tpu.memory_space<vmem>>
    %dma_wait3A_180 = arith.constant 0 : i32
    %dma_wait3A_181 = tpu.memref_slice %arg8[%dma_wait3A_180] : memref<1011712xf32, #tpu.memory_space<vmem_shared>> -> memref<1011712xf32, #tpu.memory_space<vmem_shared>>
    tpu.wait_indirect_dma semaphore(%arg9 : memref<!tpu.dma_semaphore, #tpu.memory_space<semaphore_mem>>) src(%arg6 : memref<128xf32, #tpu.memory_space<vmem>>) dst(%dma_wait3A_181 : memref<1011712xf32, #tpu.memory_space<vmem_shared>>)
    %dma_wait3A_182 = arith.constant 1 : i32
    %dma_wait3A_183 = arith.constant 0 : i32
    %dma_wait3A_184 = tpu.memref_slice %arg5[%dma_wait3A_182, %dma_wait3A_183] : memref<4x128xi32, #tpu.memory_space<vmem>> -> memref<1x128xi32, #tpu.memory_space<vmem>>
    %dma_wait3A_185 = tpu.memref_squeeze %dma_wait3A_184 : memref<1x128xi32, #tpu.memory_space<vmem>> -> memref<128xi32, #tpu.memory_space<vmem>>
    %dma_wait3A_186 = arith.constant 0 : i32
    %dma_wait3A_187 = tpu.memref_slice %arg8[%dma_wait3A_186] : memref<1011712xf32, #tpu.memory_space<vmem_shared>> -> memref<1011712xf32, #tpu.memory_space<vmem_shared>>
    tpu.wait_indirect_dma semaphore(%arg9 : memref<!tpu.dma_semaphore, #tpu.memory_space<semaphore_mem>>) src(%arg6 : memref<128xf32, #tpu.memory_space<vmem>>) dst(%dma_wait3A_187 : memref<1011712xf32, #tpu.memory_space<vmem_shared>>)
    %dma_wait3A_188 = arith.constant 2 : i32
    %dma_wait3A_189 = arith.constant 0 : i32
    %dma_wait3A_190 = tpu.memref_slice %arg5[%dma_wait3A_188, %dma_wait3A_189] : memref<4x128xi32, #tpu.memory_space<vmem>> -> memref<1x128xi32, #tpu.memory_space<vmem>>
    %dma_wait3A_191 = tpu.memref_squeeze %dma_wait3A_190 : memref<1x128xi32, #tpu.memory_space<vmem>> -> memref<128xi32, #tpu.memory_space<vmem>>
    %dma_wait3A_192 = arith.constant 0 : i32
    %dma_wait3A_193 = tpu.memref_slice %arg8[%dma_wait3A_192] : memref<1011712xf32, #tpu.memory_space<vmem_shared>> -> memref<1011712xf32, #tpu.memory_space<vmem_shared>>
    tpu.wait_indirect_dma semaphore(%arg9 : memref<!tpu.dma_semaphore, #tpu.memory_space<semaphore_mem>>) src(%arg6 : memref<128xf32, #tpu.memory_space<vmem>>) dst(%dma_wait3A_193 : memref<1011712xf32, #tpu.memory_space<vmem_shared>>)
    %dma_wait3A_194 = arith.constant 3 : i32
    %dma_wait3A_195 = arith.constant 0 : i32
    %dma_wait3A_196 = tpu.memref_slice %arg5[%dma_wait3A_194, %dma_wait3A_195] : memref<4x128xi32, #tpu.memory_space<vmem>> -> memref<1x128xi32, #tpu.memory_space<vmem>>
    %dma_wait3A_197 = tpu.memref_squeeze %dma_wait3A_196 : memref<1x128xi32, #tpu.memory_space<vmem>> -> memref<128xi32, #tpu.memory_space<vmem>>
    %dma_wait3A_198 = arith.constant 0 : i32
    %dma_wait3A_199 = tpu.memref_slice %arg8[%dma_wait3A_198] : memref<1011712xf32, #tpu.memory_space<vmem_shared>> -> memref<1011712xf32, #tpu.memory_space<vmem_shared>>
    tpu.wait_indirect_dma semaphore(%arg9 : memref<!tpu.dma_semaphore, #tpu.memory_space<semaphore_mem>>) src(%arg6 : memref<128xf32, #tpu.memory_space<vmem>>) dst(%dma_wait3A_199 : memref<1011712xf32, #tpu.memory_space<vmem_shared>>)
    %barrier3A_200 = arith.constant 0 : index
    tpu.barrier barrier_id(%barrier3A_200)
    %eq3A = arith.constant 0 : i32
    %eq3A_201 = arith.cmpi eq, %arg0, %eq3A : i32
    %convert_element_type3A = arith.extui %eq3A_201 : i1 to i32
    %cond3A = arith.constant 0 : i32
    %cond3A_202 = arith.cmpi ne, %convert_element_type3A, %cond3A : i32
    scf.if %cond3A_202 {
      "tpu.region"() ({
        %run_scoped3A = tpu.sem_alloc : memref<!tpu.dma_semaphore, #tpu.memory_space<semaphore_mem>>
        %dma_start3A_208 = tpu.memref_slice %arg3[%multiple_of3A] : memref<1011712xf32, #tpu.memory_space<hbm>> -> memref<63232xf32, #tpu.memory_space<hbm>>
        %dma_start3A_209 = tpu.memref_slice %arg8[%multiple_of3A] : memref<1011712xf32, #tpu.memory_space<vmem_shared>> -> memref<63232xf32, #tpu.memory_space<vmem_shared>>
        tpu.enqueue_dma source(%dma_start3A_209 : memref<63232xf32, #tpu.memory_space<vmem_shared>>) target(%dma_start3A_208 : memref<63232xf32, #tpu.memory_space<hbm>>) target_semaphore(%run_scoped3A : memref<!tpu.dma_semaphore, #tpu.memory_space<semaphore_mem>>)
        %dma_wait3A_210 = tpu.memref_slice %arg3[%multiple_of3A] : memref<1011712xf32, #tpu.memory_space<hbm>> -> memref<63232xf32, #tpu.memory_space<hbm>>
        %dma_wait3A_211 = tpu.memref_slice %arg8[%multiple_of3A] : memref<1011712xf32, #tpu.memory_space<vmem_shared>> -> memref<63232xf32, #tpu.memory_space<vmem_shared>>
        tpu.wait_dma2 semaphore(%run_scoped3A : memref<!tpu.dma_semaphore, #tpu.memory_space<semaphore_mem>>) src(%dma_wait3A_211 : memref<63232xf32, #tpu.memory_space<vmem_shared>>) dst(%dma_wait3A_210 : memref<63232xf32, #tpu.memory_space<hbm>>)
        tpu.yield
      }) : () -> ()
    } else {
    }
    %eq3A_203 = arith.constant 1 : i32
    %eq3A_204 = arith.cmpi eq, %arg0, %eq3A_203 : i32
    %convert_element_type3A_205 = arith.extui %eq3A_204 : i1 to i32
    %cond3A_206 = arith.constant 0 : i32
    %cond3A_207 = arith.cmpi ne, %convert_element_type3A_205, %cond3A_206 : i32
    scf.if %cond3A_207 {
      "tpu.region"() ({
        %run_scoped3A = tpu.sem_alloc : memref<!tpu.dma_semaphore, #tpu.memory_space<semaphore_mem>>
        %dma_start3A_208 = tpu.memref_slice %arg4[%multiple_of3A] : memref<1011712xf32, #tpu.memory_space<hbm>> -> memref<63232xf32, #tpu.memory_space<hbm>>
        %dma_start3A_209 = tpu.memref_slice %arg8[%multiple_of3A] : memref<1011712xf32, #tpu.memory_space<vmem_shared>> -> memref<63232xf32, #tpu.memory_space<vmem_shared>>
        tpu.enqueue_dma source(%dma_start3A_209 : memref<63232xf32, #tpu.memory_space<vmem_shared>>) target(%dma_start3A_208 : memref<63232xf32, #tpu.memory_space<hbm>>) target_semaphore(%run_scoped3A : memref<!tpu.dma_semaphore, #tpu.memory_space<semaphore_mem>>)
        %dma_wait3A_210 = tpu.memref_slice %arg4[%multiple_of3A] : memref<1011712xf32, #tpu.memory_space<hbm>> -> memref<63232xf32, #tpu.memory_space<hbm>>
        %dma_wait3A_211 = tpu.memref_slice %arg8[%multiple_of3A] : memref<1011712xf32, #tpu.memory_space<vmem_shared>> -> memref<63232xf32, #tpu.memory_space<vmem_shared>>
        tpu.wait_dma2 semaphore(%run_scoped3A : memref<!tpu.dma_semaphore, #tpu.memory_space<semaphore_mem>>) src(%dma_wait3A_211 : memref<63232xf32, #tpu.memory_space<vmem_shared>>) dst(%dma_wait3A_210 : memref<63232xf32, #tpu.memory_space<hbm>>)
        tpu.yield
      }) : () -> ()
    } else {
    }
    return
  }
}

module attributes {stable_mosaic.version = 14 : i64} {
  func.func @body(%arg0: i32, %arg1: memref<64x128xf32, #tpu.memory_space<vmem>>, %arg2: memref<64x1664xf32, #tpu.memory_space<vmem>>, %arg3: memref<13312xf32, #tpu.memory_space<vmem>>, %arg4: memref<13312xf32, #tpu.memory_space<vmem>>, %arg5: memref<64x1024xf32, #tpu.memory_space<vmem>>, %arg6: memref<1x1024xf32, #tpu.memory_space<vmem>>, %arg7: memref<1024x128xf32, #tpu.memory_space<vmem>>, %arg8: memref<1x128xf32, #tpu.memory_space<vmem>>, %arg9: memref<1x128xf32, #tpu.memory_space<vmem>>) attributes {dimension_semantics = [#tpu.dimension_semantics<arbitrary>], iteration_bounds = array<i64: 1>, scalar_prefetch = 0 : i64, scratch_operands = 0 : i64, tpu.core_type = #tpu.core_type<tc>, window_params = [{pipeline_mode = #tpu.pipeline_mode<synchronous>, transform_indices = @transform_0, window_bounds = array<i64: 64, 128>}, {transform_indices = @transform_1, window_bounds = array<i64: 64, 1664>}, {transform_indices = @transform_2, window_bounds = array<i64: 13312>}, {transform_indices = @transform_3, window_bounds = array<i64: 13312>}, {pipeline_mode = #tpu.pipeline_mode<synchronous>, transform_indices = @transform_4, window_bounds = array<i64: 64, 1024>}, {pipeline_mode = #tpu.pipeline_mode<synchronous>, transform_indices = @transform_5, window_bounds = array<i64: 1, 1024>}, {pipeline_mode = #tpu.pipeline_mode<synchronous>, transform_indices = @transform_6, window_bounds = array<i64: 1024, 128>}, {pipeline_mode = #tpu.pipeline_mode<synchronous>, transform_indices = @transform_7, window_bounds = array<i64: 1, 128>}, {pipeline_mode = #tpu.pipeline_mode<synchronous>, transform_indices = @transform_8, window_bounds = array<i64: 1, 128>}]} {
    %get3A = arith.constant 0 : index
    %get3A_0 = vector.load %arg3[%get3A] : memref<13312xf32, #tpu.memory_space<vmem>>, vector<1664xf32>
    %get3A_1 = arith.constant 0 : index
    %get3A_2 = vector.load %arg4[%get3A_1] : memref<13312xf32, #tpu.memory_space<vmem>>, vector<1664xf32>
    %add3A = arith.addf %get3A_0, %get3A_2 : vector<1664xf32>
    %get3A_3 = arith.constant 0 : index
    %get3A_4 = arith.constant 0 : index
    %get3A_5 = vector.load %arg2[%get3A_3, %get3A_4] : memref<64x1664xf32, #tpu.memory_space<vmem>>, vector<64x1664xf32>
    %get3A_6 = arith.constant 0 : index
    %get3A_7 = arith.constant 0 : index
    %get3A_8 = vector.load %arg1[%get3A_6, %get3A_7] : memref<64x128xf32, #tpu.memory_space<vmem>>, vector<64x128xf32>
    %slice3A = vector.extract_strided_slice %get3A_5 {offsets = [0, 0], sizes = [64, 128], strides = [1, 1]} : vector<64x1664xf32> to vector<64x128xf32>
    %slice3A_9 = vector.extract_strided_slice %add3A {offsets = [0], sizes = [128], strides = [1]} : vector<1664xf32> to vector<128xf32>
    %broadcast_in_dim3A = vector.shape_cast %slice3A_9 : vector<128xf32> to vector<1x128xf32>
    %mul3A = vector.broadcast %broadcast_in_dim3A : vector<1x128xf32> to vector<64x128xf32>
    %mul3A_10 = arith.mulf %slice3A, %mul3A : vector<64x128xf32>
    %add3A_11 = arith.addf %get3A_8, %mul3A_10 : vector<64x128xf32>
    %slice3A_12 = vector.extract_strided_slice %get3A_5 {offsets = [0, 128], sizes = [64, 128], strides = [1, 1]} : vector<64x1664xf32> to vector<64x128xf32>
    %slice3A_13 = vector.extract_strided_slice %add3A {offsets = [128], sizes = [128], strides = [1]} : vector<1664xf32> to vector<128xf32>
    %broadcast_in_dim3A_14 = vector.shape_cast %slice3A_13 : vector<128xf32> to vector<1x128xf32>
    %mul3A_15 = vector.broadcast %broadcast_in_dim3A_14 : vector<1x128xf32> to vector<64x128xf32>
    %mul3A_16 = arith.mulf %slice3A_12, %mul3A_15 : vector<64x128xf32>
    %add3A_17 = arith.addf %add3A_11, %mul3A_16 : vector<64x128xf32>
    %slice3A_18 = vector.extract_strided_slice %get3A_5 {offsets = [0, 256], sizes = [64, 128], strides = [1, 1]} : vector<64x1664xf32> to vector<64x128xf32>
    %slice3A_19 = vector.extract_strided_slice %add3A {offsets = [256], sizes = [128], strides = [1]} : vector<1664xf32> to vector<128xf32>
    %broadcast_in_dim3A_20 = vector.shape_cast %slice3A_19 : vector<128xf32> to vector<1x128xf32>
    %mul3A_21 = vector.broadcast %broadcast_in_dim3A_20 : vector<1x128xf32> to vector<64x128xf32>
    %mul3A_22 = arith.mulf %slice3A_18, %mul3A_21 : vector<64x128xf32>
    %add3A_23 = arith.addf %add3A_17, %mul3A_22 : vector<64x128xf32>
    %slice3A_24 = vector.extract_strided_slice %get3A_5 {offsets = [0, 384], sizes = [64, 128], strides = [1, 1]} : vector<64x1664xf32> to vector<64x128xf32>
    %slice3A_25 = vector.extract_strided_slice %add3A {offsets = [384], sizes = [128], strides = [1]} : vector<1664xf32> to vector<128xf32>
    %broadcast_in_dim3A_26 = vector.shape_cast %slice3A_25 : vector<128xf32> to vector<1x128xf32>
    %mul3A_27 = vector.broadcast %broadcast_in_dim3A_26 : vector<1x128xf32> to vector<64x128xf32>
    %mul3A_28 = arith.mulf %slice3A_24, %mul3A_27 : vector<64x128xf32>
    %add3A_29 = arith.addf %add3A_23, %mul3A_28 : vector<64x128xf32>
    %slice3A_30 = vector.extract_strided_slice %get3A_5 {offsets = [0, 512], sizes = [64, 128], strides = [1, 1]} : vector<64x1664xf32> to vector<64x128xf32>
    %slice3A_31 = vector.extract_strided_slice %add3A {offsets = [512], sizes = [128], strides = [1]} : vector<1664xf32> to vector<128xf32>
    %broadcast_in_dim3A_32 = vector.shape_cast %slice3A_31 : vector<128xf32> to vector<1x128xf32>
    %mul3A_33 = vector.broadcast %broadcast_in_dim3A_32 : vector<1x128xf32> to vector<64x128xf32>
    %mul3A_34 = arith.mulf %slice3A_30, %mul3A_33 : vector<64x128xf32>
    %add3A_35 = arith.addf %add3A_29, %mul3A_34 : vector<64x128xf32>
    %slice3A_36 = vector.extract_strided_slice %get3A_5 {offsets = [0, 640], sizes = [64, 128], strides = [1, 1]} : vector<64x1664xf32> to vector<64x128xf32>
    %slice3A_37 = vector.extract_strided_slice %add3A {offsets = [640], sizes = [128], strides = [1]} : vector<1664xf32> to vector<128xf32>
    %broadcast_in_dim3A_38 = vector.shape_cast %slice3A_37 : vector<128xf32> to vector<1x128xf32>
    %mul3A_39 = vector.broadcast %broadcast_in_dim3A_38 : vector<1x128xf32> to vector<64x128xf32>
    %mul3A_40 = arith.mulf %slice3A_36, %mul3A_39 : vector<64x128xf32>
    %add3A_41 = arith.addf %add3A_35, %mul3A_40 : vector<64x128xf32>
    %slice3A_42 = vector.extract_strided_slice %get3A_5 {offsets = [0, 768], sizes = [64, 128], strides = [1, 1]} : vector<64x1664xf32> to vector<64x128xf32>
    %slice3A_43 = vector.extract_strided_slice %add3A {offsets = [768], sizes = [128], strides = [1]} : vector<1664xf32> to vector<128xf32>
    %broadcast_in_dim3A_44 = vector.shape_cast %slice3A_43 : vector<128xf32> to vector<1x128xf32>
    %mul3A_45 = vector.broadcast %broadcast_in_dim3A_44 : vector<1x128xf32> to vector<64x128xf32>
    %mul3A_46 = arith.mulf %slice3A_42, %mul3A_45 : vector<64x128xf32>
    %add3A_47 = arith.addf %add3A_41, %mul3A_46 : vector<64x128xf32>
    %slice3A_48 = vector.extract_strided_slice %get3A_5 {offsets = [0, 896], sizes = [64, 128], strides = [1, 1]} : vector<64x1664xf32> to vector<64x128xf32>
    %slice3A_49 = vector.extract_strided_slice %add3A {offsets = [896], sizes = [128], strides = [1]} : vector<1664xf32> to vector<128xf32>
    %broadcast_in_dim3A_50 = vector.shape_cast %slice3A_49 : vector<128xf32> to vector<1x128xf32>
    %mul3A_51 = vector.broadcast %broadcast_in_dim3A_50 : vector<1x128xf32> to vector<64x128xf32>
    %mul3A_52 = arith.mulf %slice3A_48, %mul3A_51 : vector<64x128xf32>
    %add3A_53 = arith.addf %add3A_47, %mul3A_52 : vector<64x128xf32>
    %slice3A_54 = vector.extract_strided_slice %get3A_5 {offsets = [0, 1024], sizes = [64, 128], strides = [1, 1]} : vector<64x1664xf32> to vector<64x128xf32>
    %slice3A_55 = vector.extract_strided_slice %add3A {offsets = [1024], sizes = [128], strides = [1]} : vector<1664xf32> to vector<128xf32>
    %broadcast_in_dim3A_56 = vector.shape_cast %slice3A_55 : vector<128xf32> to vector<1x128xf32>
    %mul3A_57 = vector.broadcast %broadcast_in_dim3A_56 : vector<1x128xf32> to vector<64x128xf32>
    %mul3A_58 = arith.mulf %slice3A_54, %mul3A_57 : vector<64x128xf32>
    %add3A_59 = arith.addf %add3A_53, %mul3A_58 : vector<64x128xf32>
    %slice3A_60 = vector.extract_strided_slice %get3A_5 {offsets = [0, 1152], sizes = [64, 128], strides = [1, 1]} : vector<64x1664xf32> to vector<64x128xf32>
    %slice3A_61 = vector.extract_strided_slice %add3A {offsets = [1152], sizes = [128], strides = [1]} : vector<1664xf32> to vector<128xf32>
    %broadcast_in_dim3A_62 = vector.shape_cast %slice3A_61 : vector<128xf32> to vector<1x128xf32>
    %mul3A_63 = vector.broadcast %broadcast_in_dim3A_62 : vector<1x128xf32> to vector<64x128xf32>
    %mul3A_64 = arith.mulf %slice3A_60, %mul3A_63 : vector<64x128xf32>
    %add3A_65 = arith.addf %add3A_59, %mul3A_64 : vector<64x128xf32>
    %slice3A_66 = vector.extract_strided_slice %get3A_5 {offsets = [0, 1280], sizes = [64, 128], strides = [1, 1]} : vector<64x1664xf32> to vector<64x128xf32>
    %slice3A_67 = vector.extract_strided_slice %add3A {offsets = [1280], sizes = [128], strides = [1]} : vector<1664xf32> to vector<128xf32>
    %broadcast_in_dim3A_68 = vector.shape_cast %slice3A_67 : vector<128xf32> to vector<1x128xf32>
    %mul3A_69 = vector.broadcast %broadcast_in_dim3A_68 : vector<1x128xf32> to vector<64x128xf32>
    %mul3A_70 = arith.mulf %slice3A_66, %mul3A_69 : vector<64x128xf32>
    %add3A_71 = arith.addf %add3A_65, %mul3A_70 : vector<64x128xf32>
    %slice3A_72 = vector.extract_strided_slice %get3A_5 {offsets = [0, 1408], sizes = [64, 128], strides = [1, 1]} : vector<64x1664xf32> to vector<64x128xf32>
    %slice3A_73 = vector.extract_strided_slice %add3A {offsets = [1408], sizes = [128], strides = [1]} : vector<1664xf32> to vector<128xf32>
    %broadcast_in_dim3A_74 = vector.shape_cast %slice3A_73 : vector<128xf32> to vector<1x128xf32>
    %mul3A_75 = vector.broadcast %broadcast_in_dim3A_74 : vector<1x128xf32> to vector<64x128xf32>
    %mul3A_76 = arith.mulf %slice3A_72, %mul3A_75 : vector<64x128xf32>
    %add3A_77 = arith.addf %add3A_71, %mul3A_76 : vector<64x128xf32>
    %slice3A_78 = vector.extract_strided_slice %get3A_5 {offsets = [0, 1536], sizes = [64, 128], strides = [1, 1]} : vector<64x1664xf32> to vector<64x128xf32>
    %slice3A_79 = vector.extract_strided_slice %add3A {offsets = [1536], sizes = [128], strides = [1]} : vector<1664xf32> to vector<128xf32>
    %broadcast_in_dim3A_80 = vector.shape_cast %slice3A_79 : vector<128xf32> to vector<1x128xf32>
    %mul3A_81 = vector.broadcast %broadcast_in_dim3A_80 : vector<1x128xf32> to vector<64x128xf32>
    %mul3A_82 = arith.mulf %slice3A_78, %mul3A_81 : vector<64x128xf32>
    %iota3A = tpu.iota {dimensions = array<i32: 1>} : vector<1x128xi32>
    %lt3A = arith.constant 64 : i32
    %lt3A_83 = vector.broadcast %lt3A : i32 to vector<1x128xi32>
    %lt3A_84 = arith.cmpi slt, %iota3A, %lt3A_83 : vector<1x128xi32>
    %jit3A = arith.constant 0.000000e+00 : f32
    %broadcast_in_dim3A_85 = vector.shape_cast %lt3A_84 : vector<1x128xi1> to vector<1x128xi1>
    %broadcast_in_dim3A_86 = vector.broadcast %broadcast_in_dim3A_85 : vector<1x128xi1> to vector<64x128xi1>
    %broadcast_in_dim3A_87 = vector.broadcast %jit3A : f32 to vector<64x128xf32>
    %select_n3A = arith.select %broadcast_in_dim3A_86, %mul3A_82, %broadcast_in_dim3A_87 : vector<64x128xi1>, vector<64x128xf32>
    %add3A_88 = arith.addf %add3A_77, %select_n3A : vector<64x128xf32>
    %reduce_sum3A = arith.constant dense<0.000000e+00> : vector<64xf32>
    %reduce_sum3A_89 = vector.multi_reduction <add>, %add3A_88, %reduce_sum3A [1] : vector<64x128xf32> to vector<64xf32>
    %broadcast_in_dim3A_90 = vector.shape_cast %reduce_sum3A_89 : vector<64xf32> to vector<64x1xf32>
    %mul3A_91 = arith.constant 6.10351563E-5 : f32
    %mul3A_92 = vector.broadcast %mul3A_91 : f32 to vector<64x1xf32>
    %mul3A_93 = arith.mulf %broadcast_in_dim3A_90, %mul3A_92 : vector<64x1xf32>
    %get3A_94 = arith.constant 0 : index
    %get3A_95 = arith.constant 0 : index
    %get3A_96 = vector.load %arg5[%get3A_94, %get3A_95] : memref<64x1024xf32, #tpu.memory_space<vmem>>, vector<64x1024xf32>
    %dot_general3A = arith.constant dense<0.000000e+00> : vector<1x1024xf32>
    %dot_general3A_97 = tpu.matmul %mul3A_93, %get3A_96, %dot_general3A {dimension_numbers = #tpu.dot_dimension_numbers<[0], [0], [1], [1], [0, 1, 1, 1], [], []>, transpose_lhs_hint = false} : vector<64x1xf32>, vector<64x1024xf32>, vector<1x1024xf32> -> vector<1x1024xf32>
    %get3A_98 = arith.constant 0 : index
    %get3A_99 = arith.constant 0 : index
    %get3A_100 = vector.load %arg6[%get3A_98, %get3A_99] : memref<1x1024xf32, #tpu.memory_space<vmem>>, vector<1x1024xf32>
    %add3A_101 = arith.addf %dot_general3A_97, %get3A_100 : vector<1x1024xf32>
    %max3A = arith.constant 0.000000e+00 : f32
    %max3A_102 = vector.broadcast %max3A : f32 to vector<1x1024xf32>
    %max3A_103 = arith.maximumf %add3A_101, %max3A_102 : vector<1x1024xf32>
    %get3A_104 = arith.constant 0 : index
    %get3A_105 = arith.constant 0 : index
    %get3A_106 = vector.load %arg7[%get3A_104, %get3A_105] : memref<1024x128xf32, #tpu.memory_space<vmem>>, vector<1024x128xf32>
    %dot_general3A_107 = arith.constant dense<0.000000e+00> : vector<1x128xf32>
    %dot_general3A_108 = tpu.matmul %max3A_103, %get3A_106, %dot_general3A_107 {dimension_numbers = #tpu.dot_dimension_numbers<[1], [0], [0], [1], [0, 0, 1, 1], [], []>, transpose_lhs_hint = false} : vector<1x1024xf32>, vector<1024x128xf32>, vector<1x128xf32> -> vector<1x128xf32>
    %get3A_109 = arith.constant 0 : index
    %get3A_110 = arith.constant 0 : index
    %get3A_111 = vector.load %arg8[%get3A_109, %get3A_110] : memref<1x128xf32, #tpu.memory_space<vmem>>, vector<1x128xf32>
    %add3A_112 = arith.addf %dot_general3A_108, %get3A_111 : vector<1x128xf32>
    %reduce_max3A = arith.constant dense<0xFF800000> : vector<1xf32>
    %reduce_max3A_113 = vector.multi_reduction <maximumf>, %add3A_112, %reduce_max3A [1] : vector<1x128xf32> to vector<1xf32>
    %broadcast_in_dim3A_114 = vector.shape_cast %reduce_max3A_113 : vector<1xf32> to vector<1x1xf32>
    %sub3A = vector.broadcast %broadcast_in_dim3A_114 : vector<1x1xf32> to vector<1x128xf32>
    %sub3A_115 = arith.subf %add3A_112, %sub3A : vector<1x128xf32>
    %exp3A = math.exp %sub3A_115 : vector<1x128xf32>
    %reduce_sum3A_116 = arith.constant dense<0.000000e+00> : vector<1xf32>
    %reduce_sum3A_117 = vector.multi_reduction <add>, %exp3A, %reduce_sum3A_116 [1] : vector<1x128xf32> to vector<1xf32>
    %broadcast_in_dim3A_118 = vector.shape_cast %reduce_sum3A_117 : vector<1xf32> to vector<1x1xf32>
    %log3A = math.log %broadcast_in_dim3A_118 : vector<1x1xf32>
    %add3A_119 = arith.addf %log3A, %broadcast_in_dim3A_114 : vector<1x1xf32>
    %sub3A_120 = vector.broadcast %add3A_119 : vector<1x1xf32> to vector<1x128xf32>
    %sub3A_121 = arith.subf %add3A_112, %sub3A_120 : vector<1x128xf32>
    %swap3A = arith.constant 0 : index
    %swap3A_122 = arith.constant 0 : index
    %swap3A_123 = vector.load %arg9[%swap3A, %swap3A_122] : memref<1x128xf32, #tpu.memory_space<vmem>>, vector<1x128xf32>
    tpu.vector_store %arg9[%swap3A, %swap3A_122], %sub3A_121 {strides = array<i32>} : memref<1x128xf32, #tpu.memory_space<vmem>>, vector<1x128xf32>,
    return
  }
  func.func @transform_0(%arg0: i32) -> (i32, i32) {
    %c0_i32 = arith.constant 0 : i32
    %c0_i32_0 = arith.constant 0 : i32
    %c0_i32_1 = arith.constant 0 : i32
    return %c0_i32, %c0_i32_0 : i32, i32
  }
  func.func @transform_1(%arg0: i32) -> (i32, i32) {
    %c0_i32 = arith.constant 0 : i32
    %c600_i32 = arith.constant 600 : i32
    %c0_i32_0 = arith.constant 0 : i32
    return %c0_i32, %c600_i32 : i32, i32
  }
  func.func @transform_2(%arg0: i32) -> i32 {
    %c75_i32 = arith.constant 75 : i32
    %c0_i32 = arith.constant 0 : i32
    return %c75_i32 : i32
  }
  func.func @transform_3(%arg0: i32) -> i32 {
    %c75_i32 = arith.constant 75 : i32
    %c0_i32 = arith.constant 0 : i32
    return %c75_i32 : i32
  }
  func.func @transform_4(%arg0: i32) -> (i32, i32) {
    %c0_i32 = arith.constant 0 : i32
    %c0_i32_0 = arith.constant 0 : i32
    %c0_i32_1 = arith.constant 0 : i32
    return %c0_i32, %c0_i32_0 : i32, i32
  }
  func.func @transform_5(%arg0: i32) -> (i32, i32) {
    %c0_i32 = arith.constant 0 : i32
    %c0_i32_0 = arith.constant 0 : i32
    %c0_i32_1 = arith.constant 0 : i32
    return %c0_i32, %c0_i32_0 : i32, i32
  }
  func.func @transform_6(%arg0: i32) -> (i32, i32) {
    %c0_i32 = arith.constant 0 : i32
    %c0_i32_0 = arith.constant 0 : i32
    %c0_i32_1 = arith.constant 0 : i32
    return %c0_i32, %c0_i32_0 : i32, i32
  }
  func.func @transform_7(%arg0: i32) -> (i32, i32) {
    %c0_i32 = arith.constant 0 : i32
    %c0_i32_0 = arith.constant 0 : i32
    %c0_i32_1 = arith.constant 0 : i32
    return %c0_i32, %c0_i32_0 : i32, i32
  }
  func.func @transform_8(%arg0: i32) -> (i32, i32) {
    %c0_i32 = arith.constant 0 : i32
    %c0_i32_0 = arith.constant 0 : i32
    %c0_i32_1 = arith.constant 0 : i32
    return %c0_i32, %c0_i32_0 : i32, i32
  }
}

module attributes {stable_mosaic.version = 14 : i64} {
  func.func @body(%arg0: i32, %arg1: memref<64x13312xf32, #tpu.memory_space<vmem>>, %arg2: memref<64x13312xf32, #tpu.memory_space<vmem>>, %arg3: memref<64x13312xf32, #tpu.memory_space<vmem>>, %arg4: memref<13312xf32, #tpu.memory_space<vmem>>, %arg5: memref<13312xf32, #tpu.memory_space<vmem>>, %arg6: memref<13312xf32, #tpu.memory_space<vmem>>, %arg7: memref<13312xf32, #tpu.memory_space<vmem>>, %arg8: memref<13312xf32, #tpu.memory_space<vmem>>, %arg9: memref<13312xf32, #tpu.memory_space<vmem>>, %arg10: memref<64x128xf32, #tpu.memory_space<vmem>>) attributes {dimension_semantics = [#tpu.dimension_semantics<arbitrary>], iteration_bounds = array<i64: 25>, scalar_prefetch = 0 : i64, scratch_operands = 0 : i64, tpu.core_type = #tpu.core_type<tc>, window_params = [{transform_indices = @transform_0, window_bounds = array<i64: 64, 13312>}, {transform_indices = @transform_1, window_bounds = array<i64: 64, 13312>}, {transform_indices = @transform_2, window_bounds = array<i64: 64, 13312>}, {transform_indices = @transform_3, window_bounds = array<i64: 13312>}, {transform_indices = @transform_4, window_bounds = array<i64: 13312>}, {transform_indices = @transform_5, window_bounds = array<i64: 13312>}, {transform_indices = @transform_6, window_bounds = array<i64: 13312>}, {transform_indices = @transform_7, window_bounds = array<i64: 13312>}, {transform_indices = @transform_8, window_bounds = array<i64: 13312>}, {pipeline_mode = #tpu.pipeline_mode<synchronous>, transform_indices = @transform_9, window_bounds = array<i64: 64, 128>}]} {
    %broadcast_in_dim3A = arith.constant 0.000000e+00 : f32
    %broadcast_in_dim3A_0 = vector.broadcast %broadcast_in_dim3A : f32 to vector<64x128xf32>
    %get3A = arith.constant 0 : index
    %get3A_1 = vector.load %arg4[%get3A] : memref<13312xf32, #tpu.memory_space<vmem>>, vector<13312xf32>
    %get3A_2 = arith.constant 0 : index
    %get3A_3 = vector.load %arg7[%get3A_2] : memref<13312xf32, #tpu.memory_space<vmem>>, vector<13312xf32>
    %add3A = arith.addf %get3A_1, %get3A_3 : vector<13312xf32>
    %get3A_4 = arith.constant 0 : index
    %get3A_5 = arith.constant 0 : index
    %get3A_6 = vector.load %arg1[%get3A_4, %get3A_5] : memref<64x13312xf32, #tpu.memory_space<vmem>>, vector<64x13312xf32>
    %slice3A = vector.extract_strided_slice %get3A_6 {offsets = [0, 0], sizes = [64, 128], strides = [1, 1]} : vector<64x13312xf32> to vector<64x128xf32>
    %slice3A_7 = vector.extract_strided_slice %add3A {offsets = [0], sizes = [128], strides = [1]} : vector<13312xf32> to vector<128xf32>
    %broadcast_in_dim3A_8 = vector.shape_cast %slice3A_7 : vector<128xf32> to vector<1x128xf32>
    %mul3A = vector.broadcast %broadcast_in_dim3A_8 : vector<1x128xf32> to vector<64x128xf32>
    %mul3A_9 = arith.mulf %slice3A, %mul3A : vector<64x128xf32>
    %add3A_10 = arith.addf %broadcast_in_dim3A_0, %mul3A_9 : vector<64x128xf32>
    %slice3A_11 = vector.extract_strided_slice %get3A_6 {offsets = [0, 128], sizes = [64, 128], strides = [1, 1]} : vector<64x13312xf32> to vector<64x128xf32>
    %slice3A_12 = vector.extract_strided_slice %add3A {offsets = [128], sizes = [128], strides = [1]} : vector<13312xf32> to vector<128xf32>
    %broadcast_in_dim3A_13 = vector.shape_cast %slice3A_12 : vector<128xf32> to vector<1x128xf32>
    %mul3A_14 = vector.broadcast %broadcast_in_dim3A_13 : vector<1x128xf32> to vector<64x128xf32>
    %mul3A_15 = arith.mulf %slice3A_11, %mul3A_14 : vector<64x128xf32>
    %add3A_16 = arith.addf %add3A_10, %mul3A_15 : vector<64x128xf32>
    %slice3A_17 = vector.extract_strided_slice %get3A_6 {offsets = [0, 256], sizes = [64, 128], strides = [1, 1]} : vector<64x13312xf32> to vector<64x128xf32>
    %slice3A_18 = vector.extract_strided_slice %add3A {offsets = [256], sizes = [128], strides = [1]} : vector<13312xf32> to vector<128xf32>
    %broadcast_in_dim3A_19 = vector.shape_cast %slice3A_18 : vector<128xf32> to vector<1x128xf32>
    %mul3A_20 = vector.broadcast %broadcast_in_dim3A_19 : vector<1x128xf32> to vector<64x128xf32>
    %mul3A_21 = arith.mulf %slice3A_17, %mul3A_20 : vector<64x128xf32>
    %add3A_22 = arith.addf %add3A_16, %mul3A_21 : vector<64x128xf32>
    %slice3A_23 = vector.extract_strided_slice %get3A_6 {offsets = [0, 384], sizes = [64, 128], strides = [1, 1]} : vector<64x13312xf32> to vector<64x128xf32>
    %slice3A_24 = vector.extract_strided_slice %add3A {offsets = [384], sizes = [128], strides = [1]} : vector<13312xf32> to vector<128xf32>
    %broadcast_in_dim3A_25 = vector.shape_cast %slice3A_24 : vector<128xf32> to vector<1x128xf32>
    %mul3A_26 = vector.broadcast %broadcast_in_dim3A_25 : vector<1x128xf32> to vector<64x128xf32>
    %mul3A_27 = arith.mulf %slice3A_23, %mul3A_26 : vector<64x128xf32>
    %add3A_28 = arith.addf %add3A_22, %mul3A_27 : vector<64x128xf32>
    %slice3A_29 = vector.extract_strided_slice %get3A_6 {offsets = [0, 512], sizes = [64, 128], strides = [1, 1]} : vector<64x13312xf32> to vector<64x128xf32>
    %slice3A_30 = vector.extract_strided_slice %add3A {offsets = [512], sizes = [128], strides = [1]} : vector<13312xf32> to vector<128xf32>
    %broadcast_in_dim3A_31 = vector.shape_cast %slice3A_30 : vector<128xf32> to vector<1x128xf32>
    %mul3A_32 = vector.broadcast %broadcast_in_dim3A_31 : vector<1x128xf32> to vector<64x128xf32>
    %mul3A_33 = arith.mulf %slice3A_29, %mul3A_32 : vector<64x128xf32>
    %add3A_34 = arith.addf %add3A_28, %mul3A_33 : vector<64x128xf32>
    %slice3A_35 = vector.extract_strided_slice %get3A_6 {offsets = [0, 640], sizes = [64, 128], strides = [1, 1]} : vector<64x13312xf32> to vector<64x128xf32>
    %slice3A_36 = vector.extract_strided_slice %add3A {offsets = [640], sizes = [128], strides = [1]} : vector<13312xf32> to vector<128xf32>
    %broadcast_in_dim3A_37 = vector.shape_cast %slice3A_36 : vector<128xf32> to vector<1x128xf32>
    %mul3A_38 = vector.broadcast %broadcast_in_dim3A_37 : vector<1x128xf32> to vector<64x128xf32>
    %mul3A_39 = arith.mulf %slice3A_35, %mul3A_38 : vector<64x128xf32>
    %add3A_40 = arith.addf %add3A_34, %mul3A_39 : vector<64x128xf32>
    %slice3A_41 = vector.extract_strided_slice %get3A_6 {offsets = [0, 768], sizes = [64, 128], strides = [1, 1]} : vector<64x13312xf32> to vector<64x128xf32>
    %slice3A_42 = vector.extract_strided_slice %add3A {offsets = [768], sizes = [128], strides = [1]} : vector<13312xf32> to vector<128xf32>
    %broadcast_in_dim3A_43 = vector.shape_cast %slice3A_42 : vector<128xf32> to vector<1x128xf32>
    %mul3A_44 = vector.broadcast %broadcast_in_dim3A_43 : vector<1x128xf32> to vector<64x128xf32>
    %mul3A_45 = arith.mulf %slice3A_41, %mul3A_44 : vector<64x128xf32>
    %add3A_46 = arith.addf %add3A_40, %mul3A_45 : vector<64x128xf32>
    %slice3A_47 = vector.extract_strided_slice %get3A_6 {offsets = [0, 896], sizes = [64, 128], strides = [1, 1]} : vector<64x13312xf32> to vector<64x128xf32>
    %slice3A_48 = vector.extract_strided_slice %add3A {offsets = [896], sizes = [128], strides = [1]} : vector<13312xf32> to vector<128xf32>
    %broadcast_in_dim3A_49 = vector.shape_cast %slice3A_48 : vector<128xf32> to vector<1x128xf32>
    %mul3A_50 = vector.broadcast %broadcast_in_dim3A_49 : vector<1x128xf32> to vector<64x128xf32>
    %mul3A_51 = arith.mulf %slice3A_47, %mul3A_50 : vector<64x128xf32>
    %add3A_52 = arith.addf %add3A_46, %mul3A_51 : vector<64x128xf32>
    %slice3A_53 = vector.extract_strided_slice %get3A_6 {offsets = [0, 1024], sizes = [64, 128], strides = [1, 1]} : vector<64x13312xf32> to vector<64x128xf32>
    %slice3A_54 = vector.extract_strided_slice %add3A {offsets = [1024], sizes = [128], strides = [1]} : vector<13312xf32> to vector<128xf32>
    %broadcast_in_dim3A_55 = vector.shape_cast %slice3A_54 : vector<128xf32> to vector<1x128xf32>
    %mul3A_56 = vector.broadcast %broadcast_in_dim3A_55 : vector<1x128xf32> to vector<64x128xf32>
    %mul3A_57 = arith.mulf %slice3A_53, %mul3A_56 : vector<64x128xf32>
    %add3A_58 = arith.addf %add3A_52, %mul3A_57 : vector<64x128xf32>
    %slice3A_59 = vector.extract_strided_slice %get3A_6 {offsets = [0, 1152], sizes = [64, 128], strides = [1, 1]} : vector<64x13312xf32> to vector<64x128xf32>
    %slice3A_60 = vector.extract_strided_slice %add3A {offsets = [1152], sizes = [128], strides = [1]} : vector<13312xf32> to vector<128xf32>
    %broadcast_in_dim3A_61 = vector.shape_cast %slice3A_60 : vector<128xf32> to vector<1x128xf32>
    %mul3A_62 = vector.broadcast %broadcast_in_dim3A_61 : vector<1x128xf32> to vector<64x128xf32>
    %mul3A_63 = arith.mulf %slice3A_59, %mul3A_62 : vector<64x128xf32>
    %add3A_64 = arith.addf %add3A_58, %mul3A_63 : vector<64x128xf32>
    %slice3A_65 = vector.extract_strided_slice %get3A_6 {offsets = [0, 1280], sizes = [64, 128], strides = [1, 1]} : vector<64x13312xf32> to vector<64x128xf32>
    %slice3A_66 = vector.extract_strided_slice %add3A {offsets = [1280], sizes = [128], strides = [1]} : vector<13312xf32> to vector<128xf32>
    %broadcast_in_dim3A_67 = vector.shape_cast %slice3A_66 : vector<128xf32> to vector<1x128xf32>
    %mul3A_68 = vector.broadcast %broadcast_in_dim3A_67 : vector<1x128xf32> to vector<64x128xf32>
    %mul3A_69 = arith.mulf %slice3A_65, %mul3A_68 : vector<64x128xf32>
    %add3A_70 = arith.addf %add3A_64, %mul3A_69 : vector<64x128xf32>
    %slice3A_71 = vector.extract_strided_slice %get3A_6 {offsets = [0, 1408], sizes = [64, 128], strides = [1, 1]} : vector<64x13312xf32> to vector<64x128xf32>
    %slice3A_72 = vector.extract_strided_slice %add3A {offsets = [1408], sizes = [128], strides = [1]} : vector<13312xf32> to vector<128xf32>
    %broadcast_in_dim3A_73 = vector.shape_cast %slice3A_72 : vector<128xf32> to vector<1x128xf32>
    %mul3A_74 = vector.broadcast %broadcast_in_dim3A_73 : vector<1x128xf32> to vector<64x128xf32>
    %mul3A_75 = arith.mulf %slice3A_71, %mul3A_74 : vector<64x128xf32>
    %add3A_76 = arith.addf %add3A_70, %mul3A_75 : vector<64x128xf32>
    %slice3A_77 = vector.extract_strided_slice %get3A_6 {offsets = [0, 1536], sizes = [64, 128], strides = [1, 1]} : vector<64x13312xf32> to vector<64x128xf32>
    %slice3A_78 = vector.extract_strided_slice %add3A {offsets = [1536], sizes = [128], strides = [1]} : vector<13312xf32> to vector<128xf32>
    %broadcast_in_dim3A_79 = vector.shape_cast %slice3A_78 : vector<128xf32> to vector<1x128xf32>
    %mul3A_80 = vector.broadcast %broadcast_in_dim3A_79 : vector<1x128xf32> to vector<64x128xf32>
    %mul3A_81 = arith.mulf %slice3A_77, %mul3A_80 : vector<64x128xf32>
    %add3A_82 = arith.addf %add3A_76, %mul3A_81 : vector<64x128xf32>
    %slice3A_83 = vector.extract_strided_slice %get3A_6 {offsets = [0, 1664], sizes = [64, 128], strides = [1, 1]} : vector<64x13312xf32> to vector<64x128xf32>
    %slice3A_84 = vector.extract_strided_slice %add3A {offsets = [1664], sizes = [128], strides = [1]} : vector<13312xf32> to vector<128xf32>
    %broadcast_in_dim3A_85 = vector.shape_cast %slice3A_84 : vector<128xf32> to vector<1x128xf32>
    %mul3A_86 = vector.broadcast %broadcast_in_dim3A_85 : vector<1x128xf32> to vector<64x128xf32>
    %mul3A_87 = arith.mulf %slice3A_83, %mul3A_86 : vector<64x128xf32>
    %add3A_88 = arith.addf %add3A_82, %mul3A_87 : vector<64x128xf32>
    %slice3A_89 = vector.extract_strided_slice %get3A_6 {offsets = [0, 1792], sizes = [64, 128], strides = [1, 1]} : vector<64x13312xf32> to vector<64x128xf32>
    %slice3A_90 = vector.extract_strided_slice %add3A {offsets = [1792], sizes = [128], strides = [1]} : vector<13312xf32> to vector<128xf32>
    %broadcast_in_dim3A_91 = vector.shape_cast %slice3A_90 : vector<128xf32> to vector<1x128xf32>
    %mul3A_92 = vector.broadcast %broadcast_in_dim3A_91 : vector<1x128xf32> to vector<64x128xf32>
    %mul3A_93 = arith.mulf %slice3A_89, %mul3A_92 : vector<64x128xf32>
    %add3A_94 = arith.addf %add3A_88, %mul3A_93 : vector<64x128xf32>
    %slice3A_95 = vector.extract_strided_slice %get3A_6 {offsets = [0, 1920], sizes = [64, 128], strides = [1, 1]} : vector<64x13312xf32> to vector<64x128xf32>
    %slice3A_96 = vector.extract_strided_slice %add3A {offsets = [1920], sizes = [128], strides = [1]} : vector<13312xf32> to vector<128xf32>
    %broadcast_in_dim3A_97 = vector.shape_cast %slice3A_96 : vector<128xf32> to vector<1x128xf32>
    %mul3A_98 = vector.broadcast %broadcast_in_dim3A_97 : vector<1x128xf32> to vector<64x128xf32>
    %mul3A_99 = arith.mulf %slice3A_95, %mul3A_98 : vector<64x128xf32>
    %add3A_100 = arith.addf %add3A_94, %mul3A_99 : vector<64x128xf32>
    %slice3A_101 = vector.extract_strided_slice %get3A_6 {offsets = [0, 2048], sizes = [64, 128], strides = [1, 1]} : vector<64x13312xf32> to vector<64x128xf32>
    %slice3A_102 = vector.extract_strided_slice %add3A {offsets = [2048], sizes = [128], strides = [1]} : vector<13312xf32> to vector<128xf32>
    %broadcast_in_dim3A_103 = vector.shape_cast %slice3A_102 : vector<128xf32> to vector<1x128xf32>
    %mul3A_104 = vector.broadcast %broadcast_in_dim3A_103 : vector<1x128xf32> to vector<64x128xf32>
    %mul3A_105 = arith.mulf %slice3A_101, %mul3A_104 : vector<64x128xf32>
    %add3A_106 = arith.addf %add3A_100, %mul3A_105 : vector<64x128xf32>
    %slice3A_107 = vector.extract_strided_slice %get3A_6 {offsets = [0, 2176], sizes = [64, 128], strides = [1, 1]} : vector<64x13312xf32> to vector<64x128xf32>
    %slice3A_108 = vector.extract_strided_slice %add3A {offsets = [2176], sizes = [128], strides = [1]} : vector<13312xf32> to vector<128xf32>
    %broadcast_in_dim3A_109 = vector.shape_cast %slice3A_108 : vector<128xf32> to vector<1x128xf32>
    %mul3A_110 = vector.broadcast %broadcast_in_dim3A_109 : vector<1x128xf32> to vector<64x128xf32>
    %mul3A_111 = arith.mulf %slice3A_107, %mul3A_110 : vector<64x128xf32>
    %add3A_112 = arith.addf %add3A_106, %mul3A_111 : vector<64x128xf32>
    %slice3A_113 = vector.extract_strided_slice %get3A_6 {offsets = [0, 2304], sizes = [64, 128], strides = [1, 1]} : vector<64x13312xf32> to vector<64x128xf32>
    %slice3A_114 = vector.extract_strided_slice %add3A {offsets = [2304], sizes = [128], strides = [1]} : vector<13312xf32> to vector<128xf32>
    %broadcast_in_dim3A_115 = vector.shape_cast %slice3A_114 : vector<128xf32> to vector<1x128xf32>
    %mul3A_116 = vector.broadcast %broadcast_in_dim3A_115 : vector<1x128xf32> to vector<64x128xf32>
    %mul3A_117 = arith.mulf %slice3A_113, %mul3A_116 : vector<64x128xf32>
    %add3A_118 = arith.addf %add3A_112, %mul3A_117 : vector<64x128xf32>
    %slice3A_119 = vector.extract_strided_slice %get3A_6 {offsets = [0, 2432], sizes = [64, 128], strides = [1, 1]} : vector<64x13312xf32> to vector<64x128xf32>
    %slice3A_120 = vector.extract_strided_slice %add3A {offsets = [2432], sizes = [128], strides = [1]} : vector<13312xf32> to vector<128xf32>
    %broadcast_in_dim3A_121 = vector.shape_cast %slice3A_120 : vector<128xf32> to vector<1x128xf32>
    %mul3A_122 = vector.broadcast %broadcast_in_dim3A_121 : vector<1x128xf32> to vector<64x128xf32>
    %mul3A_123 = arith.mulf %slice3A_119, %mul3A_122 : vector<64x128xf32>
    %add3A_124 = arith.addf %add3A_118, %mul3A_123 : vector<64x128xf32>
    %slice3A_125 = vector.extract_strided_slice %get3A_6 {offsets = [0, 2560], sizes = [64, 128], strides = [1, 1]} : vector<64x13312xf32> to vector<64x128xf32>
    %slice3A_126 = vector.extract_strided_slice %add3A {offsets = [2560], sizes = [128], strides = [1]} : vector<13312xf32> to vector<128xf32>
    %broadcast_in_dim3A_127 = vector.shape_cast %slice3A_126 : vector<128xf32> to vector<1x128xf32>
    %mul3A_128 = vector.broadcast %broadcast_in_dim3A_127 : vector<1x128xf32> to vector<64x128xf32>
    %mul3A_129 = arith.mulf %slice3A_125, %mul3A_128 : vector<64x128xf32>
    %add3A_130 = arith.addf %add3A_124, %mul3A_129 : vector<64x128xf32>
    %slice3A_131 = vector.extract_strided_slice %get3A_6 {offsets = [0, 2688], sizes = [64, 128], strides = [1, 1]} : vector<64x13312xf32> to vector<64x128xf32>
    %slice3A_132 = vector.extract_strided_slice %add3A {offsets = [2688], sizes = [128], strides = [1]} : vector<13312xf32> to vector<128xf32>
    %broadcast_in_dim3A_133 = vector.shape_cast %slice3A_132 : vector<128xf32> to vector<1x128xf32>
    %mul3A_134 = vector.broadcast %broadcast_in_dim3A_133 : vector<1x128xf32> to vector<64x128xf32>
    %mul3A_135 = arith.mulf %slice3A_131, %mul3A_134 : vector<64x128xf32>
    %add3A_136 = arith.addf %add3A_130, %mul3A_135 : vector<64x128xf32>
    %slice3A_137 = vector.extract_strided_slice %get3A_6 {offsets = [0, 2816], sizes = [64, 128], strides = [1, 1]} : vector<64x13312xf32> to vector<64x128xf32>
    %slice3A_138 = vector.extract_strided_slice %add3A {offsets = [2816], sizes = [128], strides = [1]} : vector<13312xf32> to vector<128xf32>
    %broadcast_in_dim3A_139 = vector.shape_cast %slice3A_138 : vector<128xf32> to vector<1x128xf32>
    %mul3A_140 = vector.broadcast %broadcast_in_dim3A_139 : vector<1x128xf32> to vector<64x128xf32>
    %mul3A_141 = arith.mulf %slice3A_137, %mul3A_140 : vector<64x128xf32>
    %add3A_142 = arith.addf %add3A_136, %mul3A_141 : vector<64x128xf32>
    %slice3A_143 = vector.extract_strided_slice %get3A_6 {offsets = [0, 2944], sizes = [64, 128], strides = [1, 1]} : vector<64x13312xf32> to vector<64x128xf32>
    %slice3A_144 = vector.extract_strided_slice %add3A {offsets = [2944], sizes = [128], strides = [1]} : vector<13312xf32> to vector<128xf32>
    %broadcast_in_dim3A_145 = vector.shape_cast %slice3A_144 : vector<128xf32> to vector<1x128xf32>
    %mul3A_146 = vector.broadcast %broadcast_in_dim3A_145 : vector<1x128xf32> to vector<64x128xf32>
    %mul3A_147 = arith.mulf %slice3A_143, %mul3A_146 : vector<64x128xf32>
    %add3A_148 = arith.addf %add3A_142, %mul3A_147 : vector<64x128xf32>
    %slice3A_149 = vector.extract_strided_slice %get3A_6 {offsets = [0, 3072], sizes = [64, 128], strides = [1, 1]} : vector<64x13312xf32> to vector<64x128xf32>
    %slice3A_150 = vector.extract_strided_slice %add3A {offsets = [3072], sizes = [128], strides = [1]} : vector<13312xf32> to vector<128xf32>
    %broadcast_in_dim3A_151 = vector.shape_cast %slice3A_150 : vector<128xf32> to vector<1x128xf32>
    %mul3A_152 = vector.broadcast %broadcast_in_dim3A_151 : vector<1x128xf32> to vector<64x128xf32>
    %mul3A_153 = arith.mulf %slice3A_149, %mul3A_152 : vector<64x128xf32>
    %add3A_154 = arith.addf %add3A_148, %mul3A_153 : vector<64x128xf32>
    %slice3A_155 = vector.extract_strided_slice %get3A_6 {offsets = [0, 3200], sizes = [64, 128], strides = [1, 1]} : vector<64x13312xf32> to vector<64x128xf32>
    %slice3A_156 = vector.extract_strided_slice %add3A {offsets = [3200], sizes = [128], strides = [1]} : vector<13312xf32> to vector<128xf32>
    %broadcast_in_dim3A_157 = vector.shape_cast %slice3A_156 : vector<128xf32> to vector<1x128xf32>
    %mul3A_158 = vector.broadcast %broadcast_in_dim3A_157 : vector<1x128xf32> to vector<64x128xf32>
    %mul3A_159 = arith.mulf %slice3A_155, %mul3A_158 : vector<64x128xf32>
    %add3A_160 = arith.addf %add3A_154, %mul3A_159 : vector<64x128xf32>
    %slice3A_161 = vector.extract_strided_slice %get3A_6 {offsets = [0, 3328], sizes = [64, 128], strides = [1, 1]} : vector<64x13312xf32> to vector<64x128xf32>
    %slice3A_162 = vector.extract_strided_slice %add3A {offsets = [3328], sizes = [128], strides = [1]} : vector<13312xf32> to vector<128xf32>
    %broadcast_in_dim3A_163 = vector.shape_cast %slice3A_162 : vector<128xf32> to vector<1x128xf32>
    %mul3A_164 = vector.broadcast %broadcast_in_dim3A_163 : vector<1x128xf32> to vector<64x128xf32>
    %mul3A_165 = arith.mulf %slice3A_161, %mul3A_164 : vector<64x128xf32>
    %add3A_166 = arith.addf %add3A_160, %mul3A_165 : vector<64x128xf32>
    %slice3A_167 = vector.extract_strided_slice %get3A_6 {offsets = [0, 3456], sizes = [64, 128], strides = [1, 1]} : vector<64x13312xf32> to vector<64x128xf32>
    %slice3A_168 = vector.extract_strided_slice %add3A {offsets = [3456], sizes = [128], strides = [1]} : vector<13312xf32> to vector<128xf32>
    %broadcast_in_dim3A_169 = vector.shape_cast %slice3A_168 : vector<128xf32> to vector<1x128xf32>
    %mul3A_170 = vector.broadcast %broadcast_in_dim3A_169 : vector<1x128xf32> to vector<64x128xf32>
    %mul3A_171 = arith.mulf %slice3A_167, %mul3A_170 : vector<64x128xf32>
    %add3A_172 = arith.addf %add3A_166, %mul3A_171 : vector<64x128xf32>
    %slice3A_173 = vector.extract_strided_slice %get3A_6 {offsets = [0, 3584], sizes = [64, 128], strides = [1, 1]} : vector<64x13312xf32> to vector<64x128xf32>
    %slice3A_174 = vector.extract_strided_slice %add3A {offsets = [3584], sizes = [128], strides = [1]} : vector<13312xf32> to vector<128xf32>
    %broadcast_in_dim3A_175 = vector.shape_cast %slice3A_174 : vector<128xf32> to vector<1x128xf32>
    %mul3A_176 = vector.broadcast %broadcast_in_dim3A_175 : vector<1x128xf32> to vector<64x128xf32>
    %mul3A_177 = arith.mulf %slice3A_173, %mul3A_176 : vector<64x128xf32>
    %add3A_178 = arith.addf %add3A_172, %mul3A_177 : vector<64x128xf32>
    %slice3A_179 = vector.extract_strided_slice %get3A_6 {offsets = [0, 3712], sizes = [64, 128], strides = [1, 1]} : vector<64x13312xf32> to vector<64x128xf32>
    %slice3A_180 = vector.extract_strided_slice %add3A {offsets = [3712], sizes = [128], strides = [1]} : vector<13312xf32> to vector<128xf32>
    %broadcast_in_dim3A_181 = vector.shape_cast %slice3A_180 : vector<128xf32> to vector<1x128xf32>
    %mul3A_182 = vector.broadcast %broadcast_in_dim3A_181 : vector<1x128xf32> to vector<64x128xf32>
    %mul3A_183 = arith.mulf %slice3A_179, %mul3A_182 : vector<64x128xf32>
    %add3A_184 = arith.addf %add3A_178, %mul3A_183 : vector<64x128xf32>
    %slice3A_185 = vector.extract_strided_slice %get3A_6 {offsets = [0, 3840], sizes = [64, 128], strides = [1, 1]} : vector<64x13312xf32> to vector<64x128xf32>
    %slice3A_186 = vector.extract_strided_slice %add3A {offsets = [3840], sizes = [128], strides = [1]} : vector<13312xf32> to vector<128xf32>
    %broadcast_in_dim3A_187 = vector.shape_cast %slice3A_186 : vector<128xf32> to vector<1x128xf32>
    %mul3A_188 = vector.broadcast %broadcast_in_dim3A_187 : vector<1x128xf32> to vector<64x128xf32>
    %mul3A_189 = arith.mulf %slice3A_185, %mul3A_188 : vector<64x128xf32>
    %add3A_190 = arith.addf %add3A_184, %mul3A_189 : vector<64x128xf32>
    %slice3A_191 = vector.extract_strided_slice %get3A_6 {offsets = [0, 3968], sizes = [64, 128], strides = [1, 1]} : vector<64x13312xf32> to vector<64x128xf32>
    %slice3A_192 = vector.extract_strided_slice %add3A {offsets = [3968], sizes = [128], strides = [1]} : vector<13312xf32> to vector<128xf32>
    %broadcast_in_dim3A_193 = vector.shape_cast %slice3A_192 : vector<128xf32> to vector<1x128xf32>
    %mul3A_194 = vector.broadcast %broadcast_in_dim3A_193 : vector<1x128xf32> to vector<64x128xf32>
    %mul3A_195 = arith.mulf %slice3A_191, %mul3A_194 : vector<64x128xf32>
    %add3A_196 = arith.addf %add3A_190, %mul3A_195 : vector<64x128xf32>
    %slice3A_197 = vector.extract_strided_slice %get3A_6 {offsets = [0, 4096], sizes = [64, 128], strides = [1, 1]} : vector<64x13312xf32> to vector<64x128xf32>
    %slice3A_198 = vector.extract_strided_slice %add3A {offsets = [4096], sizes = [128], strides = [1]} : vector<13312xf32> to vector<128xf32>
    %broadcast_in_dim3A_199 = vector.shape_cast %slice3A_198 : vector<128xf32> to vector<1x128xf32>
    %mul3A_200 = vector.broadcast %broadcast_in_dim3A_199 : vector<1x128xf32> to vector<64x128xf32>
    %mul3A_201 = arith.mulf %slice3A_197, %mul3A_200 : vector<64x128xf32>
    %add3A_202 = arith.addf %add3A_196, %mul3A_201 : vector<64x128xf32>
    %slice3A_203 = vector.extract_strided_slice %get3A_6 {offsets = [0, 4224], sizes = [64, 128], strides = [1, 1]} : vector<64x13312xf32> to vector<64x128xf32>
    %slice3A_204 = vector.extract_strided_slice %add3A {offsets = [4224], sizes = [128], strides = [1]} : vector<13312xf32> to vector<128xf32>
    %broadcast_in_dim3A_205 = vector.shape_cast %slice3A_204 : vector<128xf32> to vector<1x128xf32>
    %mul3A_206 = vector.broadcast %broadcast_in_dim3A_205 : vector<1x128xf32> to vector<64x128xf32>
    %mul3A_207 = arith.mulf %slice3A_203, %mul3A_206 : vector<64x128xf32>
    %add3A_208 = arith.addf %add3A_202, %mul3A_207 : vector<64x128xf32>
    %slice3A_209 = vector.extract_strided_slice %get3A_6 {offsets = [0, 4352], sizes = [64, 128], strides = [1, 1]} : vector<64x13312xf32> to vector<64x128xf32>
    %slice3A_210 = vector.extract_strided_slice %add3A {offsets = [4352], sizes = [128], strides = [1]} : vector<13312xf32> to vector<128xf32>
    %broadcast_in_dim3A_211 = vector.shape_cast %slice3A_210 : vector<128xf32> to vector<1x128xf32>
    %mul3A_212 = vector.broadcast %broadcast_in_dim3A_211 : vector<1x128xf32> to vector<64x128xf32>
    %mul3A_213 = arith.mulf %slice3A_209, %mul3A_212 : vector<64x128xf32>
    %add3A_214 = arith.addf %add3A_208, %mul3A_213 : vector<64x128xf32>
    %slice3A_215 = vector.extract_strided_slice %get3A_6 {offsets = [0, 4480], sizes = [64, 128], strides = [1, 1]} : vector<64x13312xf32> to vector<64x128xf32>
    %slice3A_216 = vector.extract_strided_slice %add3A {offsets = [4480], sizes = [128], strides = [1]} : vector<13312xf32> to vector<128xf32>
    %broadcast_in_dim3A_217 = vector.shape_cast %slice3A_216 : vector<128xf32> to vector<1x128xf32>
    %mul3A_218 = vector.broadcast %broadcast_in_dim3A_217 : vector<1x128xf32> to vector<64x128xf32>
    %mul3A_219 = arith.mulf %slice3A_215, %mul3A_218 : vector<64x128xf32>
    %add3A_220 = arith.addf %add3A_214, %mul3A_219 : vector<64x128xf32>
    %slice3A_221 = vector.extract_strided_slice %get3A_6 {offsets = [0, 4608], sizes = [64, 128], strides = [1, 1]} : vector<64x13312xf32> to vector<64x128xf32>
    %slice3A_222 = vector.extract_strided_slice %add3A {offsets = [4608], sizes = [128], strides = [1]} : vector<13312xf32> to vector<128xf32>
    %broadcast_in_dim3A_223 = vector.shape_cast %slice3A_222 : vector<128xf32> to vector<1x128xf32>
    %mul3A_224 = vector.broadcast %broadcast_in_dim3A_223 : vector<1x128xf32> to vector<64x128xf32>
    %mul3A_225 = arith.mulf %slice3A_221, %mul3A_224 : vector<64x128xf32>
    %add3A_226 = arith.addf %add3A_220, %mul3A_225 : vector<64x128xf32>
    %slice3A_227 = vector.extract_strided_slice %get3A_6 {offsets = [0, 4736], sizes = [64, 128], strides = [1, 1]} : vector<64x13312xf32> to vector<64x128xf32>
    %slice3A_228 = vector.extract_strided_slice %add3A {offsets = [4736], sizes = [128], strides = [1]} : vector<13312xf32> to vector<128xf32>
    %broadcast_in_dim3A_229 = vector.shape_cast %slice3A_228 : vector<128xf32> to vector<1x128xf32>
    %mul3A_230 = vector.broadcast %broadcast_in_dim3A_229 : vector<1x128xf32> to vector<64x128xf32>
    %mul3A_231 = arith.mulf %slice3A_227, %mul3A_230 : vector<64x128xf32>
    %add3A_232 = arith.addf %add3A_226, %mul3A_231 : vector<64x128xf32>
    %slice3A_233 = vector.extract_strided_slice %get3A_6 {offsets = [0, 4864], sizes = [64, 128], strides = [1, 1]} : vector<64x13312xf32> to vector<64x128xf32>
    %slice3A_234 = vector.extract_strided_slice %add3A {offsets = [4864], sizes = [128], strides = [1]} : vector<13312xf32> to vector<128xf32>
    %broadcast_in_dim3A_235 = vector.shape_cast %slice3A_234 : vector<128xf32> to vector<1x128xf32>
    %mul3A_236 = vector.broadcast %broadcast_in_dim3A_235 : vector<1x128xf32> to vector<64x128xf32>
    %mul3A_237 = arith.mulf %slice3A_233, %mul3A_236 : vector<64x128xf32>
    %add3A_238 = arith.addf %add3A_232, %mul3A_237 : vector<64x128xf32>
    %slice3A_239 = vector.extract_strided_slice %get3A_6 {offsets = [0, 4992], sizes = [64, 128], strides = [1, 1]} : vector<64x13312xf32> to vector<64x128xf32>
    %slice3A_240 = vector.extract_strided_slice %add3A {offsets = [4992], sizes = [128], strides = [1]} : vector<13312xf32> to vector<128xf32>
    %broadcast_in_dim3A_241 = vector.shape_cast %slice3A_240 : vector<128xf32> to vector<1x128xf32>
    %mul3A_242 = vector.broadcast %broadcast_in_dim3A_241 : vector<1x128xf32> to vector<64x128xf32>
    %mul3A_243 = arith.mulf %slice3A_239, %mul3A_242 : vector<64x128xf32>
    %add3A_244 = arith.addf %add3A_238, %mul3A_243 : vector<64x128xf32>
    %slice3A_245 = vector.extract_strided_slice %get3A_6 {offsets = [0, 5120], sizes = [64, 128], strides = [1, 1]} : vector<64x13312xf32> to vector<64x128xf32>
    %slice3A_246 = vector.extract_strided_slice %add3A {offsets = [5120], sizes = [128], strides = [1]} : vector<13312xf32> to vector<128xf32>
    %broadcast_in_dim3A_247 = vector.shape_cast %slice3A_246 : vector<128xf32> to vector<1x128xf32>
    %mul3A_248 = vector.broadcast %broadcast_in_dim3A_247 : vector<1x128xf32> to vector<64x128xf32>
    %mul3A_249 = arith.mulf %slice3A_245, %mul3A_248 : vector<64x128xf32>
    %add3A_250 = arith.addf %add3A_244, %mul3A_249 : vector<64x128xf32>
    %slice3A_251 = vector.extract_strided_slice %get3A_6 {offsets = [0, 5248], sizes = [64, 128], strides = [1, 1]} : vector<64x13312xf32> to vector<64x128xf32>
    %slice3A_252 = vector.extract_strided_slice %add3A {offsets = [5248], sizes = [128], strides = [1]} : vector<13312xf32> to vector<128xf32>
    %broadcast_in_dim3A_253 = vector.shape_cast %slice3A_252 : vector<128xf32> to vector<1x128xf32>
    %mul3A_254 = vector.broadcast %broadcast_in_dim3A_253 : vector<1x128xf32> to vector<64x128xf32>
    %mul3A_255 = arith.mulf %slice3A_251, %mul3A_254 : vector<64x128xf32>
    %add3A_256 = arith.addf %add3A_250, %mul3A_255 : vector<64x128xf32>
    %slice3A_257 = vector.extract_strided_slice %get3A_6 {offsets = [0, 5376], sizes = [64, 128], strides = [1, 1]} : vector<64x13312xf32> to vector<64x128xf32>
    %slice3A_258 = vector.extract_strided_slice %add3A {offsets = [5376], sizes = [128], strides = [1]} : vector<13312xf32> to vector<128xf32>
    %broadcast_in_dim3A_259 = vector.shape_cast %slice3A_258 : vector<128xf32> to vector<1x128xf32>
    %mul3A_260 = vector.broadcast %broadcast_in_dim3A_259 : vector<1x128xf32> to vector<64x128xf32>
    %mul3A_261 = arith.mulf %slice3A_257, %mul3A_260 : vector<64x128xf32>
    %add3A_262 = arith.addf %add3A_256, %mul3A_261 : vector<64x128xf32>
    %slice3A_263 = vector.extract_strided_slice %get3A_6 {offsets = [0, 5504], sizes = [64, 128], strides = [1, 1]} : vector<64x13312xf32> to vector<64x128xf32>
    %slice3A_264 = vector.extract_strided_slice %add3A {offsets = [5504], sizes = [128], strides = [1]} : vector<13312xf32> to vector<128xf32>
    %broadcast_in_dim3A_265 = vector.shape_cast %slice3A_264 : vector<128xf32> to vector<1x128xf32>
    %mul3A_266 = vector.broadcast %broadcast_in_dim3A_265 : vector<1x128xf32> to vector<64x128xf32>
    %mul3A_267 = arith.mulf %slice3A_263, %mul3A_266 : vector<64x128xf32>
    %add3A_268 = arith.addf %add3A_262, %mul3A_267 : vector<64x128xf32>
    %slice3A_269 = vector.extract_strided_slice %get3A_6 {offsets = [0, 5632], sizes = [64, 128], strides = [1, 1]} : vector<64x13312xf32> to vector<64x128xf32>
    %slice3A_270 = vector.extract_strided_slice %add3A {offsets = [5632], sizes = [128], strides = [1]} : vector<13312xf32> to vector<128xf32>
    %broadcast_in_dim3A_271 = vector.shape_cast %slice3A_270 : vector<128xf32> to vector<1x128xf32>
    %mul3A_272 = vector.broadcast %broadcast_in_dim3A_271 : vector<1x128xf32> to vector<64x128xf32>
    %mul3A_273 = arith.mulf %slice3A_269, %mul3A_272 : vector<64x128xf32>
    %add3A_274 = arith.addf %add3A_268, %mul3A_273 : vector<64x128xf32>
    %slice3A_275 = vector.extract_strided_slice %get3A_6 {offsets = [0, 5760], sizes = [64, 128], strides = [1, 1]} : vector<64x13312xf32> to vector<64x128xf32>
    %slice3A_276 = vector.extract_strided_slice %add3A {offsets = [5760], sizes = [128], strides = [1]} : vector<13312xf32> to vector<128xf32>
    %broadcast_in_dim3A_277 = vector.shape_cast %slice3A_276 : vector<128xf32> to vector<1x128xf32>
    %mul3A_278 = vector.broadcast %broadcast_in_dim3A_277 : vector<1x128xf32> to vector<64x128xf32>
    %mul3A_279 = arith.mulf %slice3A_275, %mul3A_278 : vector<64x128xf32>
    %add3A_280 = arith.addf %add3A_274, %mul3A_279 : vector<64x128xf32>
    %slice3A_281 = vector.extract_strided_slice %get3A_6 {offsets = [0, 5888], sizes = [64, 128], strides = [1, 1]} : vector<64x13312xf32> to vector<64x128xf32>
    %slice3A_282 = vector.extract_strided_slice %add3A {offsets = [5888], sizes = [128], strides = [1]} : vector<13312xf32> to vector<128xf32>
    %broadcast_in_dim3A_283 = vector.shape_cast %slice3A_282 : vector<128xf32> to vector<1x128xf32>
    %mul3A_284 = vector.broadcast %broadcast_in_dim3A_283 : vector<1x128xf32> to vector<64x128xf32>
    %mul3A_285 = arith.mulf %slice3A_281, %mul3A_284 : vector<64x128xf32>
    %add3A_286 = arith.addf %add3A_280, %mul3A_285 : vector<64x128xf32>
    %slice3A_287 = vector.extract_strided_slice %get3A_6 {offsets = [0, 6016], sizes = [64, 128], strides = [1, 1]} : vector<64x13312xf32> to vector<64x128xf32>
    %slice3A_288 = vector.extract_strided_slice %add3A {offsets = [6016], sizes = [128], strides = [1]} : vector<13312xf32> to vector<128xf32>
    %broadcast_in_dim3A_289 = vector.shape_cast %slice3A_288 : vector<128xf32> to vector<1x128xf32>
    %mul3A_290 = vector.broadcast %broadcast_in_dim3A_289 : vector<1x128xf32> to vector<64x128xf32>
    %mul3A_291 = arith.mulf %slice3A_287, %mul3A_290 : vector<64x128xf32>
    %add3A_292 = arith.addf %add3A_286, %mul3A_291 : vector<64x128xf32>
    %slice3A_293 = vector.extract_strided_slice %get3A_6 {offsets = [0, 6144], sizes = [64, 128], strides = [1, 1]} : vector<64x13312xf32> to vector<64x128xf32>
    %slice3A_294 = vector.extract_strided_slice %add3A {offsets = [6144], sizes = [128], strides = [1]} : vector<13312xf32> to vector<128xf32>
    %broadcast_in_dim3A_295 = vector.shape_cast %slice3A_294 : vector<128xf32> to vector<1x128xf32>
    %mul3A_296 = vector.broadcast %broadcast_in_dim3A_295 : vector<1x128xf32> to vector<64x128xf32>
    %mul3A_297 = arith.mulf %slice3A_293, %mul3A_296 : vector<64x128xf32>
    %add3A_298 = arith.addf %add3A_292, %mul3A_297 : vector<64x128xf32>
    %slice3A_299 = vector.extract_strided_slice %get3A_6 {offsets = [0, 6272], sizes = [64, 128], strides = [1, 1]} : vector<64x13312xf32> to vector<64x128xf32>
    %slice3A_300 = vector.extract_strided_slice %add3A {offsets = [6272], sizes = [128], strides = [1]} : vector<13312xf32> to vector<128xf32>
    %broadcast_in_dim3A_301 = vector.shape_cast %slice3A_300 : vector<128xf32> to vector<1x128xf32>
    %mul3A_302 = vector.broadcast %broadcast_in_dim3A_301 : vector<1x128xf32> to vector<64x128xf32>
    %mul3A_303 = arith.mulf %slice3A_299, %mul3A_302 : vector<64x128xf32>
    %add3A_304 = arith.addf %add3A_298, %mul3A_303 : vector<64x128xf32>
    %slice3A_305 = vector.extract_strided_slice %get3A_6 {offsets = [0, 6400], sizes = [64, 128], strides = [1, 1]} : vector<64x13312xf32> to vector<64x128xf32>
    %slice3A_306 = vector.extract_strided_slice %add3A {offsets = [6400], sizes = [128], strides = [1]} : vector<13312xf32> to vector<128xf32>
    %broadcast_in_dim3A_307 = vector.shape_cast %slice3A_306 : vector<128xf32> to vector<1x128xf32>
    %mul3A_308 = vector.broadcast %broadcast_in_dim3A_307 : vector<1x128xf32> to vector<64x128xf32>
    %mul3A_309 = arith.mulf %slice3A_305, %mul3A_308 : vector<64x128xf32>
    %add3A_310 = arith.addf %add3A_304, %mul3A_309 : vector<64x128xf32>
    %slice3A_311 = vector.extract_strided_slice %get3A_6 {offsets = [0, 6528], sizes = [64, 128], strides = [1, 1]} : vector<64x13312xf32> to vector<64x128xf32>
    %slice3A_312 = vector.extract_strided_slice %add3A {offsets = [6528], sizes = [128], strides = [1]} : vector<13312xf32> to vector<128xf32>
    %broadcast_in_dim3A_313 = vector.shape_cast %slice3A_312 : vector<128xf32> to vector<1x128xf32>
    %mul3A_314 = vector.broadcast %broadcast_in_dim3A_313 : vector<1x128xf32> to vector<64x128xf32>
    %mul3A_315 = arith.mulf %slice3A_311, %mul3A_314 : vector<64x128xf32>
    %add3A_316 = arith.addf %add3A_310, %mul3A_315 : vector<64x128xf32>
    %slice3A_317 = vector.extract_strided_slice %get3A_6 {offsets = [0, 6656], sizes = [64, 128], strides = [1, 1]} : vector<64x13312xf32> to vector<64x128xf32>
    %slice3A_318 = vector.extract_strided_slice %add3A {offsets = [6656], sizes = [128], strides = [1]} : vector<13312xf32> to vector<128xf32>
    %broadcast_in_dim3A_319 = vector.shape_cast %slice3A_318 : vector<128xf32> to vector<1x128xf32>
    %mul3A_320 = vector.broadcast %broadcast_in_dim3A_319 : vector<1x128xf32> to vector<64x128xf32>
    %mul3A_321 = arith.mulf %slice3A_317, %mul3A_320 : vector<64x128xf32>
    %add3A_322 = arith.addf %add3A_316, %mul3A_321 : vector<64x128xf32>
    %slice3A_323 = vector.extract_strided_slice %get3A_6 {offsets = [0, 6784], sizes = [64, 128], strides = [1, 1]} : vector<64x13312xf32> to vector<64x128xf32>
    %slice3A_324 = vector.extract_strided_slice %add3A {offsets = [6784], sizes = [128], strides = [1]} : vector<13312xf32> to vector<128xf32>
    %broadcast_in_dim3A_325 = vector.shape_cast %slice3A_324 : vector<128xf32> to vector<1x128xf32>
    %mul3A_326 = vector.broadcast %broadcast_in_dim3A_325 : vector<1x128xf32> to vector<64x128xf32>
    %mul3A_327 = arith.mulf %slice3A_323, %mul3A_326 : vector<64x128xf32>
    %add3A_328 = arith.addf %add3A_322, %mul3A_327 : vector<64x128xf32>
    %slice3A_329 = vector.extract_strided_slice %get3A_6 {offsets = [0, 6912], sizes = [64, 128], strides = [1, 1]} : vector<64x13312xf32> to vector<64x128xf32>
    %slice3A_330 = vector.extract_strided_slice %add3A {offsets = [6912], sizes = [128], strides = [1]} : vector<13312xf32> to vector<128xf32>
    %broadcast_in_dim3A_331 = vector.shape_cast %slice3A_330 : vector<128xf32> to vector<1x128xf32>
    %mul3A_332 = vector.broadcast %broadcast_in_dim3A_331 : vector<1x128xf32> to vector<64x128xf32>
    %mul3A_333 = arith.mulf %slice3A_329, %mul3A_332 : vector<64x128xf32>
    %add3A_334 = arith.addf %add3A_328, %mul3A_333 : vector<64x128xf32>
    %slice3A_335 = vector.extract_strided_slice %get3A_6 {offsets = [0, 7040], sizes = [64, 128], strides = [1, 1]} : vector<64x13312xf32> to vector<64x128xf32>
    %slice3A_336 = vector.extract_strided_slice %add3A {offsets = [7040], sizes = [128], strides = [1]} : vector<13312xf32> to vector<128xf32>
    %broadcast_in_dim3A_337 = vector.shape_cast %slice3A_336 : vector<128xf32> to vector<1x128xf32>
    %mul3A_338 = vector.broadcast %broadcast_in_dim3A_337 : vector<1x128xf32> to vector<64x128xf32>
    %mul3A_339 = arith.mulf %slice3A_335, %mul3A_338 : vector<64x128xf32>
    %add3A_340 = arith.addf %add3A_334, %mul3A_339 : vector<64x128xf32>
    %slice3A_341 = vector.extract_strided_slice %get3A_6 {offsets = [0, 7168], sizes = [64, 128], strides = [1, 1]} : vector<64x13312xf32> to vector<64x128xf32>
    %slice3A_342 = vector.extract_strided_slice %add3A {offsets = [7168], sizes = [128], strides = [1]} : vector<13312xf32> to vector<128xf32>
    %broadcast_in_dim3A_343 = vector.shape_cast %slice3A_342 : vector<128xf32> to vector<1x128xf32>
    %mul3A_344 = vector.broadcast %broadcast_in_dim3A_343 : vector<1x128xf32> to vector<64x128xf32>
    %mul3A_345 = arith.mulf %slice3A_341, %mul3A_344 : vector<64x128xf32>
    %add3A_346 = arith.addf %add3A_340, %mul3A_345 : vector<64x128xf32>
    %slice3A_347 = vector.extract_strided_slice %get3A_6 {offsets = [0, 7296], sizes = [64, 128], strides = [1, 1]} : vector<64x13312xf32> to vector<64x128xf32>
    %slice3A_348 = vector.extract_strided_slice %add3A {offsets = [7296], sizes = [128], strides = [1]} : vector<13312xf32> to vector<128xf32>
    %broadcast_in_dim3A_349 = vector.shape_cast %slice3A_348 : vector<128xf32> to vector<1x128xf32>
    %mul3A_350 = vector.broadcast %broadcast_in_dim3A_349 : vector<1x128xf32> to vector<64x128xf32>
    %mul3A_351 = arith.mulf %slice3A_347, %mul3A_350 : vector<64x128xf32>
    %add3A_352 = arith.addf %add3A_346, %mul3A_351 : vector<64x128xf32>
    %slice3A_353 = vector.extract_strided_slice %get3A_6 {offsets = [0, 7424], sizes = [64, 128], strides = [1, 1]} : vector<64x13312xf32> to vector<64x128xf32>
    %slice3A_354 = vector.extract_strided_slice %add3A {offsets = [7424], sizes = [128], strides = [1]} : vector<13312xf32> to vector<128xf32>
    %broadcast_in_dim3A_355 = vector.shape_cast %slice3A_354 : vector<128xf32> to vector<1x128xf32>
    %mul3A_356 = vector.broadcast %broadcast_in_dim3A_355 : vector<1x128xf32> to vector<64x128xf32>
    %mul3A_357 = arith.mulf %slice3A_353, %mul3A_356 : vector<64x128xf32>
    %add3A_358 = arith.addf %add3A_352, %mul3A_357 : vector<64x128xf32>
    %slice3A_359 = vector.extract_strided_slice %get3A_6 {offsets = [0, 7552], sizes = [64, 128], strides = [1, 1]} : vector<64x13312xf32> to vector<64x128xf32>
    %slice3A_360 = vector.extract_strided_slice %add3A {offsets = [7552], sizes = [128], strides = [1]} : vector<13312xf32> to vector<128xf32>
    %broadcast_in_dim3A_361 = vector.shape_cast %slice3A_360 : vector<128xf32> to vector<1x128xf32>
    %mul3A_362 = vector.broadcast %broadcast_in_dim3A_361 : vector<1x128xf32> to vector<64x128xf32>
    %mul3A_363 = arith.mulf %slice3A_359, %mul3A_362 : vector<64x128xf32>
    %add3A_364 = arith.addf %add3A_358, %mul3A_363 : vector<64x128xf32>
    %slice3A_365 = vector.extract_strided_slice %get3A_6 {offsets = [0, 7680], sizes = [64, 128], strides = [1, 1]} : vector<64x13312xf32> to vector<64x128xf32>
    %slice3A_366 = vector.extract_strided_slice %add3A {offsets = [7680], sizes = [128], strides = [1]} : vector<13312xf32> to vector<128xf32>
    %broadcast_in_dim3A_367 = vector.shape_cast %slice3A_366 : vector<128xf32> to vector<1x128xf32>
    %mul3A_368 = vector.broadcast %broadcast_in_dim3A_367 : vector<1x128xf32> to vector<64x128xf32>
    %mul3A_369 = arith.mulf %slice3A_365, %mul3A_368 : vector<64x128xf32>
    %add3A_370 = arith.addf %add3A_364, %mul3A_369 : vector<64x128xf32>
    %slice3A_371 = vector.extract_strided_slice %get3A_6 {offsets = [0, 7808], sizes = [64, 128], strides = [1, 1]} : vector<64x13312xf32> to vector<64x128xf32>
    %slice3A_372 = vector.extract_strided_slice %add3A {offsets = [7808], sizes = [128], strides = [1]} : vector<13312xf32> to vector<128xf32>
    %broadcast_in_dim3A_373 = vector.shape_cast %slice3A_372 : vector<128xf32> to vector<1x128xf32>
    %mul3A_374 = vector.broadcast %broadcast_in_dim3A_373 : vector<1x128xf32> to vector<64x128xf32>
    %mul3A_375 = arith.mulf %slice3A_371, %mul3A_374 : vector<64x128xf32>
    %add3A_376 = arith.addf %add3A_370, %mul3A_375 : vector<64x128xf32>
    %slice3A_377 = vector.extract_strided_slice %get3A_6 {offsets = [0, 7936], sizes = [64, 128], strides = [1, 1]} : vector<64x13312xf32> to vector<64x128xf32>
    %slice3A_378 = vector.extract_strided_slice %add3A {offsets = [7936], sizes = [128], strides = [1]} : vector<13312xf32> to vector<128xf32>
    %broadcast_in_dim3A_379 = vector.shape_cast %slice3A_378 : vector<128xf32> to vector<1x128xf32>
    %mul3A_380 = vector.broadcast %broadcast_in_dim3A_379 : vector<1x128xf32> to vector<64x128xf32>
    %mul3A_381 = arith.mulf %slice3A_377, %mul3A_380 : vector<64x128xf32>
    %add3A_382 = arith.addf %add3A_376, %mul3A_381 : vector<64x128xf32>
    %slice3A_383 = vector.extract_strided_slice %get3A_6 {offsets = [0, 8064], sizes = [64, 128], strides = [1, 1]} : vector<64x13312xf32> to vector<64x128xf32>
    %slice3A_384 = vector.extract_strided_slice %add3A {offsets = [8064], sizes = [128], strides = [1]} : vector<13312xf32> to vector<128xf32>
    %broadcast_in_dim3A_385 = vector.shape_cast %slice3A_384 : vector<128xf32> to vector<1x128xf32>
    %mul3A_386 = vector.broadcast %broadcast_in_dim3A_385 : vector<1x128xf32> to vector<64x128xf32>
    %mul3A_387 = arith.mulf %slice3A_383, %mul3A_386 : vector<64x128xf32>
    %add3A_388 = arith.addf %add3A_382, %mul3A_387 : vector<64x128xf32>
    %slice3A_389 = vector.extract_strided_slice %get3A_6 {offsets = [0, 8192], sizes = [64, 128], strides = [1, 1]} : vector<64x13312xf32> to vector<64x128xf32>
    %slice3A_390 = vector.extract_strided_slice %add3A {offsets = [8192], sizes = [128], strides = [1]} : vector<13312xf32> to vector<128xf32>
    %broadcast_in_dim3A_391 = vector.shape_cast %slice3A_390 : vector<128xf32> to vector<1x128xf32>
    %mul3A_392 = vector.broadcast %broadcast_in_dim3A_391 : vector<1x128xf32> to vector<64x128xf32>
    %mul3A_393 = arith.mulf %slice3A_389, %mul3A_392 : vector<64x128xf32>
    %add3A_394 = arith.addf %add3A_388, %mul3A_393 : vector<64x128xf32>
    %slice3A_395 = vector.extract_strided_slice %get3A_6 {offsets = [0, 8320], sizes = [64, 128], strides = [1, 1]} : vector<64x13312xf32> to vector<64x128xf32>
    %slice3A_396 = vector.extract_strided_slice %add3A {offsets = [8320], sizes = [128], strides = [1]} : vector<13312xf32> to vector<128xf32>
    %broadcast_in_dim3A_397 = vector.shape_cast %slice3A_396 : vector<128xf32> to vector<1x128xf32>
    %mul3A_398 = vector.broadcast %broadcast_in_dim3A_397 : vector<1x128xf32> to vector<64x128xf32>
    %mul3A_399 = arith.mulf %slice3A_395, %mul3A_398 : vector<64x128xf32>
    %add3A_400 = arith.addf %add3A_394, %mul3A_399 : vector<64x128xf32>
    %slice3A_401 = vector.extract_strided_slice %get3A_6 {offsets = [0, 8448], sizes = [64, 128], strides = [1, 1]} : vector<64x13312xf32> to vector<64x128xf32>
    %slice3A_402 = vector.extract_strided_slice %add3A {offsets = [8448], sizes = [128], strides = [1]} : vector<13312xf32> to vector<128xf32>
    %broadcast_in_dim3A_403 = vector.shape_cast %slice3A_402 : vector<128xf32> to vector<1x128xf32>
    %mul3A_404 = vector.broadcast %broadcast_in_dim3A_403 : vector<1x128xf32> to vector<64x128xf32>
    %mul3A_405 = arith.mulf %slice3A_401, %mul3A_404 : vector<64x128xf32>
    %add3A_406 = arith.addf %add3A_400, %mul3A_405 : vector<64x128xf32>
    %slice3A_407 = vector.extract_strided_slice %get3A_6 {offsets = [0, 8576], sizes = [64, 128], strides = [1, 1]} : vector<64x13312xf32> to vector<64x128xf32>
    %slice3A_408 = vector.extract_strided_slice %add3A {offsets = [8576], sizes = [128], strides = [1]} : vector<13312xf32> to vector<128xf32>
    %broadcast_in_dim3A_409 = vector.shape_cast %slice3A_408 : vector<128xf32> to vector<1x128xf32>
    %mul3A_410 = vector.broadcast %broadcast_in_dim3A_409 : vector<1x128xf32> to vector<64x128xf32>
    %mul3A_411 = arith.mulf %slice3A_407, %mul3A_410 : vector<64x128xf32>
    %add3A_412 = arith.addf %add3A_406, %mul3A_411 : vector<64x128xf32>
    %slice3A_413 = vector.extract_strided_slice %get3A_6 {offsets = [0, 8704], sizes = [64, 128], strides = [1, 1]} : vector<64x13312xf32> to vector<64x128xf32>
    %slice3A_414 = vector.extract_strided_slice %add3A {offsets = [8704], sizes = [128], strides = [1]} : vector<13312xf32> to vector<128xf32>
    %broadcast_in_dim3A_415 = vector.shape_cast %slice3A_414 : vector<128xf32> to vector<1x128xf32>
    %mul3A_416 = vector.broadcast %broadcast_in_dim3A_415 : vector<1x128xf32> to vector<64x128xf32>
    %mul3A_417 = arith.mulf %slice3A_413, %mul3A_416 : vector<64x128xf32>
    %add3A_418 = arith.addf %add3A_412, %mul3A_417 : vector<64x128xf32>
    %slice3A_419 = vector.extract_strided_slice %get3A_6 {offsets = [0, 8832], sizes = [64, 128], strides = [1, 1]} : vector<64x13312xf32> to vector<64x128xf32>
    %slice3A_420 = vector.extract_strided_slice %add3A {offsets = [8832], sizes = [128], strides = [1]} : vector<13312xf32> to vector<128xf32>
    %broadcast_in_dim3A_421 = vector.shape_cast %slice3A_420 : vector<128xf32> to vector<1x128xf32>
    %mul3A_422 = vector.broadcast %broadcast_in_dim3A_421 : vector<1x128xf32> to vector<64x128xf32>
    %mul3A_423 = arith.mulf %slice3A_419, %mul3A_422 : vector<64x128xf32>
    %add3A_424 = arith.addf %add3A_418, %mul3A_423 : vector<64x128xf32>
    %slice3A_425 = vector.extract_strided_slice %get3A_6 {offsets = [0, 8960], sizes = [64, 128], strides = [1, 1]} : vector<64x13312xf32> to vector<64x128xf32>
    %slice3A_426 = vector.extract_strided_slice %add3A {offsets = [8960], sizes = [128], strides = [1]} : vector<13312xf32> to vector<128xf32>
    %broadcast_in_dim3A_427 = vector.shape_cast %slice3A_426 : vector<128xf32> to vector<1x128xf32>
    %mul3A_428 = vector.broadcast %broadcast_in_dim3A_427 : vector<1x128xf32> to vector<64x128xf32>
    %mul3A_429 = arith.mulf %slice3A_425, %mul3A_428 : vector<64x128xf32>
    %add3A_430 = arith.addf %add3A_424, %mul3A_429 : vector<64x128xf32>
    %slice3A_431 = vector.extract_strided_slice %get3A_6 {offsets = [0, 9088], sizes = [64, 128], strides = [1, 1]} : vector<64x13312xf32> to vector<64x128xf32>
    %slice3A_432 = vector.extract_strided_slice %add3A {offsets = [9088], sizes = [128], strides = [1]} : vector<13312xf32> to vector<128xf32>
    %broadcast_in_dim3A_433 = vector.shape_cast %slice3A_432 : vector<128xf32> to vector<1x128xf32>
    %mul3A_434 = vector.broadcast %broadcast_in_dim3A_433 : vector<1x128xf32> to vector<64x128xf32>
    %mul3A_435 = arith.mulf %slice3A_431, %mul3A_434 : vector<64x128xf32>
    %add3A_436 = arith.addf %add3A_430, %mul3A_435 : vector<64x128xf32>
    %slice3A_437 = vector.extract_strided_slice %get3A_6 {offsets = [0, 9216], sizes = [64, 128], strides = [1, 1]} : vector<64x13312xf32> to vector<64x128xf32>
    %slice3A_438 = vector.extract_strided_slice %add3A {offsets = [9216], sizes = [128], strides = [1]} : vector<13312xf32> to vector<128xf32>
    %broadcast_in_dim3A_439 = vector.shape_cast %slice3A_438 : vector<128xf32> to vector<1x128xf32>
    %mul3A_440 = vector.broadcast %broadcast_in_dim3A_439 : vector<1x128xf32> to vector<64x128xf32>
    %mul3A_441 = arith.mulf %slice3A_437, %mul3A_440 : vector<64x128xf32>
    %add3A_442 = arith.addf %add3A_436, %mul3A_441 : vector<64x128xf32>
    %slice3A_443 = vector.extract_strided_slice %get3A_6 {offsets = [0, 9344], sizes = [64, 128], strides = [1, 1]} : vector<64x13312xf32> to vector<64x128xf32>
    %slice3A_444 = vector.extract_strided_slice %add3A {offsets = [9344], sizes = [128], strides = [1]} : vector<13312xf32> to vector<128xf32>
    %broadcast_in_dim3A_445 = vector.shape_cast %slice3A_444 : vector<128xf32> to vector<1x128xf32>
    %mul3A_446 = vector.broadcast %broadcast_in_dim3A_445 : vector<1x128xf32> to vector<64x128xf32>
    %mul3A_447 = arith.mulf %slice3A_443, %mul3A_446 : vector<64x128xf32>
    %add3A_448 = arith.addf %add3A_442, %mul3A_447 : vector<64x128xf32>
    %slice3A_449 = vector.extract_strided_slice %get3A_6 {offsets = [0, 9472], sizes = [64, 128], strides = [1, 1]} : vector<64x13312xf32> to vector<64x128xf32>
    %slice3A_450 = vector.extract_strided_slice %add3A {offsets = [9472], sizes = [128], strides = [1]} : vector<13312xf32> to vector<128xf32>
    %broadcast_in_dim3A_451 = vector.shape_cast %slice3A_450 : vector<128xf32> to vector<1x128xf32>
    %mul3A_452 = vector.broadcast %broadcast_in_dim3A_451 : vector<1x128xf32> to vector<64x128xf32>
    %mul3A_453 = arith.mulf %slice3A_449, %mul3A_452 : vector<64x128xf32>
    %add3A_454 = arith.addf %add3A_448, %mul3A_453 : vector<64x128xf32>
    %slice3A_455 = vector.extract_strided_slice %get3A_6 {offsets = [0, 9600], sizes = [64, 128], strides = [1, 1]} : vector<64x13312xf32> to vector<64x128xf32>
    %slice3A_456 = vector.extract_strided_slice %add3A {offsets = [9600], sizes = [128], strides = [1]} : vector<13312xf32> to vector<128xf32>
    %broadcast_in_dim3A_457 = vector.shape_cast %slice3A_456 : vector<128xf32> to vector<1x128xf32>
    %mul3A_458 = vector.broadcast %broadcast_in_dim3A_457 : vector<1x128xf32> to vector<64x128xf32>
    %mul3A_459 = arith.mulf %slice3A_455, %mul3A_458 : vector<64x128xf32>
    %add3A_460 = arith.addf %add3A_454, %mul3A_459 : vector<64x128xf32>
    %slice3A_461 = vector.extract_strided_slice %get3A_6 {offsets = [0, 9728], sizes = [64, 128], strides = [1, 1]} : vector<64x13312xf32> to vector<64x128xf32>
    %slice3A_462 = vector.extract_strided_slice %add3A {offsets = [9728], sizes = [128], strides = [1]} : vector<13312xf32> to vector<128xf32>
    %broadcast_in_dim3A_463 = vector.shape_cast %slice3A_462 : vector<128xf32> to vector<1x128xf32>
    %mul3A_464 = vector.broadcast %broadcast_in_dim3A_463 : vector<1x128xf32> to vector<64x128xf32>
    %mul3A_465 = arith.mulf %slice3A_461, %mul3A_464 : vector<64x128xf32>
    %add3A_466 = arith.addf %add3A_460, %mul3A_465 : vector<64x128xf32>
    %slice3A_467 = vector.extract_strided_slice %get3A_6 {offsets = [0, 9856], sizes = [64, 128], strides = [1, 1]} : vector<64x13312xf32> to vector<64x128xf32>
    %slice3A_468 = vector.extract_strided_slice %add3A {offsets = [9856], sizes = [128], strides = [1]} : vector<13312xf32> to vector<128xf32>
    %broadcast_in_dim3A_469 = vector.shape_cast %slice3A_468 : vector<128xf32> to vector<1x128xf32>
    %mul3A_470 = vector.broadcast %broadcast_in_dim3A_469 : vector<1x128xf32> to vector<64x128xf32>
    %mul3A_471 = arith.mulf %slice3A_467, %mul3A_470 : vector<64x128xf32>
    %add3A_472 = arith.addf %add3A_466, %mul3A_471 : vector<64x128xf32>
    %slice3A_473 = vector.extract_strided_slice %get3A_6 {offsets = [0, 9984], sizes = [64, 128], strides = [1, 1]} : vector<64x13312xf32> to vector<64x128xf32>
    %slice3A_474 = vector.extract_strided_slice %add3A {offsets = [9984], sizes = [128], strides = [1]} : vector<13312xf32> to vector<128xf32>
    %broadcast_in_dim3A_475 = vector.shape_cast %slice3A_474 : vector<128xf32> to vector<1x128xf32>
    %mul3A_476 = vector.broadcast %broadcast_in_dim3A_475 : vector<1x128xf32> to vector<64x128xf32>
    %mul3A_477 = arith.mulf %slice3A_473, %mul3A_476 : vector<64x128xf32>
    %add3A_478 = arith.addf %add3A_472, %mul3A_477 : vector<64x128xf32>
    %slice3A_479 = vector.extract_strided_slice %get3A_6 {offsets = [0, 10112], sizes = [64, 128], strides = [1, 1]} : vector<64x13312xf32> to vector<64x128xf32>
    %slice3A_480 = vector.extract_strided_slice %add3A {offsets = [10112], sizes = [128], strides = [1]} : vector<13312xf32> to vector<128xf32>
    %broadcast_in_dim3A_481 = vector.shape_cast %slice3A_480 : vector<128xf32> to vector<1x128xf32>
    %mul3A_482 = vector.broadcast %broadcast_in_dim3A_481 : vector<1x128xf32> to vector<64x128xf32>
    %mul3A_483 = arith.mulf %slice3A_479, %mul3A_482 : vector<64x128xf32>
    %add3A_484 = arith.addf %add3A_478, %mul3A_483 : vector<64x128xf32>
    %slice3A_485 = vector.extract_strided_slice %get3A_6 {offsets = [0, 10240], sizes = [64, 128], strides = [1, 1]} : vector<64x13312xf32> to vector<64x128xf32>
    %slice3A_486 = vector.extract_strided_slice %add3A {offsets = [10240], sizes = [128], strides = [1]} : vector<13312xf32> to vector<128xf32>
    %broadcast_in_dim3A_487 = vector.shape_cast %slice3A_486 : vector<128xf32> to vector<1x128xf32>
    %mul3A_488 = vector.broadcast %broadcast_in_dim3A_487 : vector<1x128xf32> to vector<64x128xf32>
    %mul3A_489 = arith.mulf %slice3A_485, %mul3A_488 : vector<64x128xf32>
    %add3A_490 = arith.addf %add3A_484, %mul3A_489 : vector<64x128xf32>
    %slice3A_491 = vector.extract_strided_slice %get3A_6 {offsets = [0, 10368], sizes = [64, 128], strides = [1, 1]} : vector<64x13312xf32> to vector<64x128xf32>
    %slice3A_492 = vector.extract_strided_slice %add3A {offsets = [10368], sizes = [128], strides = [1]} : vector<13312xf32> to vector<128xf32>
    %broadcast_in_dim3A_493 = vector.shape_cast %slice3A_492 : vector<128xf32> to vector<1x128xf32>
    %mul3A_494 = vector.broadcast %broadcast_in_dim3A_493 : vector<1x128xf32> to vector<64x128xf32>
    %mul3A_495 = arith.mulf %slice3A_491, %mul3A_494 : vector<64x128xf32>
    %add3A_496 = arith.addf %add3A_490, %mul3A_495 : vector<64x128xf32>
    %slice3A_497 = vector.extract_strided_slice %get3A_6 {offsets = [0, 10496], sizes = [64, 128], strides = [1, 1]} : vector<64x13312xf32> to vector<64x128xf32>
    %slice3A_498 = vector.extract_strided_slice %add3A {offsets = [10496], sizes = [128], strides = [1]} : vector<13312xf32> to vector<128xf32>
    %broadcast_in_dim3A_499 = vector.shape_cast %slice3A_498 : vector<128xf32> to vector<1x128xf32>
    %mul3A_500 = vector.broadcast %broadcast_in_dim3A_499 : vector<1x128xf32> to vector<64x128xf32>
    %mul3A_501 = arith.mulf %slice3A_497, %mul3A_500 : vector<64x128xf32>
    %add3A_502 = arith.addf %add3A_496, %mul3A_501 : vector<64x128xf32>
    %slice3A_503 = vector.extract_strided_slice %get3A_6 {offsets = [0, 10624], sizes = [64, 128], strides = [1, 1]} : vector<64x13312xf32> to vector<64x128xf32>
    %slice3A_504 = vector.extract_strided_slice %add3A {offsets = [10624], sizes = [128], strides = [1]} : vector<13312xf32> to vector<128xf32>
    %broadcast_in_dim3A_505 = vector.shape_cast %slice3A_504 : vector<128xf32> to vector<1x128xf32>
    %mul3A_506 = vector.broadcast %broadcast_in_dim3A_505 : vector<1x128xf32> to vector<64x128xf32>
    %mul3A_507 = arith.mulf %slice3A_503, %mul3A_506 : vector<64x128xf32>
    %add3A_508 = arith.addf %add3A_502, %mul3A_507 : vector<64x128xf32>
    %slice3A_509 = vector.extract_strided_slice %get3A_6 {offsets = [0, 10752], sizes = [64, 128], strides = [1, 1]} : vector<64x13312xf32> to vector<64x128xf32>
    %slice3A_510 = vector.extract_strided_slice %add3A {offsets = [10752], sizes = [128], strides = [1]} : vector<13312xf32> to vector<128xf32>
    %broadcast_in_dim3A_511 = vector.shape_cast %slice3A_510 : vector<128xf32> to vector<1x128xf32>
    %mul3A_512 = vector.broadcast %broadcast_in_dim3A_511 : vector<1x128xf32> to vector<64x128xf32>
    %mul3A_513 = arith.mulf %slice3A_509, %mul3A_512 : vector<64x128xf32>
    %add3A_514 = arith.addf %add3A_508, %mul3A_513 : vector<64x128xf32>
    %slice3A_515 = vector.extract_strided_slice %get3A_6 {offsets = [0, 10880], sizes = [64, 128], strides = [1, 1]} : vector<64x13312xf32> to vector<64x128xf32>
    %slice3A_516 = vector.extract_strided_slice %add3A {offsets = [10880], sizes = [128], strides = [1]} : vector<13312xf32> to vector<128xf32>
    %broadcast_in_dim3A_517 = vector.shape_cast %slice3A_516 : vector<128xf32> to vector<1x128xf32>
    %mul3A_518 = vector.broadcast %broadcast_in_dim3A_517 : vector<1x128xf32> to vector<64x128xf32>
    %mul3A_519 = arith.mulf %slice3A_515, %mul3A_518 : vector<64x128xf32>
    %add3A_520 = arith.addf %add3A_514, %mul3A_519 : vector<64x128xf32>
    %slice3A_521 = vector.extract_strided_slice %get3A_6 {offsets = [0, 11008], sizes = [64, 128], strides = [1, 1]} : vector<64x13312xf32> to vector<64x128xf32>
    %slice3A_522 = vector.extract_strided_slice %add3A {offsets = [11008], sizes = [128], strides = [1]} : vector<13312xf32> to vector<128xf32>
    %broadcast_in_dim3A_523 = vector.shape_cast %slice3A_522 : vector<128xf32> to vector<1x128xf32>
    %mul3A_524 = vector.broadcast %broadcast_in_dim3A_523 : vector<1x128xf32> to vector<64x128xf32>
    %mul3A_525 = arith.mulf %slice3A_521, %mul3A_524 : vector<64x128xf32>
    %add3A_526 = arith.addf %add3A_520, %mul3A_525 : vector<64x128xf32>
    %slice3A_527 = vector.extract_strided_slice %get3A_6 {offsets = [0, 11136], sizes = [64, 128], strides = [1, 1]} : vector<64x13312xf32> to vector<64x128xf32>
    %slice3A_528 = vector.extract_strided_slice %add3A {offsets = [11136], sizes = [128], strides = [1]} : vector<13312xf32> to vector<128xf32>
    %broadcast_in_dim3A_529 = vector.shape_cast %slice3A_528 : vector<128xf32> to vector<1x128xf32>
    %mul3A_530 = vector.broadcast %broadcast_in_dim3A_529 : vector<1x128xf32> to vector<64x128xf32>
    %mul3A_531 = arith.mulf %slice3A_527, %mul3A_530 : vector<64x128xf32>
    %add3A_532 = arith.addf %add3A_526, %mul3A_531 : vector<64x128xf32>
    %slice3A_533 = vector.extract_strided_slice %get3A_6 {offsets = [0, 11264], sizes = [64, 128], strides = [1, 1]} : vector<64x13312xf32> to vector<64x128xf32>
    %slice3A_534 = vector.extract_strided_slice %add3A {offsets = [11264], sizes = [128], strides = [1]} : vector<13312xf32> to vector<128xf32>
    %broadcast_in_dim3A_535 = vector.shape_cast %slice3A_534 : vector<128xf32> to vector<1x128xf32>
    %mul3A_536 = vector.broadcast %broadcast_in_dim3A_535 : vector<1x128xf32> to vector<64x128xf32>
    %mul3A_537 = arith.mulf %slice3A_533, %mul3A_536 : vector<64x128xf32>
    %add3A_538 = arith.addf %add3A_532, %mul3A_537 : vector<64x128xf32>
    %slice3A_539 = vector.extract_strided_slice %get3A_6 {offsets = [0, 11392], sizes = [64, 128], strides = [1, 1]} : vector<64x13312xf32> to vector<64x128xf32>
    %slice3A_540 = vector.extract_strided_slice %add3A {offsets = [11392], sizes = [128], strides = [1]} : vector<13312xf32> to vector<128xf32>
    %broadcast_in_dim3A_541 = vector.shape_cast %slice3A_540 : vector<128xf32> to vector<1x128xf32>
    %mul3A_542 = vector.broadcast %broadcast_in_dim3A_541 : vector<1x128xf32> to vector<64x128xf32>
    %mul3A_543 = arith.mulf %slice3A_539, %mul3A_542 : vector<64x128xf32>
    %add3A_544 = arith.addf %add3A_538, %mul3A_543 : vector<64x128xf32>
    %slice3A_545 = vector.extract_strided_slice %get3A_6 {offsets = [0, 11520], sizes = [64, 128], strides = [1, 1]} : vector<64x13312xf32> to vector<64x128xf32>
    %slice3A_546 = vector.extract_strided_slice %add3A {offsets = [11520], sizes = [128], strides = [1]} : vector<13312xf32> to vector<128xf32>
    %broadcast_in_dim3A_547 = vector.shape_cast %slice3A_546 : vector<128xf32> to vector<1x128xf32>
    %mul3A_548 = vector.broadcast %broadcast_in_dim3A_547 : vector<1x128xf32> to vector<64x128xf32>
    %mul3A_549 = arith.mulf %slice3A_545, %mul3A_548 : vector<64x128xf32>
    %add3A_550 = arith.addf %add3A_544, %mul3A_549 : vector<64x128xf32>
    %slice3A_551 = vector.extract_strided_slice %get3A_6 {offsets = [0, 11648], sizes = [64, 128], strides = [1, 1]} : vector<64x13312xf32> to vector<64x128xf32>
    %slice3A_552 = vector.extract_strided_slice %add3A {offsets = [11648], sizes = [128], strides = [1]} : vector<13312xf32> to vector<128xf32>
    %broadcast_in_dim3A_553 = vector.shape_cast %slice3A_552 : vector<128xf32> to vector<1x128xf32>
    %mul3A_554 = vector.broadcast %broadcast_in_dim3A_553 : vector<1x128xf32> to vector<64x128xf32>
    %mul3A_555 = arith.mulf %slice3A_551, %mul3A_554 : vector<64x128xf32>
    %add3A_556 = arith.addf %add3A_550, %mul3A_555 : vector<64x128xf32>
    %slice3A_557 = vector.extract_strided_slice %get3A_6 {offsets = [0, 11776], sizes = [64, 128], strides = [1, 1]} : vector<64x13312xf32> to vector<64x128xf32>
    %slice3A_558 = vector.extract_strided_slice %add3A {offsets = [11776], sizes = [128], strides = [1]} : vector<13312xf32> to vector<128xf32>
    %broadcast_in_dim3A_559 = vector.shape_cast %slice3A_558 : vector<128xf32> to vector<1x128xf32>
    %mul3A_560 = vector.broadcast %broadcast_in_dim3A_559 : vector<1x128xf32> to vector<64x128xf32>
    %mul3A_561 = arith.mulf %slice3A_557, %mul3A_560 : vector<64x128xf32>
    %add3A_562 = arith.addf %add3A_556, %mul3A_561 : vector<64x128xf32>
    %slice3A_563 = vector.extract_strided_slice %get3A_6 {offsets = [0, 11904], sizes = [64, 128], strides = [1, 1]} : vector<64x13312xf32> to vector<64x128xf32>
    %slice3A_564 = vector.extract_strided_slice %add3A {offsets = [11904], sizes = [128], strides = [1]} : vector<13312xf32> to vector<128xf32>
    %broadcast_in_dim3A_565 = vector.shape_cast %slice3A_564 : vector<128xf32> to vector<1x128xf32>
    %mul3A_566 = vector.broadcast %broadcast_in_dim3A_565 : vector<1x128xf32> to vector<64x128xf32>
    %mul3A_567 = arith.mulf %slice3A_563, %mul3A_566 : vector<64x128xf32>
    %add3A_568 = arith.addf %add3A_562, %mul3A_567 : vector<64x128xf32>
    %slice3A_569 = vector.extract_strided_slice %get3A_6 {offsets = [0, 12032], sizes = [64, 128], strides = [1, 1]} : vector<64x13312xf32> to vector<64x128xf32>
    %slice3A_570 = vector.extract_strided_slice %add3A {offsets = [12032], sizes = [128], strides = [1]} : vector<13312xf32> to vector<128xf32>
    %broadcast_in_dim3A_571 = vector.shape_cast %slice3A_570 : vector<128xf32> to vector<1x128xf32>
    %mul3A_572 = vector.broadcast %broadcast_in_dim3A_571 : vector<1x128xf32> to vector<64x128xf32>
    %mul3A_573 = arith.mulf %slice3A_569, %mul3A_572 : vector<64x128xf32>
    %add3A_574 = arith.addf %add3A_568, %mul3A_573 : vector<64x128xf32>
    %slice3A_575 = vector.extract_strided_slice %get3A_6 {offsets = [0, 12160], sizes = [64, 128], strides = [1, 1]} : vector<64x13312xf32> to vector<64x128xf32>
    %slice3A_576 = vector.extract_strided_slice %add3A {offsets = [12160], sizes = [128], strides = [1]} : vector<13312xf32> to vector<128xf32>
    %broadcast_in_dim3A_577 = vector.shape_cast %slice3A_576 : vector<128xf32> to vector<1x128xf32>
    %mul3A_578 = vector.broadcast %broadcast_in_dim3A_577 : vector<1x128xf32> to vector<64x128xf32>
    %mul3A_579 = arith.mulf %slice3A_575, %mul3A_578 : vector<64x128xf32>
    %add3A_580 = arith.addf %add3A_574, %mul3A_579 : vector<64x128xf32>
    %slice3A_581 = vector.extract_strided_slice %get3A_6 {offsets = [0, 12288], sizes = [64, 128], strides = [1, 1]} : vector<64x13312xf32> to vector<64x128xf32>
    %slice3A_582 = vector.extract_strided_slice %add3A {offsets = [12288], sizes = [128], strides = [1]} : vector<13312xf32> to vector<128xf32>
    %broadcast_in_dim3A_583 = vector.shape_cast %slice3A_582 : vector<128xf32> to vector<1x128xf32>
    %mul3A_584 = vector.broadcast %broadcast_in_dim3A_583 : vector<1x128xf32> to vector<64x128xf32>
    %mul3A_585 = arith.mulf %slice3A_581, %mul3A_584 : vector<64x128xf32>
    %add3A_586 = arith.addf %add3A_580, %mul3A_585 : vector<64x128xf32>
    %slice3A_587 = vector.extract_strided_slice %get3A_6 {offsets = [0, 12416], sizes = [64, 128], strides = [1, 1]} : vector<64x13312xf32> to vector<64x128xf32>
    %slice3A_588 = vector.extract_strided_slice %add3A {offsets = [12416], sizes = [128], strides = [1]} : vector<13312xf32> to vector<128xf32>
    %broadcast_in_dim3A_589 = vector.shape_cast %slice3A_588 : vector<128xf32> to vector<1x128xf32>
    %mul3A_590 = vector.broadcast %broadcast_in_dim3A_589 : vector<1x128xf32> to vector<64x128xf32>
    %mul3A_591 = arith.mulf %slice3A_587, %mul3A_590 : vector<64x128xf32>
    %add3A_592 = arith.addf %add3A_586, %mul3A_591 : vector<64x128xf32>
    %slice3A_593 = vector.extract_strided_slice %get3A_6 {offsets = [0, 12544], sizes = [64, 128], strides = [1, 1]} : vector<64x13312xf32> to vector<64x128xf32>
    %slice3A_594 = vector.extract_strided_slice %add3A {offsets = [12544], sizes = [128], strides = [1]} : vector<13312xf32> to vector<128xf32>
    %broadcast_in_dim3A_595 = vector.shape_cast %slice3A_594 : vector<128xf32> to vector<1x128xf32>
    %mul3A_596 = vector.broadcast %broadcast_in_dim3A_595 : vector<1x128xf32> to vector<64x128xf32>
    %mul3A_597 = arith.mulf %slice3A_593, %mul3A_596 : vector<64x128xf32>
    %add3A_598 = arith.addf %add3A_592, %mul3A_597 : vector<64x128xf32>
    %slice3A_599 = vector.extract_strided_slice %get3A_6 {offsets = [0, 12672], sizes = [64, 128], strides = [1, 1]} : vector<64x13312xf32> to vector<64x128xf32>
    %slice3A_600 = vector.extract_strided_slice %add3A {offsets = [12672], sizes = [128], strides = [1]} : vector<13312xf32> to vector<128xf32>
    %broadcast_in_dim3A_601 = vector.shape_cast %slice3A_600 : vector<128xf32> to vector<1x128xf32>
    %mul3A_602 = vector.broadcast %broadcast_in_dim3A_601 : vector<1x128xf32> to vector<64x128xf32>
    %mul3A_603 = arith.mulf %slice3A_599, %mul3A_602 : vector<64x128xf32>
    %add3A_604 = arith.addf %add3A_598, %mul3A_603 : vector<64x128xf32>
    %slice3A_605 = vector.extract_strided_slice %get3A_6 {offsets = [0, 12800], sizes = [64, 128], strides = [1, 1]} : vector<64x13312xf32> to vector<64x128xf32>
    %slice3A_606 = vector.extract_strided_slice %add3A {offsets = [12800], sizes = [128], strides = [1]} : vector<13312xf32> to vector<128xf32>
    %broadcast_in_dim3A_607 = vector.shape_cast %slice3A_606 : vector<128xf32> to vector<1x128xf32>
    %mul3A_608 = vector.broadcast %broadcast_in_dim3A_607 : vector<1x128xf32> to vector<64x128xf32>
    %mul3A_609 = arith.mulf %slice3A_605, %mul3A_608 : vector<64x128xf32>
    %add3A_610 = arith.addf %add3A_604, %mul3A_609 : vector<64x128xf32>
    %slice3A_611 = vector.extract_strided_slice %get3A_6 {offsets = [0, 12928], sizes = [64, 128], strides = [1, 1]} : vector<64x13312xf32> to vector<64x128xf32>
    %slice3A_612 = vector.extract_strided_slice %add3A {offsets = [12928], sizes = [128], strides = [1]} : vector<13312xf32> to vector<128xf32>
    %broadcast_in_dim3A_613 = vector.shape_cast %slice3A_612 : vector<128xf32> to vector<1x128xf32>
    %mul3A_614 = vector.broadcast %broadcast_in_dim3A_613 : vector<1x128xf32> to vector<64x128xf32>
    %mul3A_615 = arith.mulf %slice3A_611, %mul3A_614 : vector<64x128xf32>
    %add3A_616 = arith.addf %add3A_610, %mul3A_615 : vector<64x128xf32>
    %slice3A_617 = vector.extract_strided_slice %get3A_6 {offsets = [0, 13056], sizes = [64, 128], strides = [1, 1]} : vector<64x13312xf32> to vector<64x128xf32>
    %slice3A_618 = vector.extract_strided_slice %add3A {offsets = [13056], sizes = [128], strides = [1]} : vector<13312xf32> to vector<128xf32>
    %broadcast_in_dim3A_619 = vector.shape_cast %slice3A_618 : vector<128xf32> to vector<1x128xf32>
    %mul3A_620 = vector.broadcast %broadcast_in_dim3A_619 : vector<1x128xf32> to vector<64x128xf32>
    %mul3A_621 = arith.mulf %slice3A_617, %mul3A_620 : vector<64x128xf32>
    %add3A_622 = arith.addf %add3A_616, %mul3A_621 : vector<64x128xf32>
    %slice3A_623 = vector.extract_strided_slice %get3A_6 {offsets = [0, 13184], sizes = [64, 128], strides = [1, 1]} : vector<64x13312xf32> to vector<64x128xf32>
    %slice3A_624 = vector.extract_strided_slice %add3A {offsets = [13184], sizes = [128], strides = [1]} : vector<13312xf32> to vector<128xf32>
    %broadcast_in_dim3A_625 = vector.shape_cast %slice3A_624 : vector<128xf32> to vector<1x128xf32>
    %mul3A_626 = vector.broadcast %broadcast_in_dim3A_625 : vector<1x128xf32> to vector<64x128xf32>
    %mul3A_627 = arith.mulf %slice3A_623, %mul3A_626 : vector<64x128xf32>
    %add3A_628 = arith.addf %add3A_622, %mul3A_627 : vector<64x128xf32>
    %get3A_629 = arith.constant 0 : index
    %get3A_630 = vector.load %arg5[%get3A_629] : memref<13312xf32, #tpu.memory_space<vmem>>, vector<13312xf32>
    %get3A_631 = arith.constant 0 : index
    %get3A_632 = vector.load %arg8[%get3A_631] : memref<13312xf32, #tpu.memory_space<vmem>>, vector<13312xf32>
    %add3A_633 = arith.addf %get3A_630, %get3A_632 : vector<13312xf32>
    %get3A_634 = arith.constant 0 : index
    %get3A_635 = arith.constant 0 : index
    %get3A_636 = vector.load %arg2[%get3A_634, %get3A_635] : memref<64x13312xf32, #tpu.memory_space<vmem>>, vector<64x13312xf32>
    %slice3A_637 = vector.extract_strided_slice %get3A_636 {offsets = [0, 0], sizes = [64, 128], strides = [1, 1]} : vector<64x13312xf32> to vector<64x128xf32>
    %slice3A_638 = vector.extract_strided_slice %add3A_633 {offsets = [0], sizes = [128], strides = [1]} : vector<13312xf32> to vector<128xf32>
    %broadcast_in_dim3A_639 = vector.shape_cast %slice3A_638 : vector<128xf32> to vector<1x128xf32>
    %mul3A_640 = vector.broadcast %broadcast_in_dim3A_639 : vector<1x128xf32> to vector<64x128xf32>
    %mul3A_641 = arith.mulf %slice3A_637, %mul3A_640 : vector<64x128xf32>
    %add3A_642 = arith.addf %add3A_628, %mul3A_641 : vector<64x128xf32>
    %slice3A_643 = vector.extract_strided_slice %get3A_636 {offsets = [0, 128], sizes = [64, 128], strides = [1, 1]} : vector<64x13312xf32> to vector<64x128xf32>
    %slice3A_644 = vector.extract_strided_slice %add3A_633 {offsets = [128], sizes = [128], strides = [1]} : vector<13312xf32> to vector<128xf32>
    %broadcast_in_dim3A_645 = vector.shape_cast %slice3A_644 : vector<128xf32> to vector<1x128xf32>
    %mul3A_646 = vector.broadcast %broadcast_in_dim3A_645 : vector<1x128xf32> to vector<64x128xf32>
    %mul3A_647 = arith.mulf %slice3A_643, %mul3A_646 : vector<64x128xf32>
    %add3A_648 = arith.addf %add3A_642, %mul3A_647 : vector<64x128xf32>
    %slice3A_649 = vector.extract_strided_slice %get3A_636 {offsets = [0, 256], sizes = [64, 128], strides = [1, 1]} : vector<64x13312xf32> to vector<64x128xf32>
    %slice3A_650 = vector.extract_strided_slice %add3A_633 {offsets = [256], sizes = [128], strides = [1]} : vector<13312xf32> to vector<128xf32>
    %broadcast_in_dim3A_651 = vector.shape_cast %slice3A_650 : vector<128xf32> to vector<1x128xf32>
    %mul3A_652 = vector.broadcast %broadcast_in_dim3A_651 : vector<1x128xf32> to vector<64x128xf32>
    %mul3A_653 = arith.mulf %slice3A_649, %mul3A_652 : vector<64x128xf32>
    %add3A_654 = arith.addf %add3A_648, %mul3A_653 : vector<64x128xf32>
    %slice3A_655 = vector.extract_strided_slice %get3A_636 {offsets = [0, 384], sizes = [64, 128], strides = [1, 1]} : vector<64x13312xf32> to vector<64x128xf32>
    %slice3A_656 = vector.extract_strided_slice %add3A_633 {offsets = [384], sizes = [128], strides = [1]} : vector<13312xf32> to vector<128xf32>
    %broadcast_in_dim3A_657 = vector.shape_cast %slice3A_656 : vector<128xf32> to vector<1x128xf32>
    %mul3A_658 = vector.broadcast %broadcast_in_dim3A_657 : vector<1x128xf32> to vector<64x128xf32>
    %mul3A_659 = arith.mulf %slice3A_655, %mul3A_658 : vector<64x128xf32>
    %add3A_660 = arith.addf %add3A_654, %mul3A_659 : vector<64x128xf32>
    %slice3A_661 = vector.extract_strided_slice %get3A_636 {offsets = [0, 512], sizes = [64, 128], strides = [1, 1]} : vector<64x13312xf32> to vector<64x128xf32>
    %slice3A_662 = vector.extract_strided_slice %add3A_633 {offsets = [512], sizes = [128], strides = [1]} : vector<13312xf32> to vector<128xf32>
    %broadcast_in_dim3A_663 = vector.shape_cast %slice3A_662 : vector<128xf32> to vector<1x128xf32>
    %mul3A_664 = vector.broadcast %broadcast_in_dim3A_663 : vector<1x128xf32> to vector<64x128xf32>
    %mul3A_665 = arith.mulf %slice3A_661, %mul3A_664 : vector<64x128xf32>
    %add3A_666 = arith.addf %add3A_660, %mul3A_665 : vector<64x128xf32>
    %slice3A_667 = vector.extract_strided_slice %get3A_636 {offsets = [0, 640], sizes = [64, 128], strides = [1, 1]} : vector<64x13312xf32> to vector<64x128xf32>
    %slice3A_668 = vector.extract_strided_slice %add3A_633 {offsets = [640], sizes = [128], strides = [1]} : vector<13312xf32> to vector<128xf32>
    %broadcast_in_dim3A_669 = vector.shape_cast %slice3A_668 : vector<128xf32> to vector<1x128xf32>
    %mul3A_670 = vector.broadcast %broadcast_in_dim3A_669 : vector<1x128xf32> to vector<64x128xf32>
    %mul3A_671 = arith.mulf %slice3A_667, %mul3A_670 : vector<64x128xf32>
    %add3A_672 = arith.addf %add3A_666, %mul3A_671 : vector<64x128xf32>
    %slice3A_673 = vector.extract_strided_slice %get3A_636 {offsets = [0, 768], sizes = [64, 128], strides = [1, 1]} : vector<64x13312xf32> to vector<64x128xf32>
    %slice3A_674 = vector.extract_strided_slice %add3A_633 {offsets = [768], sizes = [128], strides = [1]} : vector<13312xf32> to vector<128xf32>
    %broadcast_in_dim3A_675 = vector.shape_cast %slice3A_674 : vector<128xf32> to vector<1x128xf32>
    %mul3A_676 = vector.broadcast %broadcast_in_dim3A_675 : vector<1x128xf32> to vector<64x128xf32>
    %mul3A_677 = arith.mulf %slice3A_673, %mul3A_676 : vector<64x128xf32>
    %add3A_678 = arith.addf %add3A_672, %mul3A_677 : vector<64x128xf32>
    %slice3A_679 = vector.extract_strided_slice %get3A_636 {offsets = [0, 896], sizes = [64, 128], strides = [1, 1]} : vector<64x13312xf32> to vector<64x128xf32>
    %slice3A_680 = vector.extract_strided_slice %add3A_633 {offsets = [896], sizes = [128], strides = [1]} : vector<13312xf32> to vector<128xf32>
    %broadcast_in_dim3A_681 = vector.shape_cast %slice3A_680 : vector<128xf32> to vector<1x128xf32>
    %mul3A_682 = vector.broadcast %broadcast_in_dim3A_681 : vector<1x128xf32> to vector<64x128xf32>
    %mul3A_683 = arith.mulf %slice3A_679, %mul3A_682 : vector<64x128xf32>
    %add3A_684 = arith.addf %add3A_678, %mul3A_683 : vector<64x128xf32>
    %slice3A_685 = vector.extract_strided_slice %get3A_636 {offsets = [0, 1024], sizes = [64, 128], strides = [1, 1]} : vector<64x13312xf32> to vector<64x128xf32>
    %slice3A_686 = vector.extract_strided_slice %add3A_633 {offsets = [1024], sizes = [128], strides = [1]} : vector<13312xf32> to vector<128xf32>
    %broadcast_in_dim3A_687 = vector.shape_cast %slice3A_686 : vector<128xf32> to vector<1x128xf32>
    %mul3A_688 = vector.broadcast %broadcast_in_dim3A_687 : vector<1x128xf32> to vector<64x128xf32>
    %mul3A_689 = arith.mulf %slice3A_685, %mul3A_688 : vector<64x128xf32>
    %add3A_690 = arith.addf %add3A_684, %mul3A_689 : vector<64x128xf32>
    %slice3A_691 = vector.extract_strided_slice %get3A_636 {offsets = [0, 1152], sizes = [64, 128], strides = [1, 1]} : vector<64x13312xf32> to vector<64x128xf32>
    %slice3A_692 = vector.extract_strided_slice %add3A_633 {offsets = [1152], sizes = [128], strides = [1]} : vector<13312xf32> to vector<128xf32>
    %broadcast_in_dim3A_693 = vector.shape_cast %slice3A_692 : vector<128xf32> to vector<1x128xf32>
    %mul3A_694 = vector.broadcast %broadcast_in_dim3A_693 : vector<1x128xf32> to vector<64x128xf32>
    %mul3A_695 = arith.mulf %slice3A_691, %mul3A_694 : vector<64x128xf32>
    %add3A_696 = arith.addf %add3A_690, %mul3A_695 : vector<64x128xf32>
    %slice3A_697 = vector.extract_strided_slice %get3A_636 {offsets = [0, 1280], sizes = [64, 128], strides = [1, 1]} : vector<64x13312xf32> to vector<64x128xf32>
    %slice3A_698 = vector.extract_strided_slice %add3A_633 {offsets = [1280], sizes = [128], strides = [1]} : vector<13312xf32> to vector<128xf32>
    %broadcast_in_dim3A_699 = vector.shape_cast %slice3A_698 : vector<128xf32> to vector<1x128xf32>
    %mul3A_700 = vector.broadcast %broadcast_in_dim3A_699 : vector<1x128xf32> to vector<64x128xf32>
    %mul3A_701 = arith.mulf %slice3A_697, %mul3A_700 : vector<64x128xf32>
    %add3A_702 = arith.addf %add3A_696, %mul3A_701 : vector<64x128xf32>
    %slice3A_703 = vector.extract_strided_slice %get3A_636 {offsets = [0, 1408], sizes = [64, 128], strides = [1, 1]} : vector<64x13312xf32> to vector<64x128xf32>
    %slice3A_704 = vector.extract_strided_slice %add3A_633 {offsets = [1408], sizes = [128], strides = [1]} : vector<13312xf32> to vector<128xf32>
    %broadcast_in_dim3A_705 = vector.shape_cast %slice3A_704 : vector<128xf32> to vector<1x128xf32>
    %mul3A_706 = vector.broadcast %broadcast_in_dim3A_705 : vector<1x128xf32> to vector<64x128xf32>
    %mul3A_707 = arith.mulf %slice3A_703, %mul3A_706 : vector<64x128xf32>
    %add3A_708 = arith.addf %add3A_702, %mul3A_707 : vector<64x128xf32>
    %slice3A_709 = vector.extract_strided_slice %get3A_636 {offsets = [0, 1536], sizes = [64, 128], strides = [1, 1]} : vector<64x13312xf32> to vector<64x128xf32>
    %slice3A_710 = vector.extract_strided_slice %add3A_633 {offsets = [1536], sizes = [128], strides = [1]} : vector<13312xf32> to vector<128xf32>
    %broadcast_in_dim3A_711 = vector.shape_cast %slice3A_710 : vector<128xf32> to vector<1x128xf32>
    %mul3A_712 = vector.broadcast %broadcast_in_dim3A_711 : vector<1x128xf32> to vector<64x128xf32>
    %mul3A_713 = arith.mulf %slice3A_709, %mul3A_712 : vector<64x128xf32>
    %add3A_714 = arith.addf %add3A_708, %mul3A_713 : vector<64x128xf32>
    %slice3A_715 = vector.extract_strided_slice %get3A_636 {offsets = [0, 1664], sizes = [64, 128], strides = [1, 1]} : vector<64x13312xf32> to vector<64x128xf32>
    %slice3A_716 = vector.extract_strided_slice %add3A_633 {offsets = [1664], sizes = [128], strides = [1]} : vector<13312xf32> to vector<128xf32>
    %broadcast_in_dim3A_717 = vector.shape_cast %slice3A_716 : vector<128xf32> to vector<1x128xf32>
    %mul3A_718 = vector.broadcast %broadcast_in_dim3A_717 : vector<1x128xf32> to vector<64x128xf32>
    %mul3A_719 = arith.mulf %slice3A_715, %mul3A_718 : vector<64x128xf32>
    %add3A_720 = arith.addf %add3A_714, %mul3A_719 : vector<64x128xf32>
    %slice3A_721 = vector.extract_strided_slice %get3A_636 {offsets = [0, 1792], sizes = [64, 128], strides = [1, 1]} : vector<64x13312xf32> to vector<64x128xf32>
    %slice3A_722 = vector.extract_strided_slice %add3A_633 {offsets = [1792], sizes = [128], strides = [1]} : vector<13312xf32> to vector<128xf32>
    %broadcast_in_dim3A_723 = vector.shape_cast %slice3A_722 : vector<128xf32> to vector<1x128xf32>
    %mul3A_724 = vector.broadcast %broadcast_in_dim3A_723 : vector<1x128xf32> to vector<64x128xf32>
    %mul3A_725 = arith.mulf %slice3A_721, %mul3A_724 : vector<64x128xf32>
    %add3A_726 = arith.addf %add3A_720, %mul3A_725 : vector<64x128xf32>
    %slice3A_727 = vector.extract_strided_slice %get3A_636 {offsets = [0, 1920], sizes = [64, 128], strides = [1, 1]} : vector<64x13312xf32> to vector<64x128xf32>
    %slice3A_728 = vector.extract_strided_slice %add3A_633 {offsets = [1920], sizes = [128], strides = [1]} : vector<13312xf32> to vector<128xf32>
    %broadcast_in_dim3A_729 = vector.shape_cast %slice3A_728 : vector<128xf32> to vector<1x128xf32>
    %mul3A_730 = vector.broadcast %broadcast_in_dim3A_729 : vector<1x128xf32> to vector<64x128xf32>
    %mul3A_731 = arith.mulf %slice3A_727, %mul3A_730 : vector<64x128xf32>
    %add3A_732 = arith.addf %add3A_726, %mul3A_731 : vector<64x128xf32>
    %slice3A_733 = vector.extract_strided_slice %get3A_636 {offsets = [0, 2048], sizes = [64, 128], strides = [1, 1]} : vector<64x13312xf32> to vector<64x128xf32>
    %slice3A_734 = vector.extract_strided_slice %add3A_633 {offsets = [2048], sizes = [128], strides = [1]} : vector<13312xf32> to vector<128xf32>
    %broadcast_in_dim3A_735 = vector.shape_cast %slice3A_734 : vector<128xf32> to vector<1x128xf32>
    %mul3A_736 = vector.broadcast %broadcast_in_dim3A_735 : vector<1x128xf32> to vector<64x128xf32>
    %mul3A_737 = arith.mulf %slice3A_733, %mul3A_736 : vector<64x128xf32>
    %add3A_738 = arith.addf %add3A_732, %mul3A_737 : vector<64x128xf32>
    %slice3A_739 = vector.extract_strided_slice %get3A_636 {offsets = [0, 2176], sizes = [64, 128], strides = [1, 1]} : vector<64x13312xf32> to vector<64x128xf32>
    %slice3A_740 = vector.extract_strided_slice %add3A_633 {offsets = [2176], sizes = [128], strides = [1]} : vector<13312xf32> to vector<128xf32>
    %broadcast_in_dim3A_741 = vector.shape_cast %slice3A_740 : vector<128xf32> to vector<1x128xf32>
    %mul3A_742 = vector.broadcast %broadcast_in_dim3A_741 : vector<1x128xf32> to vector<64x128xf32>
    %mul3A_743 = arith.mulf %slice3A_739, %mul3A_742 : vector<64x128xf32>
    %add3A_744 = arith.addf %add3A_738, %mul3A_743 : vector<64x128xf32>
    %slice3A_745 = vector.extract_strided_slice %get3A_636 {offsets = [0, 2304], sizes = [64, 128], strides = [1, 1]} : vector<64x13312xf32> to vector<64x128xf32>
    %slice3A_746 = vector.extract_strided_slice %add3A_633 {offsets = [2304], sizes = [128], strides = [1]} : vector<13312xf32> to vector<128xf32>
    %broadcast_in_dim3A_747 = vector.shape_cast %slice3A_746 : vector<128xf32> to vector<1x128xf32>
    %mul3A_748 = vector.broadcast %broadcast_in_dim3A_747 : vector<1x128xf32> to vector<64x128xf32>
    %mul3A_749 = arith.mulf %slice3A_745, %mul3A_748 : vector<64x128xf32>
    %add3A_750 = arith.addf %add3A_744, %mul3A_749 : vector<64x128xf32>
    %slice3A_751 = vector.extract_strided_slice %get3A_636 {offsets = [0, 2432], sizes = [64, 128], strides = [1, 1]} : vector<64x13312xf32> to vector<64x128xf32>
    %slice3A_752 = vector.extract_strided_slice %add3A_633 {offsets = [2432], sizes = [128], strides = [1]} : vector<13312xf32> to vector<128xf32>
    %broadcast_in_dim3A_753 = vector.shape_cast %slice3A_752 : vector<128xf32> to vector<1x128xf32>
    %mul3A_754 = vector.broadcast %broadcast_in_dim3A_753 : vector<1x128xf32> to vector<64x128xf32>
    %mul3A_755 = arith.mulf %slice3A_751, %mul3A_754 : vector<64x128xf32>
    %add3A_756 = arith.addf %add3A_750, %mul3A_755 : vector<64x128xf32>
    %slice3A_757 = vector.extract_strided_slice %get3A_636 {offsets = [0, 2560], sizes = [64, 128], strides = [1, 1]} : vector<64x13312xf32> to vector<64x128xf32>
    %slice3A_758 = vector.extract_strided_slice %add3A_633 {offsets = [2560], sizes = [128], strides = [1]} : vector<13312xf32> to vector<128xf32>
    %broadcast_in_dim3A_759 = vector.shape_cast %slice3A_758 : vector<128xf32> to vector<1x128xf32>
    %mul3A_760 = vector.broadcast %broadcast_in_dim3A_759 : vector<1x128xf32> to vector<64x128xf32>
    %mul3A_761 = arith.mulf %slice3A_757, %mul3A_760 : vector<64x128xf32>
    %add3A_762 = arith.addf %add3A_756, %mul3A_761 : vector<64x128xf32>
    %slice3A_763 = vector.extract_strided_slice %get3A_636 {offsets = [0, 2688], sizes = [64, 128], strides = [1, 1]} : vector<64x13312xf32> to vector<64x128xf32>
    %slice3A_764 = vector.extract_strided_slice %add3A_633 {offsets = [2688], sizes = [128], strides = [1]} : vector<13312xf32> to vector<128xf32>
    %broadcast_in_dim3A_765 = vector.shape_cast %slice3A_764 : vector<128xf32> to vector<1x128xf32>
    %mul3A_766 = vector.broadcast %broadcast_in_dim3A_765 : vector<1x128xf32> to vector<64x128xf32>
    %mul3A_767 = arith.mulf %slice3A_763, %mul3A_766 : vector<64x128xf32>
    %add3A_768 = arith.addf %add3A_762, %mul3A_767 : vector<64x128xf32>
    %slice3A_769 = vector.extract_strided_slice %get3A_636 {offsets = [0, 2816], sizes = [64, 128], strides = [1, 1]} : vector<64x13312xf32> to vector<64x128xf32>
    %slice3A_770 = vector.extract_strided_slice %add3A_633 {offsets = [2816], sizes = [128], strides = [1]} : vector<13312xf32> to vector<128xf32>
    %broadcast_in_dim3A_771 = vector.shape_cast %slice3A_770 : vector<128xf32> to vector<1x128xf32>
    %mul3A_772 = vector.broadcast %broadcast_in_dim3A_771 : vector<1x128xf32> to vector<64x128xf32>
    %mul3A_773 = arith.mulf %slice3A_769, %mul3A_772 : vector<64x128xf32>
    %add3A_774 = arith.addf %add3A_768, %mul3A_773 : vector<64x128xf32>
    %slice3A_775 = vector.extract_strided_slice %get3A_636 {offsets = [0, 2944], sizes = [64, 128], strides = [1, 1]} : vector<64x13312xf32> to vector<64x128xf32>
    %slice3A_776 = vector.extract_strided_slice %add3A_633 {offsets = [2944], sizes = [128], strides = [1]} : vector<13312xf32> to vector<128xf32>
    %broadcast_in_dim3A_777 = vector.shape_cast %slice3A_776 : vector<128xf32> to vector<1x128xf32>
    %mul3A_778 = vector.broadcast %broadcast_in_dim3A_777 : vector<1x128xf32> to vector<64x128xf32>
    %mul3A_779 = arith.mulf %slice3A_775, %mul3A_778 : vector<64x128xf32>
    %add3A_780 = arith.addf %add3A_774, %mul3A_779 : vector<64x128xf32>
    %slice3A_781 = vector.extract_strided_slice %get3A_636 {offsets = [0, 3072], sizes = [64, 128], strides = [1, 1]} : vector<64x13312xf32> to vector<64x128xf32>
    %slice3A_782 = vector.extract_strided_slice %add3A_633 {offsets = [3072], sizes = [128], strides = [1]} : vector<13312xf32> to vector<128xf32>
    %broadcast_in_dim3A_783 = vector.shape_cast %slice3A_782 : vector<128xf32> to vector<1x128xf32>
    %mul3A_784 = vector.broadcast %broadcast_in_dim3A_783 : vector<1x128xf32> to vector<64x128xf32>
    %mul3A_785 = arith.mulf %slice3A_781, %mul3A_784 : vector<64x128xf32>
    %add3A_786 = arith.addf %add3A_780, %mul3A_785 : vector<64x128xf32>
    %slice3A_787 = vector.extract_strided_slice %get3A_636 {offsets = [0, 3200], sizes = [64, 128], strides = [1, 1]} : vector<64x13312xf32> to vector<64x128xf32>
    %slice3A_788 = vector.extract_strided_slice %add3A_633 {offsets = [3200], sizes = [128], strides = [1]} : vector<13312xf32> to vector<128xf32>
    %broadcast_in_dim3A_789 = vector.shape_cast %slice3A_788 : vector<128xf32> to vector<1x128xf32>
    %mul3A_790 = vector.broadcast %broadcast_in_dim3A_789 : vector<1x128xf32> to vector<64x128xf32>
    %mul3A_791 = arith.mulf %slice3A_787, %mul3A_790 : vector<64x128xf32>
    %add3A_792 = arith.addf %add3A_786, %mul3A_791 : vector<64x128xf32>
    %slice3A_793 = vector.extract_strided_slice %get3A_636 {offsets = [0, 3328], sizes = [64, 128], strides = [1, 1]} : vector<64x13312xf32> to vector<64x128xf32>
    %slice3A_794 = vector.extract_strided_slice %add3A_633 {offsets = [3328], sizes = [128], strides = [1]} : vector<13312xf32> to vector<128xf32>
    %broadcast_in_dim3A_795 = vector.shape_cast %slice3A_794 : vector<128xf32> to vector<1x128xf32>
    %mul3A_796 = vector.broadcast %broadcast_in_dim3A_795 : vector<1x128xf32> to vector<64x128xf32>
    %mul3A_797 = arith.mulf %slice3A_793, %mul3A_796 : vector<64x128xf32>
    %add3A_798 = arith.addf %add3A_792, %mul3A_797 : vector<64x128xf32>
    %slice3A_799 = vector.extract_strided_slice %get3A_636 {offsets = [0, 3456], sizes = [64, 128], strides = [1, 1]} : vector<64x13312xf32> to vector<64x128xf32>
    %slice3A_800 = vector.extract_strided_slice %add3A_633 {offsets = [3456], sizes = [128], strides = [1]} : vector<13312xf32> to vector<128xf32>
    %broadcast_in_dim3A_801 = vector.shape_cast %slice3A_800 : vector<128xf32> to vector<1x128xf32>
    %mul3A_802 = vector.broadcast %broadcast_in_dim3A_801 : vector<1x128xf32> to vector<64x128xf32>
    %mul3A_803 = arith.mulf %slice3A_799, %mul3A_802 : vector<64x128xf32>
    %add3A_804 = arith.addf %add3A_798, %mul3A_803 : vector<64x128xf32>
    %slice3A_805 = vector.extract_strided_slice %get3A_636 {offsets = [0, 3584], sizes = [64, 128], strides = [1, 1]} : vector<64x13312xf32> to vector<64x128xf32>
    %slice3A_806 = vector.extract_strided_slice %add3A_633 {offsets = [3584], sizes = [128], strides = [1]} : vector<13312xf32> to vector<128xf32>
    %broadcast_in_dim3A_807 = vector.shape_cast %slice3A_806 : vector<128xf32> to vector<1x128xf32>
    %mul3A_808 = vector.broadcast %broadcast_in_dim3A_807 : vector<1x128xf32> to vector<64x128xf32>
    %mul3A_809 = arith.mulf %slice3A_805, %mul3A_808 : vector<64x128xf32>
    %add3A_810 = arith.addf %add3A_804, %mul3A_809 : vector<64x128xf32>
    %slice3A_811 = vector.extract_strided_slice %get3A_636 {offsets = [0, 3712], sizes = [64, 128], strides = [1, 1]} : vector<64x13312xf32> to vector<64x128xf32>
    %slice3A_812 = vector.extract_strided_slice %add3A_633 {offsets = [3712], sizes = [128], strides = [1]} : vector<13312xf32> to vector<128xf32>
    %broadcast_in_dim3A_813 = vector.shape_cast %slice3A_812 : vector<128xf32> to vector<1x128xf32>
    %mul3A_814 = vector.broadcast %broadcast_in_dim3A_813 : vector<1x128xf32> to vector<64x128xf32>
    %mul3A_815 = arith.mulf %slice3A_811, %mul3A_814 : vector<64x128xf32>
    %add3A_816 = arith.addf %add3A_810, %mul3A_815 : vector<64x128xf32>
    %slice3A_817 = vector.extract_strided_slice %get3A_636 {offsets = [0, 3840], sizes = [64, 128], strides = [1, 1]} : vector<64x13312xf32> to vector<64x128xf32>
    %slice3A_818 = vector.extract_strided_slice %add3A_633 {offsets = [3840], sizes = [128], strides = [1]} : vector<13312xf32> to vector<128xf32>
    %broadcast_in_dim3A_819 = vector.shape_cast %slice3A_818 : vector<128xf32> to vector<1x128xf32>
    %mul3A_820 = vector.broadcast %broadcast_in_dim3A_819 : vector<1x128xf32> to vector<64x128xf32>
    %mul3A_821 = arith.mulf %slice3A_817, %mul3A_820 : vector<64x128xf32>
    %add3A_822 = arith.addf %add3A_816, %mul3A_821 : vector<64x128xf32>
    %slice3A_823 = vector.extract_strided_slice %get3A_636 {offsets = [0, 3968], sizes = [64, 128], strides = [1, 1]} : vector<64x13312xf32> to vector<64x128xf32>
    %slice3A_824 = vector.extract_strided_slice %add3A_633 {offsets = [3968], sizes = [128], strides = [1]} : vector<13312xf32> to vector<128xf32>
    %broadcast_in_dim3A_825 = vector.shape_cast %slice3A_824 : vector<128xf32> to vector<1x128xf32>
    %mul3A_826 = vector.broadcast %broadcast_in_dim3A_825 : vector<1x128xf32> to vector<64x128xf32>
    %mul3A_827 = arith.mulf %slice3A_823, %mul3A_826 : vector<64x128xf32>
    %add3A_828 = arith.addf %add3A_822, %mul3A_827 : vector<64x128xf32>
    %slice3A_829 = vector.extract_strided_slice %get3A_636 {offsets = [0, 4096], sizes = [64, 128], strides = [1, 1]} : vector<64x13312xf32> to vector<64x128xf32>
    %slice3A_830 = vector.extract_strided_slice %add3A_633 {offsets = [4096], sizes = [128], strides = [1]} : vector<13312xf32> to vector<128xf32>
    %broadcast_in_dim3A_831 = vector.shape_cast %slice3A_830 : vector<128xf32> to vector<1x128xf32>
    %mul3A_832 = vector.broadcast %broadcast_in_dim3A_831 : vector<1x128xf32> to vector<64x128xf32>
    %mul3A_833 = arith.mulf %slice3A_829, %mul3A_832 : vector<64x128xf32>
    %add3A_834 = arith.addf %add3A_828, %mul3A_833 : vector<64x128xf32>
    %slice3A_835 = vector.extract_strided_slice %get3A_636 {offsets = [0, 4224], sizes = [64, 128], strides = [1, 1]} : vector<64x13312xf32> to vector<64x128xf32>
    %slice3A_836 = vector.extract_strided_slice %add3A_633 {offsets = [4224], sizes = [128], strides = [1]} : vector<13312xf32> to vector<128xf32>
    %broadcast_in_dim3A_837 = vector.shape_cast %slice3A_836 : vector<128xf32> to vector<1x128xf32>
    %mul3A_838 = vector.broadcast %broadcast_in_dim3A_837 : vector<1x128xf32> to vector<64x128xf32>
    %mul3A_839 = arith.mulf %slice3A_835, %mul3A_838 : vector<64x128xf32>
    %add3A_840 = arith.addf %add3A_834, %mul3A_839 : vector<64x128xf32>
    %slice3A_841 = vector.extract_strided_slice %get3A_636 {offsets = [0, 4352], sizes = [64, 128], strides = [1, 1]} : vector<64x13312xf32> to vector<64x128xf32>
    %slice3A_842 = vector.extract_strided_slice %add3A_633 {offsets = [4352], sizes = [128], strides = [1]} : vector<13312xf32> to vector<128xf32>
    %broadcast_in_dim3A_843 = vector.shape_cast %slice3A_842 : vector<128xf32> to vector<1x128xf32>
    %mul3A_844 = vector.broadcast %broadcast_in_dim3A_843 : vector<1x128xf32> to vector<64x128xf32>
    %mul3A_845 = arith.mulf %slice3A_841, %mul3A_844 : vector<64x128xf32>
    %add3A_846 = arith.addf %add3A_840, %mul3A_845 : vector<64x128xf32>
    %slice3A_847 = vector.extract_strided_slice %get3A_636 {offsets = [0, 4480], sizes = [64, 128], strides = [1, 1]} : vector<64x13312xf32> to vector<64x128xf32>
    %slice3A_848 = vector.extract_strided_slice %add3A_633 {offsets = [4480], sizes = [128], strides = [1]} : vector<13312xf32> to vector<128xf32>
    %broadcast_in_dim3A_849 = vector.shape_cast %slice3A_848 : vector<128xf32> to vector<1x128xf32>
    %mul3A_850 = vector.broadcast %broadcast_in_dim3A_849 : vector<1x128xf32> to vector<64x128xf32>
    %mul3A_851 = arith.mulf %slice3A_847, %mul3A_850 : vector<64x128xf32>
    %add3A_852 = arith.addf %add3A_846, %mul3A_851 : vector<64x128xf32>
    %slice3A_853 = vector.extract_strided_slice %get3A_636 {offsets = [0, 4608], sizes = [64, 128], strides = [1, 1]} : vector<64x13312xf32> to vector<64x128xf32>
    %slice3A_854 = vector.extract_strided_slice %add3A_633 {offsets = [4608], sizes = [128], strides = [1]} : vector<13312xf32> to vector<128xf32>
    %broadcast_in_dim3A_855 = vector.shape_cast %slice3A_854 : vector<128xf32> to vector<1x128xf32>
    %mul3A_856 = vector.broadcast %broadcast_in_dim3A_855 : vector<1x128xf32> to vector<64x128xf32>
    %mul3A_857 = arith.mulf %slice3A_853, %mul3A_856 : vector<64x128xf32>
    %add3A_858 = arith.addf %add3A_852, %mul3A_857 : vector<64x128xf32>
    %slice3A_859 = vector.extract_strided_slice %get3A_636 {offsets = [0, 4736], sizes = [64, 128], strides = [1, 1]} : vector<64x13312xf32> to vector<64x128xf32>
    %slice3A_860 = vector.extract_strided_slice %add3A_633 {offsets = [4736], sizes = [128], strides = [1]} : vector<13312xf32> to vector<128xf32>
    %broadcast_in_dim3A_861 = vector.shape_cast %slice3A_860 : vector<128xf32> to vector<1x128xf32>
    %mul3A_862 = vector.broadcast %broadcast_in_dim3A_861 : vector<1x128xf32> to vector<64x128xf32>
    %mul3A_863 = arith.mulf %slice3A_859, %mul3A_862 : vector<64x128xf32>
    %add3A_864 = arith.addf %add3A_858, %mul3A_863 : vector<64x128xf32>
    %slice3A_865 = vector.extract_strided_slice %get3A_636 {offsets = [0, 4864], sizes = [64, 128], strides = [1, 1]} : vector<64x13312xf32> to vector<64x128xf32>
    %slice3A_866 = vector.extract_strided_slice %add3A_633 {offsets = [4864], sizes = [128], strides = [1]} : vector<13312xf32> to vector<128xf32>
    %broadcast_in_dim3A_867 = vector.shape_cast %slice3A_866 : vector<128xf32> to vector<1x128xf32>
    %mul3A_868 = vector.broadcast %broadcast_in_dim3A_867 : vector<1x128xf32> to vector<64x128xf32>
    %mul3A_869 = arith.mulf %slice3A_865, %mul3A_868 : vector<64x128xf32>
    %add3A_870 = arith.addf %add3A_864, %mul3A_869 : vector<64x128xf32>
    %slice3A_871 = vector.extract_strided_slice %get3A_636 {offsets = [0, 4992], sizes = [64, 128], strides = [1, 1]} : vector<64x13312xf32> to vector<64x128xf32>
    %slice3A_872 = vector.extract_strided_slice %add3A_633 {offsets = [4992], sizes = [128], strides = [1]} : vector<13312xf32> to vector<128xf32>
    %broadcast_in_dim3A_873 = vector.shape_cast %slice3A_872 : vector<128xf32> to vector<1x128xf32>
    %mul3A_874 = vector.broadcast %broadcast_in_dim3A_873 : vector<1x128xf32> to vector<64x128xf32>
    %mul3A_875 = arith.mulf %slice3A_871, %mul3A_874 : vector<64x128xf32>
    %add3A_876 = arith.addf %add3A_870, %mul3A_875 : vector<64x128xf32>
    %slice3A_877 = vector.extract_strided_slice %get3A_636 {offsets = [0, 5120], sizes = [64, 128], strides = [1, 1]} : vector<64x13312xf32> to vector<64x128xf32>
    %slice3A_878 = vector.extract_strided_slice %add3A_633 {offsets = [5120], sizes = [128], strides = [1]} : vector<13312xf32> to vector<128xf32>
    %broadcast_in_dim3A_879 = vector.shape_cast %slice3A_878 : vector<128xf32> to vector<1x128xf32>
    %mul3A_880 = vector.broadcast %broadcast_in_dim3A_879 : vector<1x128xf32> to vector<64x128xf32>
    %mul3A_881 = arith.mulf %slice3A_877, %mul3A_880 : vector<64x128xf32>
    %add3A_882 = arith.addf %add3A_876, %mul3A_881 : vector<64x128xf32>
    %slice3A_883 = vector.extract_strided_slice %get3A_636 {offsets = [0, 5248], sizes = [64, 128], strides = [1, 1]} : vector<64x13312xf32> to vector<64x128xf32>
    %slice3A_884 = vector.extract_strided_slice %add3A_633 {offsets = [5248], sizes = [128], strides = [1]} : vector<13312xf32> to vector<128xf32>
    %broadcast_in_dim3A_885 = vector.shape_cast %slice3A_884 : vector<128xf32> to vector<1x128xf32>
    %mul3A_886 = vector.broadcast %broadcast_in_dim3A_885 : vector<1x128xf32> to vector<64x128xf32>
    %mul3A_887 = arith.mulf %slice3A_883, %mul3A_886 : vector<64x128xf32>
    %add3A_888 = arith.addf %add3A_882, %mul3A_887 : vector<64x128xf32>
    %slice3A_889 = vector.extract_strided_slice %get3A_636 {offsets = [0, 5376], sizes = [64, 128], strides = [1, 1]} : vector<64x13312xf32> to vector<64x128xf32>
    %slice3A_890 = vector.extract_strided_slice %add3A_633 {offsets = [5376], sizes = [128], strides = [1]} : vector<13312xf32> to vector<128xf32>
    %broadcast_in_dim3A_891 = vector.shape_cast %slice3A_890 : vector<128xf32> to vector<1x128xf32>
    %mul3A_892 = vector.broadcast %broadcast_in_dim3A_891 : vector<1x128xf32> to vector<64x128xf32>
    %mul3A_893 = arith.mulf %slice3A_889, %mul3A_892 : vector<64x128xf32>
    %add3A_894 = arith.addf %add3A_888, %mul3A_893 : vector<64x128xf32>
    %slice3A_895 = vector.extract_strided_slice %get3A_636 {offsets = [0, 5504], sizes = [64, 128], strides = [1, 1]} : vector<64x13312xf32> to vector<64x128xf32>
    %slice3A_896 = vector.extract_strided_slice %add3A_633 {offsets = [5504], sizes = [128], strides = [1]} : vector<13312xf32> to vector<128xf32>
    %broadcast_in_dim3A_897 = vector.shape_cast %slice3A_896 : vector<128xf32> to vector<1x128xf32>
    %mul3A_898 = vector.broadcast %broadcast_in_dim3A_897 : vector<1x128xf32> to vector<64x128xf32>
    %mul3A_899 = arith.mulf %slice3A_895, %mul3A_898 : vector<64x128xf32>
    %add3A_900 = arith.addf %add3A_894, %mul3A_899 : vector<64x128xf32>
    %slice3A_901 = vector.extract_strided_slice %get3A_636 {offsets = [0, 5632], sizes = [64, 128], strides = [1, 1]} : vector<64x13312xf32> to vector<64x128xf32>
    %slice3A_902 = vector.extract_strided_slice %add3A_633 {offsets = [5632], sizes = [128], strides = [1]} : vector<13312xf32> to vector<128xf32>
    %broadcast_in_dim3A_903 = vector.shape_cast %slice3A_902 : vector<128xf32> to vector<1x128xf32>
    %mul3A_904 = vector.broadcast %broadcast_in_dim3A_903 : vector<1x128xf32> to vector<64x128xf32>
    %mul3A_905 = arith.mulf %slice3A_901, %mul3A_904 : vector<64x128xf32>
    %add3A_906 = arith.addf %add3A_900, %mul3A_905 : vector<64x128xf32>
    %slice3A_907 = vector.extract_strided_slice %get3A_636 {offsets = [0, 5760], sizes = [64, 128], strides = [1, 1]} : vector<64x13312xf32> to vector<64x128xf32>
    %slice3A_908 = vector.extract_strided_slice %add3A_633 {offsets = [5760], sizes = [128], strides = [1]} : vector<13312xf32> to vector<128xf32>
    %broadcast_in_dim3A_909 = vector.shape_cast %slice3A_908 : vector<128xf32> to vector<1x128xf32>
    %mul3A_910 = vector.broadcast %broadcast_in_dim3A_909 : vector<1x128xf32> to vector<64x128xf32>
    %mul3A_911 = arith.mulf %slice3A_907, %mul3A_910 : vector<64x128xf32>
    %add3A_912 = arith.addf %add3A_906, %mul3A_911 : vector<64x128xf32>
    %slice3A_913 = vector.extract_strided_slice %get3A_636 {offsets = [0, 5888], sizes = [64, 128], strides = [1, 1]} : vector<64x13312xf32> to vector<64x128xf32>
    %slice3A_914 = vector.extract_strided_slice %add3A_633 {offsets = [5888], sizes = [128], strides = [1]} : vector<13312xf32> to vector<128xf32>
    %broadcast_in_dim3A_915 = vector.shape_cast %slice3A_914 : vector<128xf32> to vector<1x128xf32>
    %mul3A_916 = vector.broadcast %broadcast_in_dim3A_915 : vector<1x128xf32> to vector<64x128xf32>
    %mul3A_917 = arith.mulf %slice3A_913, %mul3A_916 : vector<64x128xf32>
    %add3A_918 = arith.addf %add3A_912, %mul3A_917 : vector<64x128xf32>
    %slice3A_919 = vector.extract_strided_slice %get3A_636 {offsets = [0, 6016], sizes = [64, 128], strides = [1, 1]} : vector<64x13312xf32> to vector<64x128xf32>
    %slice3A_920 = vector.extract_strided_slice %add3A_633 {offsets = [6016], sizes = [128], strides = [1]} : vector<13312xf32> to vector<128xf32>
    %broadcast_in_dim3A_921 = vector.shape_cast %slice3A_920 : vector<128xf32> to vector<1x128xf32>
    %mul3A_922 = vector.broadcast %broadcast_in_dim3A_921 : vector<1x128xf32> to vector<64x128xf32>
    %mul3A_923 = arith.mulf %slice3A_919, %mul3A_922 : vector<64x128xf32>
    %add3A_924 = arith.addf %add3A_918, %mul3A_923 : vector<64x128xf32>
    %slice3A_925 = vector.extract_strided_slice %get3A_636 {offsets = [0, 6144], sizes = [64, 128], strides = [1, 1]} : vector<64x13312xf32> to vector<64x128xf32>
    %slice3A_926 = vector.extract_strided_slice %add3A_633 {offsets = [6144], sizes = [128], strides = [1]} : vector<13312xf32> to vector<128xf32>
    %broadcast_in_dim3A_927 = vector.shape_cast %slice3A_926 : vector<128xf32> to vector<1x128xf32>
    %mul3A_928 = vector.broadcast %broadcast_in_dim3A_927 : vector<1x128xf32> to vector<64x128xf32>
    %mul3A_929 = arith.mulf %slice3A_925, %mul3A_928 : vector<64x128xf32>
    %add3A_930 = arith.addf %add3A_924, %mul3A_929 : vector<64x128xf32>
    %slice3A_931 = vector.extract_strided_slice %get3A_636 {offsets = [0, 6272], sizes = [64, 128], strides = [1, 1]} : vector<64x13312xf32> to vector<64x128xf32>
    %slice3A_932 = vector.extract_strided_slice %add3A_633 {offsets = [6272], sizes = [128], strides = [1]} : vector<13312xf32> to vector<128xf32>
    %broadcast_in_dim3A_933 = vector.shape_cast %slice3A_932 : vector<128xf32> to vector<1x128xf32>
    %mul3A_934 = vector.broadcast %broadcast_in_dim3A_933 : vector<1x128xf32> to vector<64x128xf32>
    %mul3A_935 = arith.mulf %slice3A_931, %mul3A_934 : vector<64x128xf32>
    %add3A_936 = arith.addf %add3A_930, %mul3A_935 : vector<64x128xf32>
    %slice3A_937 = vector.extract_strided_slice %get3A_636 {offsets = [0, 6400], sizes = [64, 128], strides = [1, 1]} : vector<64x13312xf32> to vector<64x128xf32>
    %slice3A_938 = vector.extract_strided_slice %add3A_633 {offsets = [6400], sizes = [128], strides = [1]} : vector<13312xf32> to vector<128xf32>
    %broadcast_in_dim3A_939 = vector.shape_cast %slice3A_938 : vector<128xf32> to vector<1x128xf32>
    %mul3A_940 = vector.broadcast %broadcast_in_dim3A_939 : vector<1x128xf32> to vector<64x128xf32>
    %mul3A_941 = arith.mulf %slice3A_937, %mul3A_940 : vector<64x128xf32>
    %add3A_942 = arith.addf %add3A_936, %mul3A_941 : vector<64x128xf32>
    %slice3A_943 = vector.extract_strided_slice %get3A_636 {offsets = [0, 6528], sizes = [64, 128], strides = [1, 1]} : vector<64x13312xf32> to vector<64x128xf32>
    %slice3A_944 = vector.extract_strided_slice %add3A_633 {offsets = [6528], sizes = [128], strides = [1]} : vector<13312xf32> to vector<128xf32>
    %broadcast_in_dim3A_945 = vector.shape_cast %slice3A_944 : vector<128xf32> to vector<1x128xf32>
    %mul3A_946 = vector.broadcast %broadcast_in_dim3A_945 : vector<1x128xf32> to vector<64x128xf32>
    %mul3A_947 = arith.mulf %slice3A_943, %mul3A_946 : vector<64x128xf32>
    %add3A_948 = arith.addf %add3A_942, %mul3A_947 : vector<64x128xf32>
    %slice3A_949 = vector.extract_strided_slice %get3A_636 {offsets = [0, 6656], sizes = [64, 128], strides = [1, 1]} : vector<64x13312xf32> to vector<64x128xf32>
    %slice3A_950 = vector.extract_strided_slice %add3A_633 {offsets = [6656], sizes = [128], strides = [1]} : vector<13312xf32> to vector<128xf32>
    %broadcast_in_dim3A_951 = vector.shape_cast %slice3A_950 : vector<128xf32> to vector<1x128xf32>
    %mul3A_952 = vector.broadcast %broadcast_in_dim3A_951 : vector<1x128xf32> to vector<64x128xf32>
    %mul3A_953 = arith.mulf %slice3A_949, %mul3A_952 : vector<64x128xf32>
    %add3A_954 = arith.addf %add3A_948, %mul3A_953 : vector<64x128xf32>
    %slice3A_955 = vector.extract_strided_slice %get3A_636 {offsets = [0, 6784], sizes = [64, 128], strides = [1, 1]} : vector<64x13312xf32> to vector<64x128xf32>
    %slice3A_956 = vector.extract_strided_slice %add3A_633 {offsets = [6784], sizes = [128], strides = [1]} : vector<13312xf32> to vector<128xf32>
    %broadcast_in_dim3A_957 = vector.shape_cast %slice3A_956 : vector<128xf32> to vector<1x128xf32>
    %mul3A_958 = vector.broadcast %broadcast_in_dim3A_957 : vector<1x128xf32> to vector<64x128xf32>
    %mul3A_959 = arith.mulf %slice3A_955, %mul3A_958 : vector<64x128xf32>
    %add3A_960 = arith.addf %add3A_954, %mul3A_959 : vector<64x128xf32>
    %slice3A_961 = vector.extract_strided_slice %get3A_636 {offsets = [0, 6912], sizes = [64, 128], strides = [1, 1]} : vector<64x13312xf32> to vector<64x128xf32>
    %slice3A_962 = vector.extract_strided_slice %add3A_633 {offsets = [6912], sizes = [128], strides = [1]} : vector<13312xf32> to vector<128xf32>
    %broadcast_in_dim3A_963 = vector.shape_cast %slice3A_962 : vector<128xf32> to vector<1x128xf32>
    %mul3A_964 = vector.broadcast %broadcast_in_dim3A_963 : vector<1x128xf32> to vector<64x128xf32>
    %mul3A_965 = arith.mulf %slice3A_961, %mul3A_964 : vector<64x128xf32>
    %add3A_966 = arith.addf %add3A_960, %mul3A_965 : vector<64x128xf32>
    %slice3A_967 = vector.extract_strided_slice %get3A_636 {offsets = [0, 7040], sizes = [64, 128], strides = [1, 1]} : vector<64x13312xf32> to vector<64x128xf32>
    %slice3A_968 = vector.extract_strided_slice %add3A_633 {offsets = [7040], sizes = [128], strides = [1]} : vector<13312xf32> to vector<128xf32>
    %broadcast_in_dim3A_969 = vector.shape_cast %slice3A_968 : vector<128xf32> to vector<1x128xf32>
    %mul3A_970 = vector.broadcast %broadcast_in_dim3A_969 : vector<1x128xf32> to vector<64x128xf32>
    %mul3A_971 = arith.mulf %slice3A_967, %mul3A_970 : vector<64x128xf32>
    %add3A_972 = arith.addf %add3A_966, %mul3A_971 : vector<64x128xf32>
    %slice3A_973 = vector.extract_strided_slice %get3A_636 {offsets = [0, 7168], sizes = [64, 128], strides = [1, 1]} : vector<64x13312xf32> to vector<64x128xf32>
    %slice3A_974 = vector.extract_strided_slice %add3A_633 {offsets = [7168], sizes = [128], strides = [1]} : vector<13312xf32> to vector<128xf32>
    %broadcast_in_dim3A_975 = vector.shape_cast %slice3A_974 : vector<128xf32> to vector<1x128xf32>
    %mul3A_976 = vector.broadcast %broadcast_in_dim3A_975 : vector<1x128xf32> to vector<64x128xf32>
    %mul3A_977 = arith.mulf %slice3A_973, %mul3A_976 : vector<64x128xf32>
    %add3A_978 = arith.addf %add3A_972, %mul3A_977 : vector<64x128xf32>
    %slice3A_979 = vector.extract_strided_slice %get3A_636 {offsets = [0, 7296], sizes = [64, 128], strides = [1, 1]} : vector<64x13312xf32> to vector<64x128xf32>
    %slice3A_980 = vector.extract_strided_slice %add3A_633 {offsets = [7296], sizes = [128], strides = [1]} : vector<13312xf32> to vector<128xf32>
    %broadcast_in_dim3A_981 = vector.shape_cast %slice3A_980 : vector<128xf32> to vector<1x128xf32>
    %mul3A_982 = vector.broadcast %broadcast_in_dim3A_981 : vector<1x128xf32> to vector<64x128xf32>
    %mul3A_983 = arith.mulf %slice3A_979, %mul3A_982 : vector<64x128xf32>
    %add3A_984 = arith.addf %add3A_978, %mul3A_983 : vector<64x128xf32>
    %slice3A_985 = vector.extract_strided_slice %get3A_636 {offsets = [0, 7424], sizes = [64, 128], strides = [1, 1]} : vector<64x13312xf32> to vector<64x128xf32>
    %slice3A_986 = vector.extract_strided_slice %add3A_633 {offsets = [7424], sizes = [128], strides = [1]} : vector<13312xf32> to vector<128xf32>
    %broadcast_in_dim3A_987 = vector.shape_cast %slice3A_986 : vector<128xf32> to vector<1x128xf32>
    %mul3A_988 = vector.broadcast %broadcast_in_dim3A_987 : vector<1x128xf32> to vector<64x128xf32>
    %mul3A_989 = arith.mulf %slice3A_985, %mul3A_988 : vector<64x128xf32>
    %add3A_990 = arith.addf %add3A_984, %mul3A_989 : vector<64x128xf32>
    %slice3A_991 = vector.extract_strided_slice %get3A_636 {offsets = [0, 7552], sizes = [64, 128], strides = [1, 1]} : vector<64x13312xf32> to vector<64x128xf32>
    %slice3A_992 = vector.extract_strided_slice %add3A_633 {offsets = [7552], sizes = [128], strides = [1]} : vector<13312xf32> to vector<128xf32>
    %broadcast_in_dim3A_993 = vector.shape_cast %slice3A_992 : vector<128xf32> to vector<1x128xf32>
    %mul3A_994 = vector.broadcast %broadcast_in_dim3A_993 : vector<1x128xf32> to vector<64x128xf32>
    %mul3A_995 = arith.mulf %slice3A_991, %mul3A_994 : vector<64x128xf32>
    %add3A_996 = arith.addf %add3A_990, %mul3A_995 : vector<64x128xf32>
    %slice3A_997 = vector.extract_strided_slice %get3A_636 {offsets = [0, 7680], sizes = [64, 128], strides = [1, 1]} : vector<64x13312xf32> to vector<64x128xf32>
    %slice3A_998 = vector.extract_strided_slice %add3A_633 {offsets = [7680], sizes = [128], strides = [1]} : vector<13312xf32> to vector<128xf32>
    %broadcast_in_dim3A_999 = vector.shape_cast %slice3A_998 : vector<128xf32> to vector<1x128xf32>
    %mul3A_1000 = vector.broadcast %broadcast_in_dim3A_999 : vector<1x128xf32> to vector<64x128xf32>
    %mul3A_1001 = arith.mulf %slice3A_997, %mul3A_1000 : vector<64x128xf32>
    %add3A_1002 = arith.addf %add3A_996, %mul3A_1001 : vector<64x128xf32>
    %slice3A_1003 = vector.extract_strided_slice %get3A_636 {offsets = [0, 7808], sizes = [64, 128], strides = [1, 1]} : vector<64x13312xf32> to vector<64x128xf32>
    %slice3A_1004 = vector.extract_strided_slice %add3A_633 {offsets = [7808], sizes = [128], strides = [1]} : vector<13312xf32> to vector<128xf32>
    %broadcast_in_dim3A_1005 = vector.shape_cast %slice3A_1004 : vector<128xf32> to vector<1x128xf32>
    %mul3A_1006 = vector.broadcast %broadcast_in_dim3A_1005 : vector<1x128xf32> to vector<64x128xf32>
    %mul3A_1007 = arith.mulf %slice3A_1003, %mul3A_1006 : vector<64x128xf32>
    %add3A_1008 = arith.addf %add3A_1002, %mul3A_1007 : vector<64x128xf32>
    %slice3A_1009 = vector.extract_strided_slice %get3A_636 {offsets = [0, 7936], sizes = [64, 128], strides = [1, 1]} : vector<64x13312xf32> to vector<64x128xf32>
    %slice3A_1010 = vector.extract_strided_slice %add3A_633 {offsets = [7936], sizes = [128], strides = [1]} : vector<13312xf32> to vector<128xf32>
    %broadcast_in_dim3A_1011 = vector.shape_cast %slice3A_1010 : vector<128xf32> to vector<1x128xf32>
    %mul3A_1012 = vector.broadcast %broadcast_in_dim3A_1011 : vector<1x128xf32> to vector<64x128xf32>
    %mul3A_1013 = arith.mulf %slice3A_1009, %mul3A_1012 : vector<64x128xf32>
    %add3A_1014 = arith.addf %add3A_1008, %mul3A_1013 : vector<64x128xf32>
    %slice3A_1015 = vector.extract_strided_slice %get3A_636 {offsets = [0, 8064], sizes = [64, 128], strides = [1, 1]} : vector<64x13312xf32> to vector<64x128xf32>
    %slice3A_1016 = vector.extract_strided_slice %add3A_633 {offsets = [8064], sizes = [128], strides = [1]} : vector<13312xf32> to vector<128xf32>
    %broadcast_in_dim3A_1017 = vector.shape_cast %slice3A_1016 : vector<128xf32> to vector<1x128xf32>
    %mul3A_1018 = vector.broadcast %broadcast_in_dim3A_1017 : vector<1x128xf32> to vector<64x128xf32>
    %mul3A_1019 = arith.mulf %slice3A_1015, %mul3A_1018 : vector<64x128xf32>
    %add3A_1020 = arith.addf %add3A_1014, %mul3A_1019 : vector<64x128xf32>
    %slice3A_1021 = vector.extract_strided_slice %get3A_636 {offsets = [0, 8192], sizes = [64, 128], strides = [1, 1]} : vector<64x13312xf32> to vector<64x128xf32>
    %slice3A_1022 = vector.extract_strided_slice %add3A_633 {offsets = [8192], sizes = [128], strides = [1]} : vector<13312xf32> to vector<128xf32>
    %broadcast_in_dim3A_1023 = vector.shape_cast %slice3A_1022 : vector<128xf32> to vector<1x128xf32>
    %mul3A_1024 = vector.broadcast %broadcast_in_dim3A_1023 : vector<1x128xf32> to vector<64x128xf32>
    %mul3A_1025 = arith.mulf %slice3A_1021, %mul3A_1024 : vector<64x128xf32>
    %add3A_1026 = arith.addf %add3A_1020, %mul3A_1025 : vector<64x128xf32>
    %slice3A_1027 = vector.extract_strided_slice %get3A_636 {offsets = [0, 8320], sizes = [64, 128], strides = [1, 1]} : vector<64x13312xf32> to vector<64x128xf32>
    %slice3A_1028 = vector.extract_strided_slice %add3A_633 {offsets = [8320], sizes = [128], strides = [1]} : vector<13312xf32> to vector<128xf32>
    %broadcast_in_dim3A_1029 = vector.shape_cast %slice3A_1028 : vector<128xf32> to vector<1x128xf32>
    %mul3A_1030 = vector.broadcast %broadcast_in_dim3A_1029 : vector<1x128xf32> to vector<64x128xf32>
    %mul3A_1031 = arith.mulf %slice3A_1027, %mul3A_1030 : vector<64x128xf32>
    %add3A_1032 = arith.addf %add3A_1026, %mul3A_1031 : vector<64x128xf32>
    %slice3A_1033 = vector.extract_strided_slice %get3A_636 {offsets = [0, 8448], sizes = [64, 128], strides = [1, 1]} : vector<64x13312xf32> to vector<64x128xf32>
    %slice3A_1034 = vector.extract_strided_slice %add3A_633 {offsets = [8448], sizes = [128], strides = [1]} : vector<13312xf32> to vector<128xf32>
    %broadcast_in_dim3A_1035 = vector.shape_cast %slice3A_1034 : vector<128xf32> to vector<1x128xf32>
    %mul3A_1036 = vector.broadcast %broadcast_in_dim3A_1035 : vector<1x128xf32> to vector<64x128xf32>
    %mul3A_1037 = arith.mulf %slice3A_1033, %mul3A_1036 : vector<64x128xf32>
    %add3A_1038 = arith.addf %add3A_1032, %mul3A_1037 : vector<64x128xf32>
    %slice3A_1039 = vector.extract_strided_slice %get3A_636 {offsets = [0, 8576], sizes = [64, 128], strides = [1, 1]} : vector<64x13312xf32> to vector<64x128xf32>
    %slice3A_1040 = vector.extract_strided_slice %add3A_633 {offsets = [8576], sizes = [128], strides = [1]} : vector<13312xf32> to vector<128xf32>
    %broadcast_in_dim3A_1041 = vector.shape_cast %slice3A_1040 : vector<128xf32> to vector<1x128xf32>
    %mul3A_1042 = vector.broadcast %broadcast_in_dim3A_1041 : vector<1x128xf32> to vector<64x128xf32>
    %mul3A_1043 = arith.mulf %slice3A_1039, %mul3A_1042 : vector<64x128xf32>
    %add3A_1044 = arith.addf %add3A_1038, %mul3A_1043 : vector<64x128xf32>
    %slice3A_1045 = vector.extract_strided_slice %get3A_636 {offsets = [0, 8704], sizes = [64, 128], strides = [1, 1]} : vector<64x13312xf32> to vector<64x128xf32>
    %slice3A_1046 = vector.extract_strided_slice %add3A_633 {offsets = [8704], sizes = [128], strides = [1]} : vector<13312xf32> to vector<128xf32>
    %broadcast_in_dim3A_1047 = vector.shape_cast %slice3A_1046 : vector<128xf32> to vector<1x128xf32>
    %mul3A_1048 = vector.broadcast %broadcast_in_dim3A_1047 : vector<1x128xf32> to vector<64x128xf32>
    %mul3A_1049 = arith.mulf %slice3A_1045, %mul3A_1048 : vector<64x128xf32>
    %add3A_1050 = arith.addf %add3A_1044, %mul3A_1049 : vector<64x128xf32>
    %slice3A_1051 = vector.extract_strided_slice %get3A_636 {offsets = [0, 8832], sizes = [64, 128], strides = [1, 1]} : vector<64x13312xf32> to vector<64x128xf32>
    %slice3A_1052 = vector.extract_strided_slice %add3A_633 {offsets = [8832], sizes = [128], strides = [1]} : vector<13312xf32> to vector<128xf32>
    %broadcast_in_dim3A_1053 = vector.shape_cast %slice3A_1052 : vector<128xf32> to vector<1x128xf32>
    %mul3A_1054 = vector.broadcast %broadcast_in_dim3A_1053 : vector<1x128xf32> to vector<64x128xf32>
    %mul3A_1055 = arith.mulf %slice3A_1051, %mul3A_1054 : vector<64x128xf32>
    %add3A_1056 = arith.addf %add3A_1050, %mul3A_1055 : vector<64x128xf32>
    %slice3A_1057 = vector.extract_strided_slice %get3A_636 {offsets = [0, 8960], sizes = [64, 128], strides = [1, 1]} : vector<64x13312xf32> to vector<64x128xf32>
    %slice3A_1058 = vector.extract_strided_slice %add3A_633 {offsets = [8960], sizes = [128], strides = [1]} : vector<13312xf32> to vector<128xf32>
    %broadcast_in_dim3A_1059 = vector.shape_cast %slice3A_1058 : vector<128xf32> to vector<1x128xf32>
    %mul3A_1060 = vector.broadcast %broadcast_in_dim3A_1059 : vector<1x128xf32> to vector<64x128xf32>
    %mul3A_1061 = arith.mulf %slice3A_1057, %mul3A_1060 : vector<64x128xf32>
    %add3A_1062 = arith.addf %add3A_1056, %mul3A_1061 : vector<64x128xf32>
    %slice3A_1063 = vector.extract_strided_slice %get3A_636 {offsets = [0, 9088], sizes = [64, 128], strides = [1, 1]} : vector<64x13312xf32> to vector<64x128xf32>
    %slice3A_1064 = vector.extract_strided_slice %add3A_633 {offsets = [9088], sizes = [128], strides = [1]} : vector<13312xf32> to vector<128xf32>
    %broadcast_in_dim3A_1065 = vector.shape_cast %slice3A_1064 : vector<128xf32> to vector<1x128xf32>
    %mul3A_1066 = vector.broadcast %broadcast_in_dim3A_1065 : vector<1x128xf32> to vector<64x128xf32>
    %mul3A_1067 = arith.mulf %slice3A_1063, %mul3A_1066 : vector<64x128xf32>
    %add3A_1068 = arith.addf %add3A_1062, %mul3A_1067 : vector<64x128xf32>
    %slice3A_1069 = vector.extract_strided_slice %get3A_636 {offsets = [0, 9216], sizes = [64, 128], strides = [1, 1]} : vector<64x13312xf32> to vector<64x128xf32>
    %slice3A_1070 = vector.extract_strided_slice %add3A_633 {offsets = [9216], sizes = [128], strides = [1]} : vector<13312xf32> to vector<128xf32>
    %broadcast_in_dim3A_1071 = vector.shape_cast %slice3A_1070 : vector<128xf32> to vector<1x128xf32>
    %mul3A_1072 = vector.broadcast %broadcast_in_dim3A_1071 : vector<1x128xf32> to vector<64x128xf32>
    %mul3A_1073 = arith.mulf %slice3A_1069, %mul3A_1072 : vector<64x128xf32>
    %add3A_1074 = arith.addf %add3A_1068, %mul3A_1073 : vector<64x128xf32>
    %slice3A_1075 = vector.extract_strided_slice %get3A_636 {offsets = [0, 9344], sizes = [64, 128], strides = [1, 1]} : vector<64x13312xf32> to vector<64x128xf32>
    %slice3A_1076 = vector.extract_strided_slice %add3A_633 {offsets = [9344], sizes = [128], strides = [1]} : vector<13312xf32> to vector<128xf32>
    %broadcast_in_dim3A_1077 = vector.shape_cast %slice3A_1076 : vector<128xf32> to vector<1x128xf32>
    %mul3A_1078 = vector.broadcast %broadcast_in_dim3A_1077 : vector<1x128xf32> to vector<64x128xf32>
    %mul3A_1079 = arith.mulf %slice3A_1075, %mul3A_1078 : vector<64x128xf32>
    %add3A_1080 = arith.addf %add3A_1074, %mul3A_1079 : vector<64x128xf32>
    %slice3A_1081 = vector.extract_strided_slice %get3A_636 {offsets = [0, 9472], sizes = [64, 128], strides = [1, 1]} : vector<64x13312xf32> to vector<64x128xf32>
    %slice3A_1082 = vector.extract_strided_slice %add3A_633 {offsets = [9472], sizes = [128], strides = [1]} : vector<13312xf32> to vector<128xf32>
    %broadcast_in_dim3A_1083 = vector.shape_cast %slice3A_1082 : vector<128xf32> to vector<1x128xf32>
    %mul3A_1084 = vector.broadcast %broadcast_in_dim3A_1083 : vector<1x128xf32> to vector<64x128xf32>
    %mul3A_1085 = arith.mulf %slice3A_1081, %mul3A_1084 : vector<64x128xf32>
    %add3A_1086 = arith.addf %add3A_1080, %mul3A_1085 : vector<64x128xf32>
    %slice3A_1087 = vector.extract_strided_slice %get3A_636 {offsets = [0, 9600], sizes = [64, 128], strides = [1, 1]} : vector<64x13312xf32> to vector<64x128xf32>
    %slice3A_1088 = vector.extract_strided_slice %add3A_633 {offsets = [9600], sizes = [128], strides = [1]} : vector<13312xf32> to vector<128xf32>
    %broadcast_in_dim3A_1089 = vector.shape_cast %slice3A_1088 : vector<128xf32> to vector<1x128xf32>
    %mul3A_1090 = vector.broadcast %broadcast_in_dim3A_1089 : vector<1x128xf32> to vector<64x128xf32>
    %mul3A_1091 = arith.mulf %slice3A_1087, %mul3A_1090 : vector<64x128xf32>
    %add3A_1092 = arith.addf %add3A_1086, %mul3A_1091 : vector<64x128xf32>
    %slice3A_1093 = vector.extract_strided_slice %get3A_636 {offsets = [0, 9728], sizes = [64, 128], strides = [1, 1]} : vector<64x13312xf32> to vector<64x128xf32>
    %slice3A_1094 = vector.extract_strided_slice %add3A_633 {offsets = [9728], sizes = [128], strides = [1]} : vector<13312xf32> to vector<128xf32>
    %broadcast_in_dim3A_1095 = vector.shape_cast %slice3A_1094 : vector<128xf32> to vector<1x128xf32>
    %mul3A_1096 = vector.broadcast %broadcast_in_dim3A_1095 : vector<1x128xf32> to vector<64x128xf32>
    %mul3A_1097 = arith.mulf %slice3A_1093, %mul3A_1096 : vector<64x128xf32>
    %add3A_1098 = arith.addf %add3A_1092, %mul3A_1097 : vector<64x128xf32>
    %slice3A_1099 = vector.extract_strided_slice %get3A_636 {offsets = [0, 9856], sizes = [64, 128], strides = [1, 1]} : vector<64x13312xf32> to vector<64x128xf32>
    %slice3A_1100 = vector.extract_strided_slice %add3A_633 {offsets = [9856], sizes = [128], strides = [1]} : vector<13312xf32> to vector<128xf32>
    %broadcast_in_dim3A_1101 = vector.shape_cast %slice3A_1100 : vector<128xf32> to vector<1x128xf32>
    %mul3A_1102 = vector.broadcast %broadcast_in_dim3A_1101 : vector<1x128xf32> to vector<64x128xf32>
    %mul3A_1103 = arith.mulf %slice3A_1099, %mul3A_1102 : vector<64x128xf32>
    %add3A_1104 = arith.addf %add3A_1098, %mul3A_1103 : vector<64x128xf32>
    %slice3A_1105 = vector.extract_strided_slice %get3A_636 {offsets = [0, 9984], sizes = [64, 128], strides = [1, 1]} : vector<64x13312xf32> to vector<64x128xf32>
    %slice3A_1106 = vector.extract_strided_slice %add3A_633 {offsets = [9984], sizes = [128], strides = [1]} : vector<13312xf32> to vector<128xf32>
    %broadcast_in_dim3A_1107 = vector.shape_cast %slice3A_1106 : vector<128xf32> to vector<1x128xf32>
    %mul3A_1108 = vector.broadcast %broadcast_in_dim3A_1107 : vector<1x128xf32> to vector<64x128xf32>
    %mul3A_1109 = arith.mulf %slice3A_1105, %mul3A_1108 : vector<64x128xf32>
    %add3A_1110 = arith.addf %add3A_1104, %mul3A_1109 : vector<64x128xf32>
    %slice3A_1111 = vector.extract_strided_slice %get3A_636 {offsets = [0, 10112], sizes = [64, 128], strides = [1, 1]} : vector<64x13312xf32> to vector<64x128xf32>
    %slice3A_1112 = vector.extract_strided_slice %add3A_633 {offsets = [10112], sizes = [128], strides = [1]} : vector<13312xf32> to vector<128xf32>
    %broadcast_in_dim3A_1113 = vector.shape_cast %slice3A_1112 : vector<128xf32> to vector<1x128xf32>
    %mul3A_1114 = vector.broadcast %broadcast_in_dim3A_1113 : vector<1x128xf32> to vector<64x128xf32>
    %mul3A_1115 = arith.mulf %slice3A_1111, %mul3A_1114 : vector<64x128xf32>
    %add3A_1116 = arith.addf %add3A_1110, %mul3A_1115 : vector<64x128xf32>
    %slice3A_1117 = vector.extract_strided_slice %get3A_636 {offsets = [0, 10240], sizes = [64, 128], strides = [1, 1]} : vector<64x13312xf32> to vector<64x128xf32>
    %slice3A_1118 = vector.extract_strided_slice %add3A_633 {offsets = [10240], sizes = [128], strides = [1]} : vector<13312xf32> to vector<128xf32>
    %broadcast_in_dim3A_1119 = vector.shape_cast %slice3A_1118 : vector<128xf32> to vector<1x128xf32>
    %mul3A_1120 = vector.broadcast %broadcast_in_dim3A_1119 : vector<1x128xf32> to vector<64x128xf32>
    %mul3A_1121 = arith.mulf %slice3A_1117, %mul3A_1120 : vector<64x128xf32>
    %add3A_1122 = arith.addf %add3A_1116, %mul3A_1121 : vector<64x128xf32>
    %slice3A_1123 = vector.extract_strided_slice %get3A_636 {offsets = [0, 10368], sizes = [64, 128], strides = [1, 1]} : vector<64x13312xf32> to vector<64x128xf32>
    %slice3A_1124 = vector.extract_strided_slice %add3A_633 {offsets = [10368], sizes = [128], strides = [1]} : vector<13312xf32> to vector<128xf32>
    %broadcast_in_dim3A_1125 = vector.shape_cast %slice3A_1124 : vector<128xf32> to vector<1x128xf32>
    %mul3A_1126 = vector.broadcast %broadcast_in_dim3A_1125 : vector<1x128xf32> to vector<64x128xf32>
    %mul3A_1127 = arith.mulf %slice3A_1123, %mul3A_1126 : vector<64x128xf32>
    %add3A_1128 = arith.addf %add3A_1122, %mul3A_1127 : vector<64x128xf32>
    %slice3A_1129 = vector.extract_strided_slice %get3A_636 {offsets = [0, 10496], sizes = [64, 128], strides = [1, 1]} : vector<64x13312xf32> to vector<64x128xf32>
    %slice3A_1130 = vector.extract_strided_slice %add3A_633 {offsets = [10496], sizes = [128], strides = [1]} : vector<13312xf32> to vector<128xf32>
    %broadcast_in_dim3A_1131 = vector.shape_cast %slice3A_1130 : vector<128xf32> to vector<1x128xf32>
    %mul3A_1132 = vector.broadcast %broadcast_in_dim3A_1131 : vector<1x128xf32> to vector<64x128xf32>
    %mul3A_1133 = arith.mulf %slice3A_1129, %mul3A_1132 : vector<64x128xf32>
    %add3A_1134 = arith.addf %add3A_1128, %mul3A_1133 : vector<64x128xf32>
    %slice3A_1135 = vector.extract_strided_slice %get3A_636 {offsets = [0, 10624], sizes = [64, 128], strides = [1, 1]} : vector<64x13312xf32> to vector<64x128xf32>
    %slice3A_1136 = vector.extract_strided_slice %add3A_633 {offsets = [10624], sizes = [128], strides = [1]} : vector<13312xf32> to vector<128xf32>
    %broadcast_in_dim3A_1137 = vector.shape_cast %slice3A_1136 : vector<128xf32> to vector<1x128xf32>
    %mul3A_1138 = vector.broadcast %broadcast_in_dim3A_1137 : vector<1x128xf32> to vector<64x128xf32>
    %mul3A_1139 = arith.mulf %slice3A_1135, %mul3A_1138 : vector<64x128xf32>
    %add3A_1140 = arith.addf %add3A_1134, %mul3A_1139 : vector<64x128xf32>
    %slice3A_1141 = vector.extract_strided_slice %get3A_636 {offsets = [0, 10752], sizes = [64, 128], strides = [1, 1]} : vector<64x13312xf32> to vector<64x128xf32>
    %slice3A_1142 = vector.extract_strided_slice %add3A_633 {offsets = [10752], sizes = [128], strides = [1]} : vector<13312xf32> to vector<128xf32>
    %broadcast_in_dim3A_1143 = vector.shape_cast %slice3A_1142 : vector<128xf32> to vector<1x128xf32>
    %mul3A_1144 = vector.broadcast %broadcast_in_dim3A_1143 : vector<1x128xf32> to vector<64x128xf32>
    %mul3A_1145 = arith.mulf %slice3A_1141, %mul3A_1144 : vector<64x128xf32>
    %add3A_1146 = arith.addf %add3A_1140, %mul3A_1145 : vector<64x128xf32>
    %slice3A_1147 = vector.extract_strided_slice %get3A_636 {offsets = [0, 10880], sizes = [64, 128], strides = [1, 1]} : vector<64x13312xf32> to vector<64x128xf32>
    %slice3A_1148 = vector.extract_strided_slice %add3A_633 {offsets = [10880], sizes = [128], strides = [1]} : vector<13312xf32> to vector<128xf32>
    %broadcast_in_dim3A_1149 = vector.shape_cast %slice3A_1148 : vector<128xf32> to vector<1x128xf32>
    %mul3A_1150 = vector.broadcast %broadcast_in_dim3A_1149 : vector<1x128xf32> to vector<64x128xf32>
    %mul3A_1151 = arith.mulf %slice3A_1147, %mul3A_1150 : vector<64x128xf32>
    %add3A_1152 = arith.addf %add3A_1146, %mul3A_1151 : vector<64x128xf32>
    %slice3A_1153 = vector.extract_strided_slice %get3A_636 {offsets = [0, 11008], sizes = [64, 128], strides = [1, 1]} : vector<64x13312xf32> to vector<64x128xf32>
    %slice3A_1154 = vector.extract_strided_slice %add3A_633 {offsets = [11008], sizes = [128], strides = [1]} : vector<13312xf32> to vector<128xf32>
    %broadcast_in_dim3A_1155 = vector.shape_cast %slice3A_1154 : vector<128xf32> to vector<1x128xf32>
    %mul3A_1156 = vector.broadcast %broadcast_in_dim3A_1155 : vector<1x128xf32> to vector<64x128xf32>
    %mul3A_1157 = arith.mulf %slice3A_1153, %mul3A_1156 : vector<64x128xf32>
    %add3A_1158 = arith.addf %add3A_1152, %mul3A_1157 : vector<64x128xf32>
    %slice3A_1159 = vector.extract_strided_slice %get3A_636 {offsets = [0, 11136], sizes = [64, 128], strides = [1, 1]} : vector<64x13312xf32> to vector<64x128xf32>
    %slice3A_1160 = vector.extract_strided_slice %add3A_633 {offsets = [11136], sizes = [128], strides = [1]} : vector<13312xf32> to vector<128xf32>
    %broadcast_in_dim3A_1161 = vector.shape_cast %slice3A_1160 : vector<128xf32> to vector<1x128xf32>
    %mul3A_1162 = vector.broadcast %broadcast_in_dim3A_1161 : vector<1x128xf32> to vector<64x128xf32>
    %mul3A_1163 = arith.mulf %slice3A_1159, %mul3A_1162 : vector<64x128xf32>
    %add3A_1164 = arith.addf %add3A_1158, %mul3A_1163 : vector<64x128xf32>
    %slice3A_1165 = vector.extract_strided_slice %get3A_636 {offsets = [0, 11264], sizes = [64, 128], strides = [1, 1]} : vector<64x13312xf32> to vector<64x128xf32>
    %slice3A_1166 = vector.extract_strided_slice %add3A_633 {offsets = [11264], sizes = [128], strides = [1]} : vector<13312xf32> to vector<128xf32>
    %broadcast_in_dim3A_1167 = vector.shape_cast %slice3A_1166 : vector<128xf32> to vector<1x128xf32>
    %mul3A_1168 = vector.broadcast %broadcast_in_dim3A_1167 : vector<1x128xf32> to vector<64x128xf32>
    %mul3A_1169 = arith.mulf %slice3A_1165, %mul3A_1168 : vector<64x128xf32>
    %add3A_1170 = arith.addf %add3A_1164, %mul3A_1169 : vector<64x128xf32>
    %slice3A_1171 = vector.extract_strided_slice %get3A_636 {offsets = [0, 11392], sizes = [64, 128], strides = [1, 1]} : vector<64x13312xf32> to vector<64x128xf32>
    %slice3A_1172 = vector.extract_strided_slice %add3A_633 {offsets = [11392], sizes = [128], strides = [1]} : vector<13312xf32> to vector<128xf32>
    %broadcast_in_dim3A_1173 = vector.shape_cast %slice3A_1172 : vector<128xf32> to vector<1x128xf32>
    %mul3A_1174 = vector.broadcast %broadcast_in_dim3A_1173 : vector<1x128xf32> to vector<64x128xf32>
    %mul3A_1175 = arith.mulf %slice3A_1171, %mul3A_1174 : vector<64x128xf32>
    %add3A_1176 = arith.addf %add3A_1170, %mul3A_1175 : vector<64x128xf32>
    %slice3A_1177 = vector.extract_strided_slice %get3A_636 {offsets = [0, 11520], sizes = [64, 128], strides = [1, 1]} : vector<64x13312xf32> to vector<64x128xf32>
    %slice3A_1178 = vector.extract_strided_slice %add3A_633 {offsets = [11520], sizes = [128], strides = [1]} : vector<13312xf32> to vector<128xf32>
    %broadcast_in_dim3A_1179 = vector.shape_cast %slice3A_1178 : vector<128xf32> to vector<1x128xf32>
    %mul3A_1180 = vector.broadcast %broadcast_in_dim3A_1179 : vector<1x128xf32> to vector<64x128xf32>
    %mul3A_1181 = arith.mulf %slice3A_1177, %mul3A_1180 : vector<64x128xf32>
    %add3A_1182 = arith.addf %add3A_1176, %mul3A_1181 : vector<64x128xf32>
    %slice3A_1183 = vector.extract_strided_slice %get3A_636 {offsets = [0, 11648], sizes = [64, 128], strides = [1, 1]} : vector<64x13312xf32> to vector<64x128xf32>
    %slice3A_1184 = vector.extract_strided_slice %add3A_633 {offsets = [11648], sizes = [128], strides = [1]} : vector<13312xf32> to vector<128xf32>
    %broadcast_in_dim3A_1185 = vector.shape_cast %slice3A_1184 : vector<128xf32> to vector<1x128xf32>
    %mul3A_1186 = vector.broadcast %broadcast_in_dim3A_1185 : vector<1x128xf32> to vector<64x128xf32>
    %mul3A_1187 = arith.mulf %slice3A_1183, %mul3A_1186 : vector<64x128xf32>
    %add3A_1188 = arith.addf %add3A_1182, %mul3A_1187 : vector<64x128xf32>
    %slice3A_1189 = vector.extract_strided_slice %get3A_636 {offsets = [0, 11776], sizes = [64, 128], strides = [1, 1]} : vector<64x13312xf32> to vector<64x128xf32>
    %slice3A_1190 = vector.extract_strided_slice %add3A_633 {offsets = [11776], sizes = [128], strides = [1]} : vector<13312xf32> to vector<128xf32>
    %broadcast_in_dim3A_1191 = vector.shape_cast %slice3A_1190 : vector<128xf32> to vector<1x128xf32>
    %mul3A_1192 = vector.broadcast %broadcast_in_dim3A_1191 : vector<1x128xf32> to vector<64x128xf32>
    %mul3A_1193 = arith.mulf %slice3A_1189, %mul3A_1192 : vector<64x128xf32>
    %add3A_1194 = arith.addf %add3A_1188, %mul3A_1193 : vector<64x128xf32>
    %slice3A_1195 = vector.extract_strided_slice %get3A_636 {offsets = [0, 11904], sizes = [64, 128], strides = [1, 1]} : vector<64x13312xf32> to vector<64x128xf32>
    %slice3A_1196 = vector.extract_strided_slice %add3A_633 {offsets = [11904], sizes = [128], strides = [1]} : vector<13312xf32> to vector<128xf32>
    %broadcast_in_dim3A_1197 = vector.shape_cast %slice3A_1196 : vector<128xf32> to vector<1x128xf32>
    %mul3A_1198 = vector.broadcast %broadcast_in_dim3A_1197 : vector<1x128xf32> to vector<64x128xf32>
    %mul3A_1199 = arith.mulf %slice3A_1195, %mul3A_1198 : vector<64x128xf32>
    %add3A_1200 = arith.addf %add3A_1194, %mul3A_1199 : vector<64x128xf32>
    %slice3A_1201 = vector.extract_strided_slice %get3A_636 {offsets = [0, 12032], sizes = [64, 128], strides = [1, 1]} : vector<64x13312xf32> to vector<64x128xf32>
    %slice3A_1202 = vector.extract_strided_slice %add3A_633 {offsets = [12032], sizes = [128], strides = [1]} : vector<13312xf32> to vector<128xf32>
    %broadcast_in_dim3A_1203 = vector.shape_cast %slice3A_1202 : vector<128xf32> to vector<1x128xf32>
    %mul3A_1204 = vector.broadcast %broadcast_in_dim3A_1203 : vector<1x128xf32> to vector<64x128xf32>
    %mul3A_1205 = arith.mulf %slice3A_1201, %mul3A_1204 : vector<64x128xf32>
    %add3A_1206 = arith.addf %add3A_1200, %mul3A_1205 : vector<64x128xf32>
    %slice3A_1207 = vector.extract_strided_slice %get3A_636 {offsets = [0, 12160], sizes = [64, 128], strides = [1, 1]} : vector<64x13312xf32> to vector<64x128xf32>
    %slice3A_1208 = vector.extract_strided_slice %add3A_633 {offsets = [12160], sizes = [128], strides = [1]} : vector<13312xf32> to vector<128xf32>
    %broadcast_in_dim3A_1209 = vector.shape_cast %slice3A_1208 : vector<128xf32> to vector<1x128xf32>
    %mul3A_1210 = vector.broadcast %broadcast_in_dim3A_1209 : vector<1x128xf32> to vector<64x128xf32>
    %mul3A_1211 = arith.mulf %slice3A_1207, %mul3A_1210 : vector<64x128xf32>
    %add3A_1212 = arith.addf %add3A_1206, %mul3A_1211 : vector<64x128xf32>
    %slice3A_1213 = vector.extract_strided_slice %get3A_636 {offsets = [0, 12288], sizes = [64, 128], strides = [1, 1]} : vector<64x13312xf32> to vector<64x128xf32>
    %slice3A_1214 = vector.extract_strided_slice %add3A_633 {offsets = [12288], sizes = [128], strides = [1]} : vector<13312xf32> to vector<128xf32>
    %broadcast_in_dim3A_1215 = vector.shape_cast %slice3A_1214 : vector<128xf32> to vector<1x128xf32>
    %mul3A_1216 = vector.broadcast %broadcast_in_dim3A_1215 : vector<1x128xf32> to vector<64x128xf32>
    %mul3A_1217 = arith.mulf %slice3A_1213, %mul3A_1216 : vector<64x128xf32>
    %add3A_1218 = arith.addf %add3A_1212, %mul3A_1217 : vector<64x128xf32>
    %slice3A_1219 = vector.extract_strided_slice %get3A_636 {offsets = [0, 12416], sizes = [64, 128], strides = [1, 1]} : vector<64x13312xf32> to vector<64x128xf32>
    %slice3A_1220 = vector.extract_strided_slice %add3A_633 {offsets = [12416], sizes = [128], strides = [1]} : vector<13312xf32> to vector<128xf32>
    %broadcast_in_dim3A_1221 = vector.shape_cast %slice3A_1220 : vector<128xf32> to vector<1x128xf32>
    %mul3A_1222 = vector.broadcast %broadcast_in_dim3A_1221 : vector<1x128xf32> to vector<64x128xf32>
    %mul3A_1223 = arith.mulf %slice3A_1219, %mul3A_1222 : vector<64x128xf32>
    %add3A_1224 = arith.addf %add3A_1218, %mul3A_1223 : vector<64x128xf32>
    %slice3A_1225 = vector.extract_strided_slice %get3A_636 {offsets = [0, 12544], sizes = [64, 128], strides = [1, 1]} : vector<64x13312xf32> to vector<64x128xf32>
    %slice3A_1226 = vector.extract_strided_slice %add3A_633 {offsets = [12544], sizes = [128], strides = [1]} : vector<13312xf32> to vector<128xf32>
    %broadcast_in_dim3A_1227 = vector.shape_cast %slice3A_1226 : vector<128xf32> to vector<1x128xf32>
    %mul3A_1228 = vector.broadcast %broadcast_in_dim3A_1227 : vector<1x128xf32> to vector<64x128xf32>
    %mul3A_1229 = arith.mulf %slice3A_1225, %mul3A_1228 : vector<64x128xf32>
    %add3A_1230 = arith.addf %add3A_1224, %mul3A_1229 : vector<64x128xf32>
    %slice3A_1231 = vector.extract_strided_slice %get3A_636 {offsets = [0, 12672], sizes = [64, 128], strides = [1, 1]} : vector<64x13312xf32> to vector<64x128xf32>
    %slice3A_1232 = vector.extract_strided_slice %add3A_633 {offsets = [12672], sizes = [128], strides = [1]} : vector<13312xf32> to vector<128xf32>
    %broadcast_in_dim3A_1233 = vector.shape_cast %slice3A_1232 : vector<128xf32> to vector<1x128xf32>
    %mul3A_1234 = vector.broadcast %broadcast_in_dim3A_1233 : vector<1x128xf32> to vector<64x128xf32>
    %mul3A_1235 = arith.mulf %slice3A_1231, %mul3A_1234 : vector<64x128xf32>
    %add3A_1236 = arith.addf %add3A_1230, %mul3A_1235 : vector<64x128xf32>
    %slice3A_1237 = vector.extract_strided_slice %get3A_636 {offsets = [0, 12800], sizes = [64, 128], strides = [1, 1]} : vector<64x13312xf32> to vector<64x128xf32>
    %slice3A_1238 = vector.extract_strided_slice %add3A_633 {offsets = [12800], sizes = [128], strides = [1]} : vector<13312xf32> to vector<128xf32>
    %broadcast_in_dim3A_1239 = vector.shape_cast %slice3A_1238 : vector<128xf32> to vector<1x128xf32>
    %mul3A_1240 = vector.broadcast %broadcast_in_dim3A_1239 : vector<1x128xf32> to vector<64x128xf32>
    %mul3A_1241 = arith.mulf %slice3A_1237, %mul3A_1240 : vector<64x128xf32>
    %add3A_1242 = arith.addf %add3A_1236, %mul3A_1241 : vector<64x128xf32>
    %slice3A_1243 = vector.extract_strided_slice %get3A_636 {offsets = [0, 12928], sizes = [64, 128], strides = [1, 1]} : vector<64x13312xf32> to vector<64x128xf32>
    %slice3A_1244 = vector.extract_strided_slice %add3A_633 {offsets = [12928], sizes = [128], strides = [1]} : vector<13312xf32> to vector<128xf32>
    %broadcast_in_dim3A_1245 = vector.shape_cast %slice3A_1244 : vector<128xf32> to vector<1x128xf32>
    %mul3A_1246 = vector.broadcast %broadcast_in_dim3A_1245 : vector<1x128xf32> to vector<64x128xf32>
    %mul3A_1247 = arith.mulf %slice3A_1243, %mul3A_1246 : vector<64x128xf32>
    %add3A_1248 = arith.addf %add3A_1242, %mul3A_1247 : vector<64x128xf32>
    %slice3A_1249 = vector.extract_strided_slice %get3A_636 {offsets = [0, 13056], sizes = [64, 128], strides = [1, 1]} : vector<64x13312xf32> to vector<64x128xf32>
    %slice3A_1250 = vector.extract_strided_slice %add3A_633 {offsets = [13056], sizes = [128], strides = [1]} : vector<13312xf32> to vector<128xf32>
    %broadcast_in_dim3A_1251 = vector.shape_cast %slice3A_1250 : vector<128xf32> to vector<1x128xf32>
    %mul3A_1252 = vector.broadcast %broadcast_in_dim3A_1251 : vector<1x128xf32> to vector<64x128xf32>
    %mul3A_1253 = arith.mulf %slice3A_1249, %mul3A_1252 : vector<64x128xf32>
    %add3A_1254 = arith.addf %add3A_1248, %mul3A_1253 : vector<64x128xf32>
    %slice3A_1255 = vector.extract_strided_slice %get3A_636 {offsets = [0, 13184], sizes = [64, 128], strides = [1, 1]} : vector<64x13312xf32> to vector<64x128xf32>
    %slice3A_1256 = vector.extract_strided_slice %add3A_633 {offsets = [13184], sizes = [128], strides = [1]} : vector<13312xf32> to vector<128xf32>
    %broadcast_in_dim3A_1257 = vector.shape_cast %slice3A_1256 : vector<128xf32> to vector<1x128xf32>
    %mul3A_1258 = vector.broadcast %broadcast_in_dim3A_1257 : vector<1x128xf32> to vector<64x128xf32>
    %mul3A_1259 = arith.mulf %slice3A_1255, %mul3A_1258 : vector<64x128xf32>
    %add3A_1260 = arith.addf %add3A_1254, %mul3A_1259 : vector<64x128xf32>
    %get3A_1261 = arith.constant 0 : index
    %get3A_1262 = vector.load %arg6[%get3A_1261] : memref<13312xf32, #tpu.memory_space<vmem>>, vector<13312xf32>
    %get3A_1263 = arith.constant 0 : index
    %get3A_1264 = vector.load %arg9[%get3A_1263] : memref<13312xf32, #tpu.memory_space<vmem>>, vector<13312xf32>
    %add3A_1265 = arith.addf %get3A_1262, %get3A_1264 : vector<13312xf32>
    %get3A_1266 = arith.constant 0 : index
    %get3A_1267 = arith.constant 0 : index
    %get3A_1268 = vector.load %arg3[%get3A_1266, %get3A_1267] : memref<64x13312xf32, #tpu.memory_space<vmem>>, vector<64x13312xf32>
    %slice3A_1269 = vector.extract_strided_slice %get3A_1268 {offsets = [0, 0], sizes = [64, 128], strides = [1, 1]} : vector<64x13312xf32> to vector<64x128xf32>
    %slice3A_1270 = vector.extract_strided_slice %add3A_1265 {offsets = [0], sizes = [128], strides = [1]} : vector<13312xf32> to vector<128xf32>
    %broadcast_in_dim3A_1271 = vector.shape_cast %slice3A_1270 : vector<128xf32> to vector<1x128xf32>
    %mul3A_1272 = vector.broadcast %broadcast_in_dim3A_1271 : vector<1x128xf32> to vector<64x128xf32>
    %mul3A_1273 = arith.mulf %slice3A_1269, %mul3A_1272 : vector<64x128xf32>
    %add3A_1274 = arith.addf %add3A_1260, %mul3A_1273 : vector<64x128xf32>
    %slice3A_1275 = vector.extract_strided_slice %get3A_1268 {offsets = [0, 128], sizes = [64, 128], strides = [1, 1]} : vector<64x13312xf32> to vector<64x128xf32>
    %slice3A_1276 = vector.extract_strided_slice %add3A_1265 {offsets = [128], sizes = [128], strides = [1]} : vector<13312xf32> to vector<128xf32>
    %broadcast_in_dim3A_1277 = vector.shape_cast %slice3A_1276 : vector<128xf32> to vector<1x128xf32>
    %mul3A_1278 = vector.broadcast %broadcast_in_dim3A_1277 : vector<1x128xf32> to vector<64x128xf32>
    %mul3A_1279 = arith.mulf %slice3A_1275, %mul3A_1278 : vector<64x128xf32>
    %add3A_1280 = arith.addf %add3A_1274, %mul3A_1279 : vector<64x128xf32>
    %slice3A_1281 = vector.extract_strided_slice %get3A_1268 {offsets = [0, 256], sizes = [64, 128], strides = [1, 1]} : vector<64x13312xf32> to vector<64x128xf32>
    %slice3A_1282 = vector.extract_strided_slice %add3A_1265 {offsets = [256], sizes = [128], strides = [1]} : vector<13312xf32> to vector<128xf32>
    %broadcast_in_dim3A_1283 = vector.shape_cast %slice3A_1282 : vector<128xf32> to vector<1x128xf32>
    %mul3A_1284 = vector.broadcast %broadcast_in_dim3A_1283 : vector<1x128xf32> to vector<64x128xf32>
    %mul3A_1285 = arith.mulf %slice3A_1281, %mul3A_1284 : vector<64x128xf32>
    %add3A_1286 = arith.addf %add3A_1280, %mul3A_1285 : vector<64x128xf32>
    %slice3A_1287 = vector.extract_strided_slice %get3A_1268 {offsets = [0, 384], sizes = [64, 128], strides = [1, 1]} : vector<64x13312xf32> to vector<64x128xf32>
    %slice3A_1288 = vector.extract_strided_slice %add3A_1265 {offsets = [384], sizes = [128], strides = [1]} : vector<13312xf32> to vector<128xf32>
    %broadcast_in_dim3A_1289 = vector.shape_cast %slice3A_1288 : vector<128xf32> to vector<1x128xf32>
    %mul3A_1290 = vector.broadcast %broadcast_in_dim3A_1289 : vector<1x128xf32> to vector<64x128xf32>
    %mul3A_1291 = arith.mulf %slice3A_1287, %mul3A_1290 : vector<64x128xf32>
    %add3A_1292 = arith.addf %add3A_1286, %mul3A_1291 : vector<64x128xf32>
    %slice3A_1293 = vector.extract_strided_slice %get3A_1268 {offsets = [0, 512], sizes = [64, 128], strides = [1, 1]} : vector<64x13312xf32> to vector<64x128xf32>
    %slice3A_1294 = vector.extract_strided_slice %add3A_1265 {offsets = [512], sizes = [128], strides = [1]} : vector<13312xf32> to vector<128xf32>
    %broadcast_in_dim3A_1295 = vector.shape_cast %slice3A_1294 : vector<128xf32> to vector<1x128xf32>
    %mul3A_1296 = vector.broadcast %broadcast_in_dim3A_1295 : vector<1x128xf32> to vector<64x128xf32>
    %mul3A_1297 = arith.mulf %slice3A_1293, %mul3A_1296 : vector<64x128xf32>
    %add3A_1298 = arith.addf %add3A_1292, %mul3A_1297 : vector<64x128xf32>
    %slice3A_1299 = vector.extract_strided_slice %get3A_1268 {offsets = [0, 640], sizes = [64, 128], strides = [1, 1]} : vector<64x13312xf32> to vector<64x128xf32>
    %slice3A_1300 = vector.extract_strided_slice %add3A_1265 {offsets = [640], sizes = [128], strides = [1]} : vector<13312xf32> to vector<128xf32>
    %broadcast_in_dim3A_1301 = vector.shape_cast %slice3A_1300 : vector<128xf32> to vector<1x128xf32>
    %mul3A_1302 = vector.broadcast %broadcast_in_dim3A_1301 : vector<1x128xf32> to vector<64x128xf32>
    %mul3A_1303 = arith.mulf %slice3A_1299, %mul3A_1302 : vector<64x128xf32>
    %add3A_1304 = arith.addf %add3A_1298, %mul3A_1303 : vector<64x128xf32>
    %slice3A_1305 = vector.extract_strided_slice %get3A_1268 {offsets = [0, 768], sizes = [64, 128], strides = [1, 1]} : vector<64x13312xf32> to vector<64x128xf32>
    %slice3A_1306 = vector.extract_strided_slice %add3A_1265 {offsets = [768], sizes = [128], strides = [1]} : vector<13312xf32> to vector<128xf32>
    %broadcast_in_dim3A_1307 = vector.shape_cast %slice3A_1306 : vector<128xf32> to vector<1x128xf32>
    %mul3A_1308 = vector.broadcast %broadcast_in_dim3A_1307 : vector<1x128xf32> to vector<64x128xf32>
    %mul3A_1309 = arith.mulf %slice3A_1305, %mul3A_1308 : vector<64x128xf32>
    %add3A_1310 = arith.addf %add3A_1304, %mul3A_1309 : vector<64x128xf32>
    %slice3A_1311 = vector.extract_strided_slice %get3A_1268 {offsets = [0, 896], sizes = [64, 128], strides = [1, 1]} : vector<64x13312xf32> to vector<64x128xf32>
    %slice3A_1312 = vector.extract_strided_slice %add3A_1265 {offsets = [896], sizes = [128], strides = [1]} : vector<13312xf32> to vector<128xf32>
    %broadcast_in_dim3A_1313 = vector.shape_cast %slice3A_1312 : vector<128xf32> to vector<1x128xf32>
    %mul3A_1314 = vector.broadcast %broadcast_in_dim3A_1313 : vector<1x128xf32> to vector<64x128xf32>
    %mul3A_1315 = arith.mulf %slice3A_1311, %mul3A_1314 : vector<64x128xf32>
    %add3A_1316 = arith.addf %add3A_1310, %mul3A_1315 : vector<64x128xf32>
    %slice3A_1317 = vector.extract_strided_slice %get3A_1268 {offsets = [0, 1024], sizes = [64, 128], strides = [1, 1]} : vector<64x13312xf32> to vector<64x128xf32>
    %slice3A_1318 = vector.extract_strided_slice %add3A_1265 {offsets = [1024], sizes = [128], strides = [1]} : vector<13312xf32> to vector<128xf32>
    %broadcast_in_dim3A_1319 = vector.shape_cast %slice3A_1318 : vector<128xf32> to vector<1x128xf32>
    %mul3A_1320 = vector.broadcast %broadcast_in_dim3A_1319 : vector<1x128xf32> to vector<64x128xf32>
    %mul3A_1321 = arith.mulf %slice3A_1317, %mul3A_1320 : vector<64x128xf32>
    %add3A_1322 = arith.addf %add3A_1316, %mul3A_1321 : vector<64x128xf32>
    %slice3A_1323 = vector.extract_strided_slice %get3A_1268 {offsets = [0, 1152], sizes = [64, 128], strides = [1, 1]} : vector<64x13312xf32> to vector<64x128xf32>
    %slice3A_1324 = vector.extract_strided_slice %add3A_1265 {offsets = [1152], sizes = [128], strides = [1]} : vector<13312xf32> to vector<128xf32>
    %broadcast_in_dim3A_1325 = vector.shape_cast %slice3A_1324 : vector<128xf32> to vector<1x128xf32>
    %mul3A_1326 = vector.broadcast %broadcast_in_dim3A_1325 : vector<1x128xf32> to vector<64x128xf32>
    %mul3A_1327 = arith.mulf %slice3A_1323, %mul3A_1326 : vector<64x128xf32>
    %add3A_1328 = arith.addf %add3A_1322, %mul3A_1327 : vector<64x128xf32>
    %slice3A_1329 = vector.extract_strided_slice %get3A_1268 {offsets = [0, 1280], sizes = [64, 128], strides = [1, 1]} : vector<64x13312xf32> to vector<64x128xf32>
    %slice3A_1330 = vector.extract_strided_slice %add3A_1265 {offsets = [1280], sizes = [128], strides = [1]} : vector<13312xf32> to vector<128xf32>
    %broadcast_in_dim3A_1331 = vector.shape_cast %slice3A_1330 : vector<128xf32> to vector<1x128xf32>
    %mul3A_1332 = vector.broadcast %broadcast_in_dim3A_1331 : vector<1x128xf32> to vector<64x128xf32>
    %mul3A_1333 = arith.mulf %slice3A_1329, %mul3A_1332 : vector<64x128xf32>
    %add3A_1334 = arith.addf %add3A_1328, %mul3A_1333 : vector<64x128xf32>
    %slice3A_1335 = vector.extract_strided_slice %get3A_1268 {offsets = [0, 1408], sizes = [64, 128], strides = [1, 1]} : vector<64x13312xf32> to vector<64x128xf32>
    %slice3A_1336 = vector.extract_strided_slice %add3A_1265 {offsets = [1408], sizes = [128], strides = [1]} : vector<13312xf32> to vector<128xf32>
    %broadcast_in_dim3A_1337 = vector.shape_cast %slice3A_1336 : vector<128xf32> to vector<1x128xf32>
    %mul3A_1338 = vector.broadcast %broadcast_in_dim3A_1337 : vector<1x128xf32> to vector<64x128xf32>
    %mul3A_1339 = arith.mulf %slice3A_1335, %mul3A_1338 : vector<64x128xf32>
    %add3A_1340 = arith.addf %add3A_1334, %mul3A_1339 : vector<64x128xf32>
    %slice3A_1341 = vector.extract_strided_slice %get3A_1268 {offsets = [0, 1536], sizes = [64, 128], strides = [1, 1]} : vector<64x13312xf32> to vector<64x128xf32>
    %slice3A_1342 = vector.extract_strided_slice %add3A_1265 {offsets = [1536], sizes = [128], strides = [1]} : vector<13312xf32> to vector<128xf32>
    %broadcast_in_dim3A_1343 = vector.shape_cast %slice3A_1342 : vector<128xf32> to vector<1x128xf32>
    %mul3A_1344 = vector.broadcast %broadcast_in_dim3A_1343 : vector<1x128xf32> to vector<64x128xf32>
    %mul3A_1345 = arith.mulf %slice3A_1341, %mul3A_1344 : vector<64x128xf32>
    %add3A_1346 = arith.addf %add3A_1340, %mul3A_1345 : vector<64x128xf32>
    %slice3A_1347 = vector.extract_strided_slice %get3A_1268 {offsets = [0, 1664], sizes = [64, 128], strides = [1, 1]} : vector<64x13312xf32> to vector<64x128xf32>
    %slice3A_1348 = vector.extract_strided_slice %add3A_1265 {offsets = [1664], sizes = [128], strides = [1]} : vector<13312xf32> to vector<128xf32>
    %broadcast_in_dim3A_1349 = vector.shape_cast %slice3A_1348 : vector<128xf32> to vector<1x128xf32>
    %mul3A_1350 = vector.broadcast %broadcast_in_dim3A_1349 : vector<1x128xf32> to vector<64x128xf32>
    %mul3A_1351 = arith.mulf %slice3A_1347, %mul3A_1350 : vector<64x128xf32>
    %add3A_1352 = arith.addf %add3A_1346, %mul3A_1351 : vector<64x128xf32>
    %slice3A_1353 = vector.extract_strided_slice %get3A_1268 {offsets = [0, 1792], sizes = [64, 128], strides = [1, 1]} : vector<64x13312xf32> to vector<64x128xf32>
    %slice3A_1354 = vector.extract_strided_slice %add3A_1265 {offsets = [1792], sizes = [128], strides = [1]} : vector<13312xf32> to vector<128xf32>
    %broadcast_in_dim3A_1355 = vector.shape_cast %slice3A_1354 : vector<128xf32> to vector<1x128xf32>
    %mul3A_1356 = vector.broadcast %broadcast_in_dim3A_1355 : vector<1x128xf32> to vector<64x128xf32>
    %mul3A_1357 = arith.mulf %slice3A_1353, %mul3A_1356 : vector<64x128xf32>
    %add3A_1358 = arith.addf %add3A_1352, %mul3A_1357 : vector<64x128xf32>
    %slice3A_1359 = vector.extract_strided_slice %get3A_1268 {offsets = [0, 1920], sizes = [64, 128], strides = [1, 1]} : vector<64x13312xf32> to vector<64x128xf32>
    %slice3A_1360 = vector.extract_strided_slice %add3A_1265 {offsets = [1920], sizes = [128], strides = [1]} : vector<13312xf32> to vector<128xf32>
    %broadcast_in_dim3A_1361 = vector.shape_cast %slice3A_1360 : vector<128xf32> to vector<1x128xf32>
    %mul3A_1362 = vector.broadcast %broadcast_in_dim3A_1361 : vector<1x128xf32> to vector<64x128xf32>
    %mul3A_1363 = arith.mulf %slice3A_1359, %mul3A_1362 : vector<64x128xf32>
    %add3A_1364 = arith.addf %add3A_1358, %mul3A_1363 : vector<64x128xf32>
    %slice3A_1365 = vector.extract_strided_slice %get3A_1268 {offsets = [0, 2048], sizes = [64, 128], strides = [1, 1]} : vector<64x13312xf32> to vector<64x128xf32>
    %slice3A_1366 = vector.extract_strided_slice %add3A_1265 {offsets = [2048], sizes = [128], strides = [1]} : vector<13312xf32> to vector<128xf32>
    %broadcast_in_dim3A_1367 = vector.shape_cast %slice3A_1366 : vector<128xf32> to vector<1x128xf32>
    %mul3A_1368 = vector.broadcast %broadcast_in_dim3A_1367 : vector<1x128xf32> to vector<64x128xf32>
    %mul3A_1369 = arith.mulf %slice3A_1365, %mul3A_1368 : vector<64x128xf32>
    %add3A_1370 = arith.addf %add3A_1364, %mul3A_1369 : vector<64x128xf32>
    %slice3A_1371 = vector.extract_strided_slice %get3A_1268 {offsets = [0, 2176], sizes = [64, 128], strides = [1, 1]} : vector<64x13312xf32> to vector<64x128xf32>
    %slice3A_1372 = vector.extract_strided_slice %add3A_1265 {offsets = [2176], sizes = [128], strides = [1]} : vector<13312xf32> to vector<128xf32>
    %broadcast_in_dim3A_1373 = vector.shape_cast %slice3A_1372 : vector<128xf32> to vector<1x128xf32>
    %mul3A_1374 = vector.broadcast %broadcast_in_dim3A_1373 : vector<1x128xf32> to vector<64x128xf32>
    %mul3A_1375 = arith.mulf %slice3A_1371, %mul3A_1374 : vector<64x128xf32>
    %add3A_1376 = arith.addf %add3A_1370, %mul3A_1375 : vector<64x128xf32>
    %slice3A_1377 = vector.extract_strided_slice %get3A_1268 {offsets = [0, 2304], sizes = [64, 128], strides = [1, 1]} : vector<64x13312xf32> to vector<64x128xf32>
    %slice3A_1378 = vector.extract_strided_slice %add3A_1265 {offsets = [2304], sizes = [128], strides = [1]} : vector<13312xf32> to vector<128xf32>
    %broadcast_in_dim3A_1379 = vector.shape_cast %slice3A_1378 : vector<128xf32> to vector<1x128xf32>
    %mul3A_1380 = vector.broadcast %broadcast_in_dim3A_1379 : vector<1x128xf32> to vector<64x128xf32>
    %mul3A_1381 = arith.mulf %slice3A_1377, %mul3A_1380 : vector<64x128xf32>
    %add3A_1382 = arith.addf %add3A_1376, %mul3A_1381 : vector<64x128xf32>
    %slice3A_1383 = vector.extract_strided_slice %get3A_1268 {offsets = [0, 2432], sizes = [64, 128], strides = [1, 1]} : vector<64x13312xf32> to vector<64x128xf32>
    %slice3A_1384 = vector.extract_strided_slice %add3A_1265 {offsets = [2432], sizes = [128], strides = [1]} : vector<13312xf32> to vector<128xf32>
    %broadcast_in_dim3A_1385 = vector.shape_cast %slice3A_1384 : vector<128xf32> to vector<1x128xf32>
    %mul3A_1386 = vector.broadcast %broadcast_in_dim3A_1385 : vector<1x128xf32> to vector<64x128xf32>
    %mul3A_1387 = arith.mulf %slice3A_1383, %mul3A_1386 : vector<64x128xf32>
    %add3A_1388 = arith.addf %add3A_1382, %mul3A_1387 : vector<64x128xf32>
    %slice3A_1389 = vector.extract_strided_slice %get3A_1268 {offsets = [0, 2560], sizes = [64, 128], strides = [1, 1]} : vector<64x13312xf32> to vector<64x128xf32>
    %slice3A_1390 = vector.extract_strided_slice %add3A_1265 {offsets = [2560], sizes = [128], strides = [1]} : vector<13312xf32> to vector<128xf32>
    %broadcast_in_dim3A_1391 = vector.shape_cast %slice3A_1390 : vector<128xf32> to vector<1x128xf32>
    %mul3A_1392 = vector.broadcast %broadcast_in_dim3A_1391 : vector<1x128xf32> to vector<64x128xf32>
    %mul3A_1393 = arith.mulf %slice3A_1389, %mul3A_1392 : vector<64x128xf32>
    %add3A_1394 = arith.addf %add3A_1388, %mul3A_1393 : vector<64x128xf32>
    %slice3A_1395 = vector.extract_strided_slice %get3A_1268 {offsets = [0, 2688], sizes = [64, 128], strides = [1, 1]} : vector<64x13312xf32> to vector<64x128xf32>
    %slice3A_1396 = vector.extract_strided_slice %add3A_1265 {offsets = [2688], sizes = [128], strides = [1]} : vector<13312xf32> to vector<128xf32>
    %broadcast_in_dim3A_1397 = vector.shape_cast %slice3A_1396 : vector<128xf32> to vector<1x128xf32>
    %mul3A_1398 = vector.broadcast %broadcast_in_dim3A_1397 : vector<1x128xf32> to vector<64x128xf32>
    %mul3A_1399 = arith.mulf %slice3A_1395, %mul3A_1398 : vector<64x128xf32>
    %add3A_1400 = arith.addf %add3A_1394, %mul3A_1399 : vector<64x128xf32>
    %slice3A_1401 = vector.extract_strided_slice %get3A_1268 {offsets = [0, 2816], sizes = [64, 128], strides = [1, 1]} : vector<64x13312xf32> to vector<64x128xf32>
    %slice3A_1402 = vector.extract_strided_slice %add3A_1265 {offsets = [2816], sizes = [128], strides = [1]} : vector<13312xf32> to vector<128xf32>
    %broadcast_in_dim3A_1403 = vector.shape_cast %slice3A_1402 : vector<128xf32> to vector<1x128xf32>
    %mul3A_1404 = vector.broadcast %broadcast_in_dim3A_1403 : vector<1x128xf32> to vector<64x128xf32>
    %mul3A_1405 = arith.mulf %slice3A_1401, %mul3A_1404 : vector<64x128xf32>
    %add3A_1406 = arith.addf %add3A_1400, %mul3A_1405 : vector<64x128xf32>
    %slice3A_1407 = vector.extract_strided_slice %get3A_1268 {offsets = [0, 2944], sizes = [64, 128], strides = [1, 1]} : vector<64x13312xf32> to vector<64x128xf32>
    %slice3A_1408 = vector.extract_strided_slice %add3A_1265 {offsets = [2944], sizes = [128], strides = [1]} : vector<13312xf32> to vector<128xf32>
    %broadcast_in_dim3A_1409 = vector.shape_cast %slice3A_1408 : vector<128xf32> to vector<1x128xf32>
    %mul3A_1410 = vector.broadcast %broadcast_in_dim3A_1409 : vector<1x128xf32> to vector<64x128xf32>
    %mul3A_1411 = arith.mulf %slice3A_1407, %mul3A_1410 : vector<64x128xf32>
    %add3A_1412 = arith.addf %add3A_1406, %mul3A_1411 : vector<64x128xf32>
    %slice3A_1413 = vector.extract_strided_slice %get3A_1268 {offsets = [0, 3072], sizes = [64, 128], strides = [1, 1]} : vector<64x13312xf32> to vector<64x128xf32>
    %slice3A_1414 = vector.extract_strided_slice %add3A_1265 {offsets = [3072], sizes = [128], strides = [1]} : vector<13312xf32> to vector<128xf32>
    %broadcast_in_dim3A_1415 = vector.shape_cast %slice3A_1414 : vector<128xf32> to vector<1x128xf32>
    %mul3A_1416 = vector.broadcast %broadcast_in_dim3A_1415 : vector<1x128xf32> to vector<64x128xf32>
    %mul3A_1417 = arith.mulf %slice3A_1413, %mul3A_1416 : vector<64x128xf32>
    %add3A_1418 = arith.addf %add3A_1412, %mul3A_1417 : vector<64x128xf32>
    %slice3A_1419 = vector.extract_strided_slice %get3A_1268 {offsets = [0, 3200], sizes = [64, 128], strides = [1, 1]} : vector<64x13312xf32> to vector<64x128xf32>
    %slice3A_1420 = vector.extract_strided_slice %add3A_1265 {offsets = [3200], sizes = [128], strides = [1]} : vector<13312xf32> to vector<128xf32>
    %broadcast_in_dim3A_1421 = vector.shape_cast %slice3A_1420 : vector<128xf32> to vector<1x128xf32>
    %mul3A_1422 = vector.broadcast %broadcast_in_dim3A_1421 : vector<1x128xf32> to vector<64x128xf32>
    %mul3A_1423 = arith.mulf %slice3A_1419, %mul3A_1422 : vector<64x128xf32>
    %add3A_1424 = arith.addf %add3A_1418, %mul3A_1423 : vector<64x128xf32>
    %slice3A_1425 = vector.extract_strided_slice %get3A_1268 {offsets = [0, 3328], sizes = [64, 128], strides = [1, 1]} : vector<64x13312xf32> to vector<64x128xf32>
    %slice3A_1426 = vector.extract_strided_slice %add3A_1265 {offsets = [3328], sizes = [128], strides = [1]} : vector<13312xf32> to vector<128xf32>
    %broadcast_in_dim3A_1427 = vector.shape_cast %slice3A_1426 : vector<128xf32> to vector<1x128xf32>
    %mul3A_1428 = vector.broadcast %broadcast_in_dim3A_1427 : vector<1x128xf32> to vector<64x128xf32>
    %mul3A_1429 = arith.mulf %slice3A_1425, %mul3A_1428 : vector<64x128xf32>
    %add3A_1430 = arith.addf %add3A_1424, %mul3A_1429 : vector<64x128xf32>
    %slice3A_1431 = vector.extract_strided_slice %get3A_1268 {offsets = [0, 3456], sizes = [64, 128], strides = [1, 1]} : vector<64x13312xf32> to vector<64x128xf32>
    %slice3A_1432 = vector.extract_strided_slice %add3A_1265 {offsets = [3456], sizes = [128], strides = [1]} : vector<13312xf32> to vector<128xf32>
    %broadcast_in_dim3A_1433 = vector.shape_cast %slice3A_1432 : vector<128xf32> to vector<1x128xf32>
    %mul3A_1434 = vector.broadcast %broadcast_in_dim3A_1433 : vector<1x128xf32> to vector<64x128xf32>
    %mul3A_1435 = arith.mulf %slice3A_1431, %mul3A_1434 : vector<64x128xf32>
    %add3A_1436 = arith.addf %add3A_1430, %mul3A_1435 : vector<64x128xf32>
    %slice3A_1437 = vector.extract_strided_slice %get3A_1268 {offsets = [0, 3584], sizes = [64, 128], strides = [1, 1]} : vector<64x13312xf32> to vector<64x128xf32>
    %slice3A_1438 = vector.extract_strided_slice %add3A_1265 {offsets = [3584], sizes = [128], strides = [1]} : vector<13312xf32> to vector<128xf32>
    %broadcast_in_dim3A_1439 = vector.shape_cast %slice3A_1438 : vector<128xf32> to vector<1x128xf32>
    %mul3A_1440 = vector.broadcast %broadcast_in_dim3A_1439 : vector<1x128xf32> to vector<64x128xf32>
    %mul3A_1441 = arith.mulf %slice3A_1437, %mul3A_1440 : vector<64x128xf32>
    %add3A_1442 = arith.addf %add3A_1436, %mul3A_1441 : vector<64x128xf32>
    %slice3A_1443 = vector.extract_strided_slice %get3A_1268 {offsets = [0, 3712], sizes = [64, 128], strides = [1, 1]} : vector<64x13312xf32> to vector<64x128xf32>
    %slice3A_1444 = vector.extract_strided_slice %add3A_1265 {offsets = [3712], sizes = [128], strides = [1]} : vector<13312xf32> to vector<128xf32>
    %broadcast_in_dim3A_1445 = vector.shape_cast %slice3A_1444 : vector<128xf32> to vector<1x128xf32>
    %mul3A_1446 = vector.broadcast %broadcast_in_dim3A_1445 : vector<1x128xf32> to vector<64x128xf32>
    %mul3A_1447 = arith.mulf %slice3A_1443, %mul3A_1446 : vector<64x128xf32>
    %add3A_1448 = arith.addf %add3A_1442, %mul3A_1447 : vector<64x128xf32>
    %slice3A_1449 = vector.extract_strided_slice %get3A_1268 {offsets = [0, 3840], sizes = [64, 128], strides = [1, 1]} : vector<64x13312xf32> to vector<64x128xf32>
    %slice3A_1450 = vector.extract_strided_slice %add3A_1265 {offsets = [3840], sizes = [128], strides = [1]} : vector<13312xf32> to vector<128xf32>
    %broadcast_in_dim3A_1451 = vector.shape_cast %slice3A_1450 : vector<128xf32> to vector<1x128xf32>
    %mul3A_1452 = vector.broadcast %broadcast_in_dim3A_1451 : vector<1x128xf32> to vector<64x128xf32>
    %mul3A_1453 = arith.mulf %slice3A_1449, %mul3A_1452 : vector<64x128xf32>
    %add3A_1454 = arith.addf %add3A_1448, %mul3A_1453 : vector<64x128xf32>
    %slice3A_1455 = vector.extract_strided_slice %get3A_1268 {offsets = [0, 3968], sizes = [64, 128], strides = [1, 1]} : vector<64x13312xf32> to vector<64x128xf32>
    %slice3A_1456 = vector.extract_strided_slice %add3A_1265 {offsets = [3968], sizes = [128], strides = [1]} : vector<13312xf32> to vector<128xf32>
    %broadcast_in_dim3A_1457 = vector.shape_cast %slice3A_1456 : vector<128xf32> to vector<1x128xf32>
    %mul3A_1458 = vector.broadcast %broadcast_in_dim3A_1457 : vector<1x128xf32> to vector<64x128xf32>
    %mul3A_1459 = arith.mulf %slice3A_1455, %mul3A_1458 : vector<64x128xf32>
    %add3A_1460 = arith.addf %add3A_1454, %mul3A_1459 : vector<64x128xf32>
    %slice3A_1461 = vector.extract_strided_slice %get3A_1268 {offsets = [0, 4096], sizes = [64, 128], strides = [1, 1]} : vector<64x13312xf32> to vector<64x128xf32>
    %slice3A_1462 = vector.extract_strided_slice %add3A_1265 {offsets = [4096], sizes = [128], strides = [1]} : vector<13312xf32> to vector<128xf32>
    %broadcast_in_dim3A_1463 = vector.shape_cast %slice3A_1462 : vector<128xf32> to vector<1x128xf32>
    %mul3A_1464 = vector.broadcast %broadcast_in_dim3A_1463 : vector<1x128xf32> to vector<64x128xf32>
    %mul3A_1465 = arith.mulf %slice3A_1461, %mul3A_1464 : vector<64x128xf32>
    %add3A_1466 = arith.addf %add3A_1460, %mul3A_1465 : vector<64x128xf32>
    %slice3A_1467 = vector.extract_strided_slice %get3A_1268 {offsets = [0, 4224], sizes = [64, 128], strides = [1, 1]} : vector<64x13312xf32> to vector<64x128xf32>
    %slice3A_1468 = vector.extract_strided_slice %add3A_1265 {offsets = [4224], sizes = [128], strides = [1]} : vector<13312xf32> to vector<128xf32>
    %broadcast_in_dim3A_1469 = vector.shape_cast %slice3A_1468 : vector<128xf32> to vector<1x128xf32>
    %mul3A_1470 = vector.broadcast %broadcast_in_dim3A_1469 : vector<1x128xf32> to vector<64x128xf32>
    %mul3A_1471 = arith.mulf %slice3A_1467, %mul3A_1470 : vector<64x128xf32>
    %add3A_1472 = arith.addf %add3A_1466, %mul3A_1471 : vector<64x128xf32>
    %slice3A_1473 = vector.extract_strided_slice %get3A_1268 {offsets = [0, 4352], sizes = [64, 128], strides = [1, 1]} : vector<64x13312xf32> to vector<64x128xf32>
    %slice3A_1474 = vector.extract_strided_slice %add3A_1265 {offsets = [4352], sizes = [128], strides = [1]} : vector<13312xf32> to vector<128xf32>
    %broadcast_in_dim3A_1475 = vector.shape_cast %slice3A_1474 : vector<128xf32> to vector<1x128xf32>
    %mul3A_1476 = vector.broadcast %broadcast_in_dim3A_1475 : vector<1x128xf32> to vector<64x128xf32>
    %mul3A_1477 = arith.mulf %slice3A_1473, %mul3A_1476 : vector<64x128xf32>
    %add3A_1478 = arith.addf %add3A_1472, %mul3A_1477 : vector<64x128xf32>
    %slice3A_1479 = vector.extract_strided_slice %get3A_1268 {offsets = [0, 4480], sizes = [64, 128], strides = [1, 1]} : vector<64x13312xf32> to vector<64x128xf32>
    %slice3A_1480 = vector.extract_strided_slice %add3A_1265 {offsets = [4480], sizes = [128], strides = [1]} : vector<13312xf32> to vector<128xf32>
    %broadcast_in_dim3A_1481 = vector.shape_cast %slice3A_1480 : vector<128xf32> to vector<1x128xf32>
    %mul3A_1482 = vector.broadcast %broadcast_in_dim3A_1481 : vector<1x128xf32> to vector<64x128xf32>
    %mul3A_1483 = arith.mulf %slice3A_1479, %mul3A_1482 : vector<64x128xf32>
    %add3A_1484 = arith.addf %add3A_1478, %mul3A_1483 : vector<64x128xf32>
    %slice3A_1485 = vector.extract_strided_slice %get3A_1268 {offsets = [0, 4608], sizes = [64, 128], strides = [1, 1]} : vector<64x13312xf32> to vector<64x128xf32>
    %slice3A_1486 = vector.extract_strided_slice %add3A_1265 {offsets = [4608], sizes = [128], strides = [1]} : vector<13312xf32> to vector<128xf32>
    %broadcast_in_dim3A_1487 = vector.shape_cast %slice3A_1486 : vector<128xf32> to vector<1x128xf32>
    %mul3A_1488 = vector.broadcast %broadcast_in_dim3A_1487 : vector<1x128xf32> to vector<64x128xf32>
    %mul3A_1489 = arith.mulf %slice3A_1485, %mul3A_1488 : vector<64x128xf32>
    %add3A_1490 = arith.addf %add3A_1484, %mul3A_1489 : vector<64x128xf32>
    %slice3A_1491 = vector.extract_strided_slice %get3A_1268 {offsets = [0, 4736], sizes = [64, 128], strides = [1, 1]} : vector<64x13312xf32> to vector<64x128xf32>
    %slice3A_1492 = vector.extract_strided_slice %add3A_1265 {offsets = [4736], sizes = [128], strides = [1]} : vector<13312xf32> to vector<128xf32>
    %broadcast_in_dim3A_1493 = vector.shape_cast %slice3A_1492 : vector<128xf32> to vector<1x128xf32>
    %mul3A_1494 = vector.broadcast %broadcast_in_dim3A_1493 : vector<1x128xf32> to vector<64x128xf32>
    %mul3A_1495 = arith.mulf %slice3A_1491, %mul3A_1494 : vector<64x128xf32>
    %add3A_1496 = arith.addf %add3A_1490, %mul3A_1495 : vector<64x128xf32>
    %slice3A_1497 = vector.extract_strided_slice %get3A_1268 {offsets = [0, 4864], sizes = [64, 128], strides = [1, 1]} : vector<64x13312xf32> to vector<64x128xf32>
    %slice3A_1498 = vector.extract_strided_slice %add3A_1265 {offsets = [4864], sizes = [128], strides = [1]} : vector<13312xf32> to vector<128xf32>
    %broadcast_in_dim3A_1499 = vector.shape_cast %slice3A_1498 : vector<128xf32> to vector<1x128xf32>
    %mul3A_1500 = vector.broadcast %broadcast_in_dim3A_1499 : vector<1x128xf32> to vector<64x128xf32>
    %mul3A_1501 = arith.mulf %slice3A_1497, %mul3A_1500 : vector<64x128xf32>
    %add3A_1502 = arith.addf %add3A_1496, %mul3A_1501 : vector<64x128xf32>
    %slice3A_1503 = vector.extract_strided_slice %get3A_1268 {offsets = [0, 4992], sizes = [64, 128], strides = [1, 1]} : vector<64x13312xf32> to vector<64x128xf32>
    %slice3A_1504 = vector.extract_strided_slice %add3A_1265 {offsets = [4992], sizes = [128], strides = [1]} : vector<13312xf32> to vector<128xf32>
    %broadcast_in_dim3A_1505 = vector.shape_cast %slice3A_1504 : vector<128xf32> to vector<1x128xf32>
    %mul3A_1506 = vector.broadcast %broadcast_in_dim3A_1505 : vector<1x128xf32> to vector<64x128xf32>
    %mul3A_1507 = arith.mulf %slice3A_1503, %mul3A_1506 : vector<64x128xf32>
    %add3A_1508 = arith.addf %add3A_1502, %mul3A_1507 : vector<64x128xf32>
    %slice3A_1509 = vector.extract_strided_slice %get3A_1268 {offsets = [0, 5120], sizes = [64, 128], strides = [1, 1]} : vector<64x13312xf32> to vector<64x128xf32>
    %slice3A_1510 = vector.extract_strided_slice %add3A_1265 {offsets = [5120], sizes = [128], strides = [1]} : vector<13312xf32> to vector<128xf32>
    %broadcast_in_dim3A_1511 = vector.shape_cast %slice3A_1510 : vector<128xf32> to vector<1x128xf32>
    %mul3A_1512 = vector.broadcast %broadcast_in_dim3A_1511 : vector<1x128xf32> to vector<64x128xf32>
    %mul3A_1513 = arith.mulf %slice3A_1509, %mul3A_1512 : vector<64x128xf32>
    %add3A_1514 = arith.addf %add3A_1508, %mul3A_1513 : vector<64x128xf32>
    %slice3A_1515 = vector.extract_strided_slice %get3A_1268 {offsets = [0, 5248], sizes = [64, 128], strides = [1, 1]} : vector<64x13312xf32> to vector<64x128xf32>
    %slice3A_1516 = vector.extract_strided_slice %add3A_1265 {offsets = [5248], sizes = [128], strides = [1]} : vector<13312xf32> to vector<128xf32>
    %broadcast_in_dim3A_1517 = vector.shape_cast %slice3A_1516 : vector<128xf32> to vector<1x128xf32>
    %mul3A_1518 = vector.broadcast %broadcast_in_dim3A_1517 : vector<1x128xf32> to vector<64x128xf32>
    %mul3A_1519 = arith.mulf %slice3A_1515, %mul3A_1518 : vector<64x128xf32>
    %add3A_1520 = arith.addf %add3A_1514, %mul3A_1519 : vector<64x128xf32>
    %slice3A_1521 = vector.extract_strided_slice %get3A_1268 {offsets = [0, 5376], sizes = [64, 128], strides = [1, 1]} : vector<64x13312xf32> to vector<64x128xf32>
    %slice3A_1522 = vector.extract_strided_slice %add3A_1265 {offsets = [5376], sizes = [128], strides = [1]} : vector<13312xf32> to vector<128xf32>
    %broadcast_in_dim3A_1523 = vector.shape_cast %slice3A_1522 : vector<128xf32> to vector<1x128xf32>
    %mul3A_1524 = vector.broadcast %broadcast_in_dim3A_1523 : vector<1x128xf32> to vector<64x128xf32>
    %mul3A_1525 = arith.mulf %slice3A_1521, %mul3A_1524 : vector<64x128xf32>
    %add3A_1526 = arith.addf %add3A_1520, %mul3A_1525 : vector<64x128xf32>
    %slice3A_1527 = vector.extract_strided_slice %get3A_1268 {offsets = [0, 5504], sizes = [64, 128], strides = [1, 1]} : vector<64x13312xf32> to vector<64x128xf32>
    %slice3A_1528 = vector.extract_strided_slice %add3A_1265 {offsets = [5504], sizes = [128], strides = [1]} : vector<13312xf32> to vector<128xf32>
    %broadcast_in_dim3A_1529 = vector.shape_cast %slice3A_1528 : vector<128xf32> to vector<1x128xf32>
    %mul3A_1530 = vector.broadcast %broadcast_in_dim3A_1529 : vector<1x128xf32> to vector<64x128xf32>
    %mul3A_1531 = arith.mulf %slice3A_1527, %mul3A_1530 : vector<64x128xf32>
    %add3A_1532 = arith.addf %add3A_1526, %mul3A_1531 : vector<64x128xf32>
    %slice3A_1533 = vector.extract_strided_slice %get3A_1268 {offsets = [0, 5632], sizes = [64, 128], strides = [1, 1]} : vector<64x13312xf32> to vector<64x128xf32>
    %slice3A_1534 = vector.extract_strided_slice %add3A_1265 {offsets = [5632], sizes = [128], strides = [1]} : vector<13312xf32> to vector<128xf32>
    %broadcast_in_dim3A_1535 = vector.shape_cast %slice3A_1534 : vector<128xf32> to vector<1x128xf32>
    %mul3A_1536 = vector.broadcast %broadcast_in_dim3A_1535 : vector<1x128xf32> to vector<64x128xf32>
    %mul3A_1537 = arith.mulf %slice3A_1533, %mul3A_1536 : vector<64x128xf32>
    %add3A_1538 = arith.addf %add3A_1532, %mul3A_1537 : vector<64x128xf32>
    %slice3A_1539 = vector.extract_strided_slice %get3A_1268 {offsets = [0, 5760], sizes = [64, 128], strides = [1, 1]} : vector<64x13312xf32> to vector<64x128xf32>
    %slice3A_1540 = vector.extract_strided_slice %add3A_1265 {offsets = [5760], sizes = [128], strides = [1]} : vector<13312xf32> to vector<128xf32>
    %broadcast_in_dim3A_1541 = vector.shape_cast %slice3A_1540 : vector<128xf32> to vector<1x128xf32>
    %mul3A_1542 = vector.broadcast %broadcast_in_dim3A_1541 : vector<1x128xf32> to vector<64x128xf32>
    %mul3A_1543 = arith.mulf %slice3A_1539, %mul3A_1542 : vector<64x128xf32>
    %add3A_1544 = arith.addf %add3A_1538, %mul3A_1543 : vector<64x128xf32>
    %slice3A_1545 = vector.extract_strided_slice %get3A_1268 {offsets = [0, 5888], sizes = [64, 128], strides = [1, 1]} : vector<64x13312xf32> to vector<64x128xf32>
    %slice3A_1546 = vector.extract_strided_slice %add3A_1265 {offsets = [5888], sizes = [128], strides = [1]} : vector<13312xf32> to vector<128xf32>
    %broadcast_in_dim3A_1547 = vector.shape_cast %slice3A_1546 : vector<128xf32> to vector<1x128xf32>
    %mul3A_1548 = vector.broadcast %broadcast_in_dim3A_1547 : vector<1x128xf32> to vector<64x128xf32>
    %mul3A_1549 = arith.mulf %slice3A_1545, %mul3A_1548 : vector<64x128xf32>
    %add3A_1550 = arith.addf %add3A_1544, %mul3A_1549 : vector<64x128xf32>
    %slice3A_1551 = vector.extract_strided_slice %get3A_1268 {offsets = [0, 6016], sizes = [64, 128], strides = [1, 1]} : vector<64x13312xf32> to vector<64x128xf32>
    %slice3A_1552 = vector.extract_strided_slice %add3A_1265 {offsets = [6016], sizes = [128], strides = [1]} : vector<13312xf32> to vector<128xf32>
    %broadcast_in_dim3A_1553 = vector.shape_cast %slice3A_1552 : vector<128xf32> to vector<1x128xf32>
    %mul3A_1554 = vector.broadcast %broadcast_in_dim3A_1553 : vector<1x128xf32> to vector<64x128xf32>
    %mul3A_1555 = arith.mulf %slice3A_1551, %mul3A_1554 : vector<64x128xf32>
    %add3A_1556 = arith.addf %add3A_1550, %mul3A_1555 : vector<64x128xf32>
    %slice3A_1557 = vector.extract_strided_slice %get3A_1268 {offsets = [0, 6144], sizes = [64, 128], strides = [1, 1]} : vector<64x13312xf32> to vector<64x128xf32>
    %slice3A_1558 = vector.extract_strided_slice %add3A_1265 {offsets = [6144], sizes = [128], strides = [1]} : vector<13312xf32> to vector<128xf32>
    %broadcast_in_dim3A_1559 = vector.shape_cast %slice3A_1558 : vector<128xf32> to vector<1x128xf32>
    %mul3A_1560 = vector.broadcast %broadcast_in_dim3A_1559 : vector<1x128xf32> to vector<64x128xf32>
    %mul3A_1561 = arith.mulf %slice3A_1557, %mul3A_1560 : vector<64x128xf32>
    %add3A_1562 = arith.addf %add3A_1556, %mul3A_1561 : vector<64x128xf32>
    %slice3A_1563 = vector.extract_strided_slice %get3A_1268 {offsets = [0, 6272], sizes = [64, 128], strides = [1, 1]} : vector<64x13312xf32> to vector<64x128xf32>
    %slice3A_1564 = vector.extract_strided_slice %add3A_1265 {offsets = [6272], sizes = [128], strides = [1]} : vector<13312xf32> to vector<128xf32>
    %broadcast_in_dim3A_1565 = vector.shape_cast %slice3A_1564 : vector<128xf32> to vector<1x128xf32>
    %mul3A_1566 = vector.broadcast %broadcast_in_dim3A_1565 : vector<1x128xf32> to vector<64x128xf32>
    %mul3A_1567 = arith.mulf %slice3A_1563, %mul3A_1566 : vector<64x128xf32>
    %add3A_1568 = arith.addf %add3A_1562, %mul3A_1567 : vector<64x128xf32>
    %slice3A_1569 = vector.extract_strided_slice %get3A_1268 {offsets = [0, 6400], sizes = [64, 128], strides = [1, 1]} : vector<64x13312xf32> to vector<64x128xf32>
    %slice3A_1570 = vector.extract_strided_slice %add3A_1265 {offsets = [6400], sizes = [128], strides = [1]} : vector<13312xf32> to vector<128xf32>
    %broadcast_in_dim3A_1571 = vector.shape_cast %slice3A_1570 : vector<128xf32> to vector<1x128xf32>
    %mul3A_1572 = vector.broadcast %broadcast_in_dim3A_1571 : vector<1x128xf32> to vector<64x128xf32>
    %mul3A_1573 = arith.mulf %slice3A_1569, %mul3A_1572 : vector<64x128xf32>
    %add3A_1574 = arith.addf %add3A_1568, %mul3A_1573 : vector<64x128xf32>
    %slice3A_1575 = vector.extract_strided_slice %get3A_1268 {offsets = [0, 6528], sizes = [64, 128], strides = [1, 1]} : vector<64x13312xf32> to vector<64x128xf32>
    %slice3A_1576 = vector.extract_strided_slice %add3A_1265 {offsets = [6528], sizes = [128], strides = [1]} : vector<13312xf32> to vector<128xf32>
    %broadcast_in_dim3A_1577 = vector.shape_cast %slice3A_1576 : vector<128xf32> to vector<1x128xf32>
    %mul3A_1578 = vector.broadcast %broadcast_in_dim3A_1577 : vector<1x128xf32> to vector<64x128xf32>
    %mul3A_1579 = arith.mulf %slice3A_1575, %mul3A_1578 : vector<64x128xf32>
    %add3A_1580 = arith.addf %add3A_1574, %mul3A_1579 : vector<64x128xf32>
    %slice3A_1581 = vector.extract_strided_slice %get3A_1268 {offsets = [0, 6656], sizes = [64, 128], strides = [1, 1]} : vector<64x13312xf32> to vector<64x128xf32>
    %slice3A_1582 = vector.extract_strided_slice %add3A_1265 {offsets = [6656], sizes = [128], strides = [1]} : vector<13312xf32> to vector<128xf32>
    %broadcast_in_dim3A_1583 = vector.shape_cast %slice3A_1582 : vector<128xf32> to vector<1x128xf32>
    %mul3A_1584 = vector.broadcast %broadcast_in_dim3A_1583 : vector<1x128xf32> to vector<64x128xf32>
    %mul3A_1585 = arith.mulf %slice3A_1581, %mul3A_1584 : vector<64x128xf32>
    %add3A_1586 = arith.addf %add3A_1580, %mul3A_1585 : vector<64x128xf32>
    %slice3A_1587 = vector.extract_strided_slice %get3A_1268 {offsets = [0, 6784], sizes = [64, 128], strides = [1, 1]} : vector<64x13312xf32> to vector<64x128xf32>
    %slice3A_1588 = vector.extract_strided_slice %add3A_1265 {offsets = [6784], sizes = [128], strides = [1]} : vector<13312xf32> to vector<128xf32>
    %broadcast_in_dim3A_1589 = vector.shape_cast %slice3A_1588 : vector<128xf32> to vector<1x128xf32>
    %mul3A_1590 = vector.broadcast %broadcast_in_dim3A_1589 : vector<1x128xf32> to vector<64x128xf32>
    %mul3A_1591 = arith.mulf %slice3A_1587, %mul3A_1590 : vector<64x128xf32>
    %add3A_1592 = arith.addf %add3A_1586, %mul3A_1591 : vector<64x128xf32>
    %slice3A_1593 = vector.extract_strided_slice %get3A_1268 {offsets = [0, 6912], sizes = [64, 128], strides = [1, 1]} : vector<64x13312xf32> to vector<64x128xf32>
    %slice3A_1594 = vector.extract_strided_slice %add3A_1265 {offsets = [6912], sizes = [128], strides = [1]} : vector<13312xf32> to vector<128xf32>
    %broadcast_in_dim3A_1595 = vector.shape_cast %slice3A_1594 : vector<128xf32> to vector<1x128xf32>
    %mul3A_1596 = vector.broadcast %broadcast_in_dim3A_1595 : vector<1x128xf32> to vector<64x128xf32>
    %mul3A_1597 = arith.mulf %slice3A_1593, %mul3A_1596 : vector<64x128xf32>
    %add3A_1598 = arith.addf %add3A_1592, %mul3A_1597 : vector<64x128xf32>
    %slice3A_1599 = vector.extract_strided_slice %get3A_1268 {offsets = [0, 7040], sizes = [64, 128], strides = [1, 1]} : vector<64x13312xf32> to vector<64x128xf32>
    %slice3A_1600 = vector.extract_strided_slice %add3A_1265 {offsets = [7040], sizes = [128], strides = [1]} : vector<13312xf32> to vector<128xf32>
    %broadcast_in_dim3A_1601 = vector.shape_cast %slice3A_1600 : vector<128xf32> to vector<1x128xf32>
    %mul3A_1602 = vector.broadcast %broadcast_in_dim3A_1601 : vector<1x128xf32> to vector<64x128xf32>
    %mul3A_1603 = arith.mulf %slice3A_1599, %mul3A_1602 : vector<64x128xf32>
    %add3A_1604 = arith.addf %add3A_1598, %mul3A_1603 : vector<64x128xf32>
    %slice3A_1605 = vector.extract_strided_slice %get3A_1268 {offsets = [0, 7168], sizes = [64, 128], strides = [1, 1]} : vector<64x13312xf32> to vector<64x128xf32>
    %slice3A_1606 = vector.extract_strided_slice %add3A_1265 {offsets = [7168], sizes = [128], strides = [1]} : vector<13312xf32> to vector<128xf32>
    %broadcast_in_dim3A_1607 = vector.shape_cast %slice3A_1606 : vector<128xf32> to vector<1x128xf32>
    %mul3A_1608 = vector.broadcast %broadcast_in_dim3A_1607 : vector<1x128xf32> to vector<64x128xf32>
    %mul3A_1609 = arith.mulf %slice3A_1605, %mul3A_1608 : vector<64x128xf32>
    %add3A_1610 = arith.addf %add3A_1604, %mul3A_1609 : vector<64x128xf32>
    %slice3A_1611 = vector.extract_strided_slice %get3A_1268 {offsets = [0, 7296], sizes = [64, 128], strides = [1, 1]} : vector<64x13312xf32> to vector<64x128xf32>
    %slice3A_1612 = vector.extract_strided_slice %add3A_1265 {offsets = [7296], sizes = [128], strides = [1]} : vector<13312xf32> to vector<128xf32>
    %broadcast_in_dim3A_1613 = vector.shape_cast %slice3A_1612 : vector<128xf32> to vector<1x128xf32>
    %mul3A_1614 = vector.broadcast %broadcast_in_dim3A_1613 : vector<1x128xf32> to vector<64x128xf32>
    %mul3A_1615 = arith.mulf %slice3A_1611, %mul3A_1614 : vector<64x128xf32>
    %add3A_1616 = arith.addf %add3A_1610, %mul3A_1615 : vector<64x128xf32>
    %slice3A_1617 = vector.extract_strided_slice %get3A_1268 {offsets = [0, 7424], sizes = [64, 128], strides = [1, 1]} : vector<64x13312xf32> to vector<64x128xf32>
    %slice3A_1618 = vector.extract_strided_slice %add3A_1265 {offsets = [7424], sizes = [128], strides = [1]} : vector<13312xf32> to vector<128xf32>
    %broadcast_in_dim3A_1619 = vector.shape_cast %slice3A_1618 : vector<128xf32> to vector<1x128xf32>
    %mul3A_1620 = vector.broadcast %broadcast_in_dim3A_1619 : vector<1x128xf32> to vector<64x128xf32>
    %mul3A_1621 = arith.mulf %slice3A_1617, %mul3A_1620 : vector<64x128xf32>
    %add3A_1622 = arith.addf %add3A_1616, %mul3A_1621 : vector<64x128xf32>
    %slice3A_1623 = vector.extract_strided_slice %get3A_1268 {offsets = [0, 7552], sizes = [64, 128], strides = [1, 1]} : vector<64x13312xf32> to vector<64x128xf32>
    %slice3A_1624 = vector.extract_strided_slice %add3A_1265 {offsets = [7552], sizes = [128], strides = [1]} : vector<13312xf32> to vector<128xf32>
    %broadcast_in_dim3A_1625 = vector.shape_cast %slice3A_1624 : vector<128xf32> to vector<1x128xf32>
    %mul3A_1626 = vector.broadcast %broadcast_in_dim3A_1625 : vector<1x128xf32> to vector<64x128xf32>
    %mul3A_1627 = arith.mulf %slice3A_1623, %mul3A_1626 : vector<64x128xf32>
    %add3A_1628 = arith.addf %add3A_1622, %mul3A_1627 : vector<64x128xf32>
    %slice3A_1629 = vector.extract_strided_slice %get3A_1268 {offsets = [0, 7680], sizes = [64, 128], strides = [1, 1]} : vector<64x13312xf32> to vector<64x128xf32>
    %slice3A_1630 = vector.extract_strided_slice %add3A_1265 {offsets = [7680], sizes = [128], strides = [1]} : vector<13312xf32> to vector<128xf32>
    %broadcast_in_dim3A_1631 = vector.shape_cast %slice3A_1630 : vector<128xf32> to vector<1x128xf32>
    %mul3A_1632 = vector.broadcast %broadcast_in_dim3A_1631 : vector<1x128xf32> to vector<64x128xf32>
    %mul3A_1633 = arith.mulf %slice3A_1629, %mul3A_1632 : vector<64x128xf32>
    %add3A_1634 = arith.addf %add3A_1628, %mul3A_1633 : vector<64x128xf32>
    %slice3A_1635 = vector.extract_strided_slice %get3A_1268 {offsets = [0, 7808], sizes = [64, 128], strides = [1, 1]} : vector<64x13312xf32> to vector<64x128xf32>
    %slice3A_1636 = vector.extract_strided_slice %add3A_1265 {offsets = [7808], sizes = [128], strides = [1]} : vector<13312xf32> to vector<128xf32>
    %broadcast_in_dim3A_1637 = vector.shape_cast %slice3A_1636 : vector<128xf32> to vector<1x128xf32>
    %mul3A_1638 = vector.broadcast %broadcast_in_dim3A_1637 : vector<1x128xf32> to vector<64x128xf32>
    %mul3A_1639 = arith.mulf %slice3A_1635, %mul3A_1638 : vector<64x128xf32>
    %add3A_1640 = arith.addf %add3A_1634, %mul3A_1639 : vector<64x128xf32>
    %slice3A_1641 = vector.extract_strided_slice %get3A_1268 {offsets = [0, 7936], sizes = [64, 128], strides = [1, 1]} : vector<64x13312xf32> to vector<64x128xf32>
    %slice3A_1642 = vector.extract_strided_slice %add3A_1265 {offsets = [7936], sizes = [128], strides = [1]} : vector<13312xf32> to vector<128xf32>
    %broadcast_in_dim3A_1643 = vector.shape_cast %slice3A_1642 : vector<128xf32> to vector<1x128xf32>
    %mul3A_1644 = vector.broadcast %broadcast_in_dim3A_1643 : vector<1x128xf32> to vector<64x128xf32>
    %mul3A_1645 = arith.mulf %slice3A_1641, %mul3A_1644 : vector<64x128xf32>
    %add3A_1646 = arith.addf %add3A_1640, %mul3A_1645 : vector<64x128xf32>
    %slice3A_1647 = vector.extract_strided_slice %get3A_1268 {offsets = [0, 8064], sizes = [64, 128], strides = [1, 1]} : vector<64x13312xf32> to vector<64x128xf32>
    %slice3A_1648 = vector.extract_strided_slice %add3A_1265 {offsets = [8064], sizes = [128], strides = [1]} : vector<13312xf32> to vector<128xf32>
    %broadcast_in_dim3A_1649 = vector.shape_cast %slice3A_1648 : vector<128xf32> to vector<1x128xf32>
    %mul3A_1650 = vector.broadcast %broadcast_in_dim3A_1649 : vector<1x128xf32> to vector<64x128xf32>
    %mul3A_1651 = arith.mulf %slice3A_1647, %mul3A_1650 : vector<64x128xf32>
    %add3A_1652 = arith.addf %add3A_1646, %mul3A_1651 : vector<64x128xf32>
    %slice3A_1653 = vector.extract_strided_slice %get3A_1268 {offsets = [0, 8192], sizes = [64, 128], strides = [1, 1]} : vector<64x13312xf32> to vector<64x128xf32>
    %slice3A_1654 = vector.extract_strided_slice %add3A_1265 {offsets = [8192], sizes = [128], strides = [1]} : vector<13312xf32> to vector<128xf32>
    %broadcast_in_dim3A_1655 = vector.shape_cast %slice3A_1654 : vector<128xf32> to vector<1x128xf32>
    %mul3A_1656 = vector.broadcast %broadcast_in_dim3A_1655 : vector<1x128xf32> to vector<64x128xf32>
    %mul3A_1657 = arith.mulf %slice3A_1653, %mul3A_1656 : vector<64x128xf32>
    %add3A_1658 = arith.addf %add3A_1652, %mul3A_1657 : vector<64x128xf32>
    %slice3A_1659 = vector.extract_strided_slice %get3A_1268 {offsets = [0, 8320], sizes = [64, 128], strides = [1, 1]} : vector<64x13312xf32> to vector<64x128xf32>
    %slice3A_1660 = vector.extract_strided_slice %add3A_1265 {offsets = [8320], sizes = [128], strides = [1]} : vector<13312xf32> to vector<128xf32>
    %broadcast_in_dim3A_1661 = vector.shape_cast %slice3A_1660 : vector<128xf32> to vector<1x128xf32>
    %mul3A_1662 = vector.broadcast %broadcast_in_dim3A_1661 : vector<1x128xf32> to vector<64x128xf32>
    %mul3A_1663 = arith.mulf %slice3A_1659, %mul3A_1662 : vector<64x128xf32>
    %add3A_1664 = arith.addf %add3A_1658, %mul3A_1663 : vector<64x128xf32>
    %slice3A_1665 = vector.extract_strided_slice %get3A_1268 {offsets = [0, 8448], sizes = [64, 128], strides = [1, 1]} : vector<64x13312xf32> to vector<64x128xf32>
    %slice3A_1666 = vector.extract_strided_slice %add3A_1265 {offsets = [8448], sizes = [128], strides = [1]} : vector<13312xf32> to vector<128xf32>
    %broadcast_in_dim3A_1667 = vector.shape_cast %slice3A_1666 : vector<128xf32> to vector<1x128xf32>
    %mul3A_1668 = vector.broadcast %broadcast_in_dim3A_1667 : vector<1x128xf32> to vector<64x128xf32>
    %mul3A_1669 = arith.mulf %slice3A_1665, %mul3A_1668 : vector<64x128xf32>
    %add3A_1670 = arith.addf %add3A_1664, %mul3A_1669 : vector<64x128xf32>
    %slice3A_1671 = vector.extract_strided_slice %get3A_1268 {offsets = [0, 8576], sizes = [64, 128], strides = [1, 1]} : vector<64x13312xf32> to vector<64x128xf32>
    %slice3A_1672 = vector.extract_strided_slice %add3A_1265 {offsets = [8576], sizes = [128], strides = [1]} : vector<13312xf32> to vector<128xf32>
    %broadcast_in_dim3A_1673 = vector.shape_cast %slice3A_1672 : vector<128xf32> to vector<1x128xf32>
    %mul3A_1674 = vector.broadcast %broadcast_in_dim3A_1673 : vector<1x128xf32> to vector<64x128xf32>
    %mul3A_1675 = arith.mulf %slice3A_1671, %mul3A_1674 : vector<64x128xf32>
    %add3A_1676 = arith.addf %add3A_1670, %mul3A_1675 : vector<64x128xf32>
    %slice3A_1677 = vector.extract_strided_slice %get3A_1268 {offsets = [0, 8704], sizes = [64, 128], strides = [1, 1]} : vector<64x13312xf32> to vector<64x128xf32>
    %slice3A_1678 = vector.extract_strided_slice %add3A_1265 {offsets = [8704], sizes = [128], strides = [1]} : vector<13312xf32> to vector<128xf32>
    %broadcast_in_dim3A_1679 = vector.shape_cast %slice3A_1678 : vector<128xf32> to vector<1x128xf32>
    %mul3A_1680 = vector.broadcast %broadcast_in_dim3A_1679 : vector<1x128xf32> to vector<64x128xf32>
    %mul3A_1681 = arith.mulf %slice3A_1677, %mul3A_1680 : vector<64x128xf32>
    %add3A_1682 = arith.addf %add3A_1676, %mul3A_1681 : vector<64x128xf32>
    %slice3A_1683 = vector.extract_strided_slice %get3A_1268 {offsets = [0, 8832], sizes = [64, 128], strides = [1, 1]} : vector<64x13312xf32> to vector<64x128xf32>
    %slice3A_1684 = vector.extract_strided_slice %add3A_1265 {offsets = [8832], sizes = [128], strides = [1]} : vector<13312xf32> to vector<128xf32>
    %broadcast_in_dim3A_1685 = vector.shape_cast %slice3A_1684 : vector<128xf32> to vector<1x128xf32>
    %mul3A_1686 = vector.broadcast %broadcast_in_dim3A_1685 : vector<1x128xf32> to vector<64x128xf32>
    %mul3A_1687 = arith.mulf %slice3A_1683, %mul3A_1686 : vector<64x128xf32>
    %add3A_1688 = arith.addf %add3A_1682, %mul3A_1687 : vector<64x128xf32>
    %slice3A_1689 = vector.extract_strided_slice %get3A_1268 {offsets = [0, 8960], sizes = [64, 128], strides = [1, 1]} : vector<64x13312xf32> to vector<64x128xf32>
    %slice3A_1690 = vector.extract_strided_slice %add3A_1265 {offsets = [8960], sizes = [128], strides = [1]} : vector<13312xf32> to vector<128xf32>
    %broadcast_in_dim3A_1691 = vector.shape_cast %slice3A_1690 : vector<128xf32> to vector<1x128xf32>
    %mul3A_1692 = vector.broadcast %broadcast_in_dim3A_1691 : vector<1x128xf32> to vector<64x128xf32>
    %mul3A_1693 = arith.mulf %slice3A_1689, %mul3A_1692 : vector<64x128xf32>
    %add3A_1694 = arith.addf %add3A_1688, %mul3A_1693 : vector<64x128xf32>
    %slice3A_1695 = vector.extract_strided_slice %get3A_1268 {offsets = [0, 9088], sizes = [64, 128], strides = [1, 1]} : vector<64x13312xf32> to vector<64x128xf32>
    %slice3A_1696 = vector.extract_strided_slice %add3A_1265 {offsets = [9088], sizes = [128], strides = [1]} : vector<13312xf32> to vector<128xf32>
    %broadcast_in_dim3A_1697 = vector.shape_cast %slice3A_1696 : vector<128xf32> to vector<1x128xf32>
    %mul3A_1698 = vector.broadcast %broadcast_in_dim3A_1697 : vector<1x128xf32> to vector<64x128xf32>
    %mul3A_1699 = arith.mulf %slice3A_1695, %mul3A_1698 : vector<64x128xf32>
    %add3A_1700 = arith.addf %add3A_1694, %mul3A_1699 : vector<64x128xf32>
    %slice3A_1701 = vector.extract_strided_slice %get3A_1268 {offsets = [0, 9216], sizes = [64, 128], strides = [1, 1]} : vector<64x13312xf32> to vector<64x128xf32>
    %slice3A_1702 = vector.extract_strided_slice %add3A_1265 {offsets = [9216], sizes = [128], strides = [1]} : vector<13312xf32> to vector<128xf32>
    %broadcast_in_dim3A_1703 = vector.shape_cast %slice3A_1702 : vector<128xf32> to vector<1x128xf32>
    %mul3A_1704 = vector.broadcast %broadcast_in_dim3A_1703 : vector<1x128xf32> to vector<64x128xf32>
    %mul3A_1705 = arith.mulf %slice3A_1701, %mul3A_1704 : vector<64x128xf32>
    %add3A_1706 = arith.addf %add3A_1700, %mul3A_1705 : vector<64x128xf32>
    %slice3A_1707 = vector.extract_strided_slice %get3A_1268 {offsets = [0, 9344], sizes = [64, 128], strides = [1, 1]} : vector<64x13312xf32> to vector<64x128xf32>
    %slice3A_1708 = vector.extract_strided_slice %add3A_1265 {offsets = [9344], sizes = [128], strides = [1]} : vector<13312xf32> to vector<128xf32>
    %broadcast_in_dim3A_1709 = vector.shape_cast %slice3A_1708 : vector<128xf32> to vector<1x128xf32>
    %mul3A_1710 = vector.broadcast %broadcast_in_dim3A_1709 : vector<1x128xf32> to vector<64x128xf32>
    %mul3A_1711 = arith.mulf %slice3A_1707, %mul3A_1710 : vector<64x128xf32>
    %add3A_1712 = arith.addf %add3A_1706, %mul3A_1711 : vector<64x128xf32>
    %slice3A_1713 = vector.extract_strided_slice %get3A_1268 {offsets = [0, 9472], sizes = [64, 128], strides = [1, 1]} : vector<64x13312xf32> to vector<64x128xf32>
    %slice3A_1714 = vector.extract_strided_slice %add3A_1265 {offsets = [9472], sizes = [128], strides = [1]} : vector<13312xf32> to vector<128xf32>
    %broadcast_in_dim3A_1715 = vector.shape_cast %slice3A_1714 : vector<128xf32> to vector<1x128xf32>
    %mul3A_1716 = vector.broadcast %broadcast_in_dim3A_1715 : vector<1x128xf32> to vector<64x128xf32>
    %mul3A_1717 = arith.mulf %slice3A_1713, %mul3A_1716 : vector<64x128xf32>
    %add3A_1718 = arith.addf %add3A_1712, %mul3A_1717 : vector<64x128xf32>
    %slice3A_1719 = vector.extract_strided_slice %get3A_1268 {offsets = [0, 9600], sizes = [64, 128], strides = [1, 1]} : vector<64x13312xf32> to vector<64x128xf32>
    %slice3A_1720 = vector.extract_strided_slice %add3A_1265 {offsets = [9600], sizes = [128], strides = [1]} : vector<13312xf32> to vector<128xf32>
    %broadcast_in_dim3A_1721 = vector.shape_cast %slice3A_1720 : vector<128xf32> to vector<1x128xf32>
    %mul3A_1722 = vector.broadcast %broadcast_in_dim3A_1721 : vector<1x128xf32> to vector<64x128xf32>
    %mul3A_1723 = arith.mulf %slice3A_1719, %mul3A_1722 : vector<64x128xf32>
    %add3A_1724 = arith.addf %add3A_1718, %mul3A_1723 : vector<64x128xf32>
    %slice3A_1725 = vector.extract_strided_slice %get3A_1268 {offsets = [0, 9728], sizes = [64, 128], strides = [1, 1]} : vector<64x13312xf32> to vector<64x128xf32>
    %slice3A_1726 = vector.extract_strided_slice %add3A_1265 {offsets = [9728], sizes = [128], strides = [1]} : vector<13312xf32> to vector<128xf32>
    %broadcast_in_dim3A_1727 = vector.shape_cast %slice3A_1726 : vector<128xf32> to vector<1x128xf32>
    %mul3A_1728 = vector.broadcast %broadcast_in_dim3A_1727 : vector<1x128xf32> to vector<64x128xf32>
    %mul3A_1729 = arith.mulf %slice3A_1725, %mul3A_1728 : vector<64x128xf32>
    %add3A_1730 = arith.addf %add3A_1724, %mul3A_1729 : vector<64x128xf32>
    %slice3A_1731 = vector.extract_strided_slice %get3A_1268 {offsets = [0, 9856], sizes = [64, 128], strides = [1, 1]} : vector<64x13312xf32> to vector<64x128xf32>
    %slice3A_1732 = vector.extract_strided_slice %add3A_1265 {offsets = [9856], sizes = [128], strides = [1]} : vector<13312xf32> to vector<128xf32>
    %broadcast_in_dim3A_1733 = vector.shape_cast %slice3A_1732 : vector<128xf32> to vector<1x128xf32>
    %mul3A_1734 = vector.broadcast %broadcast_in_dim3A_1733 : vector<1x128xf32> to vector<64x128xf32>
    %mul3A_1735 = arith.mulf %slice3A_1731, %mul3A_1734 : vector<64x128xf32>
    %add3A_1736 = arith.addf %add3A_1730, %mul3A_1735 : vector<64x128xf32>
    %slice3A_1737 = vector.extract_strided_slice %get3A_1268 {offsets = [0, 9984], sizes = [64, 128], strides = [1, 1]} : vector<64x13312xf32> to vector<64x128xf32>
    %slice3A_1738 = vector.extract_strided_slice %add3A_1265 {offsets = [9984], sizes = [128], strides = [1]} : vector<13312xf32> to vector<128xf32>
    %broadcast_in_dim3A_1739 = vector.shape_cast %slice3A_1738 : vector<128xf32> to vector<1x128xf32>
    %mul3A_1740 = vector.broadcast %broadcast_in_dim3A_1739 : vector<1x128xf32> to vector<64x128xf32>
    %mul3A_1741 = arith.mulf %slice3A_1737, %mul3A_1740 : vector<64x128xf32>
    %add3A_1742 = arith.addf %add3A_1736, %mul3A_1741 : vector<64x128xf32>
    %slice3A_1743 = vector.extract_strided_slice %get3A_1268 {offsets = [0, 10112], sizes = [64, 128], strides = [1, 1]} : vector<64x13312xf32> to vector<64x128xf32>
    %slice3A_1744 = vector.extract_strided_slice %add3A_1265 {offsets = [10112], sizes = [128], strides = [1]} : vector<13312xf32> to vector<128xf32>
    %broadcast_in_dim3A_1745 = vector.shape_cast %slice3A_1744 : vector<128xf32> to vector<1x128xf32>
    %mul3A_1746 = vector.broadcast %broadcast_in_dim3A_1745 : vector<1x128xf32> to vector<64x128xf32>
    %mul3A_1747 = arith.mulf %slice3A_1743, %mul3A_1746 : vector<64x128xf32>
    %add3A_1748 = arith.addf %add3A_1742, %mul3A_1747 : vector<64x128xf32>
    %slice3A_1749 = vector.extract_strided_slice %get3A_1268 {offsets = [0, 10240], sizes = [64, 128], strides = [1, 1]} : vector<64x13312xf32> to vector<64x128xf32>
    %slice3A_1750 = vector.extract_strided_slice %add3A_1265 {offsets = [10240], sizes = [128], strides = [1]} : vector<13312xf32> to vector<128xf32>
    %broadcast_in_dim3A_1751 = vector.shape_cast %slice3A_1750 : vector<128xf32> to vector<1x128xf32>
    %mul3A_1752 = vector.broadcast %broadcast_in_dim3A_1751 : vector<1x128xf32> to vector<64x128xf32>
    %mul3A_1753 = arith.mulf %slice3A_1749, %mul3A_1752 : vector<64x128xf32>
    %add3A_1754 = arith.addf %add3A_1748, %mul3A_1753 : vector<64x128xf32>
    %slice3A_1755 = vector.extract_strided_slice %get3A_1268 {offsets = [0, 10368], sizes = [64, 128], strides = [1, 1]} : vector<64x13312xf32> to vector<64x128xf32>
    %slice3A_1756 = vector.extract_strided_slice %add3A_1265 {offsets = [10368], sizes = [128], strides = [1]} : vector<13312xf32> to vector<128xf32>
    %broadcast_in_dim3A_1757 = vector.shape_cast %slice3A_1756 : vector<128xf32> to vector<1x128xf32>
    %mul3A_1758 = vector.broadcast %broadcast_in_dim3A_1757 : vector<1x128xf32> to vector<64x128xf32>
    %mul3A_1759 = arith.mulf %slice3A_1755, %mul3A_1758 : vector<64x128xf32>
    %add3A_1760 = arith.addf %add3A_1754, %mul3A_1759 : vector<64x128xf32>
    %slice3A_1761 = vector.extract_strided_slice %get3A_1268 {offsets = [0, 10496], sizes = [64, 128], strides = [1, 1]} : vector<64x13312xf32> to vector<64x128xf32>
    %slice3A_1762 = vector.extract_strided_slice %add3A_1265 {offsets = [10496], sizes = [128], strides = [1]} : vector<13312xf32> to vector<128xf32>
    %broadcast_in_dim3A_1763 = vector.shape_cast %slice3A_1762 : vector<128xf32> to vector<1x128xf32>
    %mul3A_1764 = vector.broadcast %broadcast_in_dim3A_1763 : vector<1x128xf32> to vector<64x128xf32>
    %mul3A_1765 = arith.mulf %slice3A_1761, %mul3A_1764 : vector<64x128xf32>
    %add3A_1766 = arith.addf %add3A_1760, %mul3A_1765 : vector<64x128xf32>
    %slice3A_1767 = vector.extract_strided_slice %get3A_1268 {offsets = [0, 10624], sizes = [64, 128], strides = [1, 1]} : vector<64x13312xf32> to vector<64x128xf32>
    %slice3A_1768 = vector.extract_strided_slice %add3A_1265 {offsets = [10624], sizes = [128], strides = [1]} : vector<13312xf32> to vector<128xf32>
    %broadcast_in_dim3A_1769 = vector.shape_cast %slice3A_1768 : vector<128xf32> to vector<1x128xf32>
    %mul3A_1770 = vector.broadcast %broadcast_in_dim3A_1769 : vector<1x128xf32> to vector<64x128xf32>
    %mul3A_1771 = arith.mulf %slice3A_1767, %mul3A_1770 : vector<64x128xf32>
    %add3A_1772 = arith.addf %add3A_1766, %mul3A_1771 : vector<64x128xf32>
    %slice3A_1773 = vector.extract_strided_slice %get3A_1268 {offsets = [0, 10752], sizes = [64, 128], strides = [1, 1]} : vector<64x13312xf32> to vector<64x128xf32>
    %slice3A_1774 = vector.extract_strided_slice %add3A_1265 {offsets = [10752], sizes = [128], strides = [1]} : vector<13312xf32> to vector<128xf32>
    %broadcast_in_dim3A_1775 = vector.shape_cast %slice3A_1774 : vector<128xf32> to vector<1x128xf32>
    %mul3A_1776 = vector.broadcast %broadcast_in_dim3A_1775 : vector<1x128xf32> to vector<64x128xf32>
    %mul3A_1777 = arith.mulf %slice3A_1773, %mul3A_1776 : vector<64x128xf32>
    %add3A_1778 = arith.addf %add3A_1772, %mul3A_1777 : vector<64x128xf32>
    %slice3A_1779 = vector.extract_strided_slice %get3A_1268 {offsets = [0, 10880], sizes = [64, 128], strides = [1, 1]} : vector<64x13312xf32> to vector<64x128xf32>
    %slice3A_1780 = vector.extract_strided_slice %add3A_1265 {offsets = [10880], sizes = [128], strides = [1]} : vector<13312xf32> to vector<128xf32>
    %broadcast_in_dim3A_1781 = vector.shape_cast %slice3A_1780 : vector<128xf32> to vector<1x128xf32>
    %mul3A_1782 = vector.broadcast %broadcast_in_dim3A_1781 : vector<1x128xf32> to vector<64x128xf32>
    %mul3A_1783 = arith.mulf %slice3A_1779, %mul3A_1782 : vector<64x128xf32>
    %add3A_1784 = arith.addf %add3A_1778, %mul3A_1783 : vector<64x128xf32>
    %slice3A_1785 = vector.extract_strided_slice %get3A_1268 {offsets = [0, 11008], sizes = [64, 128], strides = [1, 1]} : vector<64x13312xf32> to vector<64x128xf32>
    %slice3A_1786 = vector.extract_strided_slice %add3A_1265 {offsets = [11008], sizes = [128], strides = [1]} : vector<13312xf32> to vector<128xf32>
    %broadcast_in_dim3A_1787 = vector.shape_cast %slice3A_1786 : vector<128xf32> to vector<1x128xf32>
    %mul3A_1788 = vector.broadcast %broadcast_in_dim3A_1787 : vector<1x128xf32> to vector<64x128xf32>
    %mul3A_1789 = arith.mulf %slice3A_1785, %mul3A_1788 : vector<64x128xf32>
    %add3A_1790 = arith.addf %add3A_1784, %mul3A_1789 : vector<64x128xf32>
    %slice3A_1791 = vector.extract_strided_slice %get3A_1268 {offsets = [0, 11136], sizes = [64, 128], strides = [1, 1]} : vector<64x13312xf32> to vector<64x128xf32>
    %slice3A_1792 = vector.extract_strided_slice %add3A_1265 {offsets = [11136], sizes = [128], strides = [1]} : vector<13312xf32> to vector<128xf32>
    %broadcast_in_dim3A_1793 = vector.shape_cast %slice3A_1792 : vector<128xf32> to vector<1x128xf32>
    %mul3A_1794 = vector.broadcast %broadcast_in_dim3A_1793 : vector<1x128xf32> to vector<64x128xf32>
    %mul3A_1795 = arith.mulf %slice3A_1791, %mul3A_1794 : vector<64x128xf32>
    %add3A_1796 = arith.addf %add3A_1790, %mul3A_1795 : vector<64x128xf32>
    %slice3A_1797 = vector.extract_strided_slice %get3A_1268 {offsets = [0, 11264], sizes = [64, 128], strides = [1, 1]} : vector<64x13312xf32> to vector<64x128xf32>
    %slice3A_1798 = vector.extract_strided_slice %add3A_1265 {offsets = [11264], sizes = [128], strides = [1]} : vector<13312xf32> to vector<128xf32>
    %broadcast_in_dim3A_1799 = vector.shape_cast %slice3A_1798 : vector<128xf32> to vector<1x128xf32>
    %mul3A_1800 = vector.broadcast %broadcast_in_dim3A_1799 : vector<1x128xf32> to vector<64x128xf32>
    %mul3A_1801 = arith.mulf %slice3A_1797, %mul3A_1800 : vector<64x128xf32>
    %add3A_1802 = arith.addf %add3A_1796, %mul3A_1801 : vector<64x128xf32>
    %slice3A_1803 = vector.extract_strided_slice %get3A_1268 {offsets = [0, 11392], sizes = [64, 128], strides = [1, 1]} : vector<64x13312xf32> to vector<64x128xf32>
    %slice3A_1804 = vector.extract_strided_slice %add3A_1265 {offsets = [11392], sizes = [128], strides = [1]} : vector<13312xf32> to vector<128xf32>
    %broadcast_in_dim3A_1805 = vector.shape_cast %slice3A_1804 : vector<128xf32> to vector<1x128xf32>
    %mul3A_1806 = vector.broadcast %broadcast_in_dim3A_1805 : vector<1x128xf32> to vector<64x128xf32>
    %mul3A_1807 = arith.mulf %slice3A_1803, %mul3A_1806 : vector<64x128xf32>
    %add3A_1808 = arith.addf %add3A_1802, %mul3A_1807 : vector<64x128xf32>
    %slice3A_1809 = vector.extract_strided_slice %get3A_1268 {offsets = [0, 11520], sizes = [64, 128], strides = [1, 1]} : vector<64x13312xf32> to vector<64x128xf32>
    %slice3A_1810 = vector.extract_strided_slice %add3A_1265 {offsets = [11520], sizes = [128], strides = [1]} : vector<13312xf32> to vector<128xf32>
    %broadcast_in_dim3A_1811 = vector.shape_cast %slice3A_1810 : vector<128xf32> to vector<1x128xf32>
    %mul3A_1812 = vector.broadcast %broadcast_in_dim3A_1811 : vector<1x128xf32> to vector<64x128xf32>
    %mul3A_1813 = arith.mulf %slice3A_1809, %mul3A_1812 : vector<64x128xf32>
    %add3A_1814 = arith.addf %add3A_1808, %mul3A_1813 : vector<64x128xf32>
    %slice3A_1815 = vector.extract_strided_slice %get3A_1268 {offsets = [0, 11648], sizes = [64, 128], strides = [1, 1]} : vector<64x13312xf32> to vector<64x128xf32>
    %slice3A_1816 = vector.extract_strided_slice %add3A_1265 {offsets = [11648], sizes = [128], strides = [1]} : vector<13312xf32> to vector<128xf32>
    %broadcast_in_dim3A_1817 = vector.shape_cast %slice3A_1816 : vector<128xf32> to vector<1x128xf32>
    %mul3A_1818 = vector.broadcast %broadcast_in_dim3A_1817 : vector<1x128xf32> to vector<64x128xf32>
    %mul3A_1819 = arith.mulf %slice3A_1815, %mul3A_1818 : vector<64x128xf32>
    %add3A_1820 = arith.addf %add3A_1814, %mul3A_1819 : vector<64x128xf32>
    %slice3A_1821 = vector.extract_strided_slice %get3A_1268 {offsets = [0, 11776], sizes = [64, 128], strides = [1, 1]} : vector<64x13312xf32> to vector<64x128xf32>
    %slice3A_1822 = vector.extract_strided_slice %add3A_1265 {offsets = [11776], sizes = [128], strides = [1]} : vector<13312xf32> to vector<128xf32>
    %broadcast_in_dim3A_1823 = vector.shape_cast %slice3A_1822 : vector<128xf32> to vector<1x128xf32>
    %mul3A_1824 = vector.broadcast %broadcast_in_dim3A_1823 : vector<1x128xf32> to vector<64x128xf32>
    %mul3A_1825 = arith.mulf %slice3A_1821, %mul3A_1824 : vector<64x128xf32>
    %add3A_1826 = arith.addf %add3A_1820, %mul3A_1825 : vector<64x128xf32>
    %slice3A_1827 = vector.extract_strided_slice %get3A_1268 {offsets = [0, 11904], sizes = [64, 128], strides = [1, 1]} : vector<64x13312xf32> to vector<64x128xf32>
    %slice3A_1828 = vector.extract_strided_slice %add3A_1265 {offsets = [11904], sizes = [128], strides = [1]} : vector<13312xf32> to vector<128xf32>
    %broadcast_in_dim3A_1829 = vector.shape_cast %slice3A_1828 : vector<128xf32> to vector<1x128xf32>
    %mul3A_1830 = vector.broadcast %broadcast_in_dim3A_1829 : vector<1x128xf32> to vector<64x128xf32>
    %mul3A_1831 = arith.mulf %slice3A_1827, %mul3A_1830 : vector<64x128xf32>
    %add3A_1832 = arith.addf %add3A_1826, %mul3A_1831 : vector<64x128xf32>
    %slice3A_1833 = vector.extract_strided_slice %get3A_1268 {offsets = [0, 12032], sizes = [64, 128], strides = [1, 1]} : vector<64x13312xf32> to vector<64x128xf32>
    %slice3A_1834 = vector.extract_strided_slice %add3A_1265 {offsets = [12032], sizes = [128], strides = [1]} : vector<13312xf32> to vector<128xf32>
    %broadcast_in_dim3A_1835 = vector.shape_cast %slice3A_1834 : vector<128xf32> to vector<1x128xf32>
    %mul3A_1836 = vector.broadcast %broadcast_in_dim3A_1835 : vector<1x128xf32> to vector<64x128xf32>
    %mul3A_1837 = arith.mulf %slice3A_1833, %mul3A_1836 : vector<64x128xf32>
    %add3A_1838 = arith.addf %add3A_1832, %mul3A_1837 : vector<64x128xf32>
    %slice3A_1839 = vector.extract_strided_slice %get3A_1268 {offsets = [0, 12160], sizes = [64, 128], strides = [1, 1]} : vector<64x13312xf32> to vector<64x128xf32>
    %slice3A_1840 = vector.extract_strided_slice %add3A_1265 {offsets = [12160], sizes = [128], strides = [1]} : vector<13312xf32> to vector<128xf32>
    %broadcast_in_dim3A_1841 = vector.shape_cast %slice3A_1840 : vector<128xf32> to vector<1x128xf32>
    %mul3A_1842 = vector.broadcast %broadcast_in_dim3A_1841 : vector<1x128xf32> to vector<64x128xf32>
    %mul3A_1843 = arith.mulf %slice3A_1839, %mul3A_1842 : vector<64x128xf32>
    %add3A_1844 = arith.addf %add3A_1838, %mul3A_1843 : vector<64x128xf32>
    %slice3A_1845 = vector.extract_strided_slice %get3A_1268 {offsets = [0, 12288], sizes = [64, 128], strides = [1, 1]} : vector<64x13312xf32> to vector<64x128xf32>
    %slice3A_1846 = vector.extract_strided_slice %add3A_1265 {offsets = [12288], sizes = [128], strides = [1]} : vector<13312xf32> to vector<128xf32>
    %broadcast_in_dim3A_1847 = vector.shape_cast %slice3A_1846 : vector<128xf32> to vector<1x128xf32>
    %mul3A_1848 = vector.broadcast %broadcast_in_dim3A_1847 : vector<1x128xf32> to vector<64x128xf32>
    %mul3A_1849 = arith.mulf %slice3A_1845, %mul3A_1848 : vector<64x128xf32>
    %add3A_1850 = arith.addf %add3A_1844, %mul3A_1849 : vector<64x128xf32>
    %slice3A_1851 = vector.extract_strided_slice %get3A_1268 {offsets = [0, 12416], sizes = [64, 128], strides = [1, 1]} : vector<64x13312xf32> to vector<64x128xf32>
    %slice3A_1852 = vector.extract_strided_slice %add3A_1265 {offsets = [12416], sizes = [128], strides = [1]} : vector<13312xf32> to vector<128xf32>
    %broadcast_in_dim3A_1853 = vector.shape_cast %slice3A_1852 : vector<128xf32> to vector<1x128xf32>
    %mul3A_1854 = vector.broadcast %broadcast_in_dim3A_1853 : vector<1x128xf32> to vector<64x128xf32>
    %mul3A_1855 = arith.mulf %slice3A_1851, %mul3A_1854 : vector<64x128xf32>
    %add3A_1856 = arith.addf %add3A_1850, %mul3A_1855 : vector<64x128xf32>
    %slice3A_1857 = vector.extract_strided_slice %get3A_1268 {offsets = [0, 12544], sizes = [64, 128], strides = [1, 1]} : vector<64x13312xf32> to vector<64x128xf32>
    %slice3A_1858 = vector.extract_strided_slice %add3A_1265 {offsets = [12544], sizes = [128], strides = [1]} : vector<13312xf32> to vector<128xf32>
    %broadcast_in_dim3A_1859 = vector.shape_cast %slice3A_1858 : vector<128xf32> to vector<1x128xf32>
    %mul3A_1860 = vector.broadcast %broadcast_in_dim3A_1859 : vector<1x128xf32> to vector<64x128xf32>
    %mul3A_1861 = arith.mulf %slice3A_1857, %mul3A_1860 : vector<64x128xf32>
    %add3A_1862 = arith.addf %add3A_1856, %mul3A_1861 : vector<64x128xf32>
    %slice3A_1863 = vector.extract_strided_slice %get3A_1268 {offsets = [0, 12672], sizes = [64, 128], strides = [1, 1]} : vector<64x13312xf32> to vector<64x128xf32>
    %slice3A_1864 = vector.extract_strided_slice %add3A_1265 {offsets = [12672], sizes = [128], strides = [1]} : vector<13312xf32> to vector<128xf32>
    %broadcast_in_dim3A_1865 = vector.shape_cast %slice3A_1864 : vector<128xf32> to vector<1x128xf32>
    %mul3A_1866 = vector.broadcast %broadcast_in_dim3A_1865 : vector<1x128xf32> to vector<64x128xf32>
    %mul3A_1867 = arith.mulf %slice3A_1863, %mul3A_1866 : vector<64x128xf32>
    %add3A_1868 = arith.addf %add3A_1862, %mul3A_1867 : vector<64x128xf32>
    %slice3A_1869 = vector.extract_strided_slice %get3A_1268 {offsets = [0, 12800], sizes = [64, 128], strides = [1, 1]} : vector<64x13312xf32> to vector<64x128xf32>
    %slice3A_1870 = vector.extract_strided_slice %add3A_1265 {offsets = [12800], sizes = [128], strides = [1]} : vector<13312xf32> to vector<128xf32>
    %broadcast_in_dim3A_1871 = vector.shape_cast %slice3A_1870 : vector<128xf32> to vector<1x128xf32>
    %mul3A_1872 = vector.broadcast %broadcast_in_dim3A_1871 : vector<1x128xf32> to vector<64x128xf32>
    %mul3A_1873 = arith.mulf %slice3A_1869, %mul3A_1872 : vector<64x128xf32>
    %add3A_1874 = arith.addf %add3A_1868, %mul3A_1873 : vector<64x128xf32>
    %slice3A_1875 = vector.extract_strided_slice %get3A_1268 {offsets = [0, 12928], sizes = [64, 128], strides = [1, 1]} : vector<64x13312xf32> to vector<64x128xf32>
    %slice3A_1876 = vector.extract_strided_slice %add3A_1265 {offsets = [12928], sizes = [128], strides = [1]} : vector<13312xf32> to vector<128xf32>
    %broadcast_in_dim3A_1877 = vector.shape_cast %slice3A_1876 : vector<128xf32> to vector<1x128xf32>
    %mul3A_1878 = vector.broadcast %broadcast_in_dim3A_1877 : vector<1x128xf32> to vector<64x128xf32>
    %mul3A_1879 = arith.mulf %slice3A_1875, %mul3A_1878 : vector<64x128xf32>
    %add3A_1880 = arith.addf %add3A_1874, %mul3A_1879 : vector<64x128xf32>
    %slice3A_1881 = vector.extract_strided_slice %get3A_1268 {offsets = [0, 13056], sizes = [64, 128], strides = [1, 1]} : vector<64x13312xf32> to vector<64x128xf32>
    %slice3A_1882 = vector.extract_strided_slice %add3A_1265 {offsets = [13056], sizes = [128], strides = [1]} : vector<13312xf32> to vector<128xf32>
    %broadcast_in_dim3A_1883 = vector.shape_cast %slice3A_1882 : vector<128xf32> to vector<1x128xf32>
    %mul3A_1884 = vector.broadcast %broadcast_in_dim3A_1883 : vector<1x128xf32> to vector<64x128xf32>
    %mul3A_1885 = arith.mulf %slice3A_1881, %mul3A_1884 : vector<64x128xf32>
    %add3A_1886 = arith.addf %add3A_1880, %mul3A_1885 : vector<64x128xf32>
    %slice3A_1887 = vector.extract_strided_slice %get3A_1268 {offsets = [0, 13184], sizes = [64, 128], strides = [1, 1]} : vector<64x13312xf32> to vector<64x128xf32>
    %slice3A_1888 = vector.extract_strided_slice %add3A_1265 {offsets = [13184], sizes = [128], strides = [1]} : vector<13312xf32> to vector<128xf32>
    %broadcast_in_dim3A_1889 = vector.shape_cast %slice3A_1888 : vector<128xf32> to vector<1x128xf32>
    %mul3A_1890 = vector.broadcast %broadcast_in_dim3A_1889 : vector<1x128xf32> to vector<64x128xf32>
    %mul3A_1891 = arith.mulf %slice3A_1887, %mul3A_1890 : vector<64x128xf32>
    %add3A_1892 = arith.addf %add3A_1886, %mul3A_1891 : vector<64x128xf32>
    %eq3A = arith.constant 0 : i32
    %eq3A_1893 = arith.cmpi eq, %arg0, %eq3A : i32
    %convert_element_type3A = arith.extui %eq3A_1893 : i1 to i32
    %cond3A = arith.constant 0 : i32
    %cond3A_1894 = arith.cmpi ne, %convert_element_type3A, %cond3A : i32
    scf.if %cond3A_1894 {
      %broadcast_in_dim3A_1901 = arith.constant 0.000000e+00 : f32
      %broadcast_in_dim3A_1902 = vector.broadcast %broadcast_in_dim3A_1901 : f32 to vector<64x128xf32>
      %swap3A_1903 = arith.constant 0 : index
      %swap3A_1904 = arith.constant 0 : index
      %swap3A_1905 = vector.load %arg10[%swap3A_1903, %swap3A_1904] : memref<64x128xf32, #tpu.memory_space<vmem>>, vector<64x128xf32>
      tpu.vector_store %arg10[%swap3A_1903, %swap3A_1904], %broadcast_in_dim3A_1902 {strides = array<i32>} : memref<64x128xf32, #tpu.memory_space<vmem>>, vector<64x128xf32>,
    } else {
    }
    %get3A_1895 = arith.constant 0 : index
    %get3A_1896 = arith.constant 0 : index
    %get3A_1897 = vector.load %arg10[%get3A_1895, %get3A_1896] : memref<64x128xf32, #tpu.memory_space<vmem>>, vector<64x128xf32>
    %add3A_1898 = arith.addf %get3A_1897, %add3A_1892 : vector<64x128xf32>
    %swap3A = arith.constant 0 : index
    %swap3A_1899 = arith.constant 0 : index
    %swap3A_1900 = vector.load %arg10[%swap3A, %swap3A_1899] : memref<64x128xf32, #tpu.memory_space<vmem>>, vector<64x128xf32>
    tpu.vector_store %arg10[%swap3A, %swap3A_1899], %add3A_1898 {strides = array<i32>} : memref<64x128xf32, #tpu.memory_space<vmem>>, vector<64x128xf32>,
    return
  }
  func.func @transform_0(%arg0: i32) -> (i32, i32) {
    %mul3A = arith.constant 3 : i32
    %mul3A_0 = arith.muli %mul3A, %arg0 : i32
    %add3A = arith.constant 0 : i32
    %add3A_1 = arith.addi %mul3A_0, %add3A : i32
    %c0_i32 = arith.constant 0 : i32
    %c0_i32_2 = arith.constant 0 : i32
    return %c0_i32, %add3A_1 : i32, i32
  }
  func.func @transform_1(%arg0: i32) -> (i32, i32) {
    %mul3A = arith.constant 3 : i32
    %mul3A_0 = arith.muli %mul3A, %arg0 : i32
    %add3A = arith.constant 1 : i32
    %add3A_1 = arith.addi %mul3A_0, %add3A : i32
    %c0_i32 = arith.constant 0 : i32
    %c0_i32_2 = arith.constant 0 : i32
    return %c0_i32, %add3A_1 : i32, i32
  }
  func.func @transform_2(%arg0: i32) -> (i32, i32) {
    %mul3A = arith.constant 3 : i32
    %mul3A_0 = arith.muli %mul3A, %arg0 : i32
    %add3A = arith.constant 2 : i32
    %add3A_1 = arith.addi %mul3A_0, %add3A : i32
    %c0_i32 = arith.constant 0 : i32
    %c0_i32_2 = arith.constant 0 : i32
    return %c0_i32, %add3A_1 : i32, i32
  }
  func.func @transform_3(%arg0: i32) -> i32 {
    %mul3A = arith.constant 3 : i32
    %mul3A_0 = arith.muli %mul3A, %arg0 : i32
    %add3A = arith.constant 0 : i32
    %add3A_1 = arith.addi %mul3A_0, %add3A : i32
    %c0_i32 = arith.constant 0 : i32
    return %add3A_1 : i32
  }
  func.func @transform_4(%arg0: i32) -> i32 {
    %mul3A = arith.constant 3 : i32
    %mul3A_0 = arith.muli %mul3A, %arg0 : i32
    %add3A = arith.constant 1 : i32
    %add3A_1 = arith.addi %mul3A_0, %add3A : i32
    %c0_i32 = arith.constant 0 : i32
    return %add3A_1 : i32
  }
  func.func @transform_5(%arg0: i32) -> i32 {
    %mul3A = arith.constant 3 : i32
    %mul3A_0 = arith.muli %mul3A, %arg0 : i32
    %add3A = arith.constant 2 : i32
    %add3A_1 = arith.addi %mul3A_0, %add3A : i32
    %c0_i32 = arith.constant 0 : i32
    return %add3A_1 : i32
  }
  func.func @transform_6(%arg0: i32) -> i32 {
    %mul3A = arith.constant 3 : i32
    %mul3A_0 = arith.muli %mul3A, %arg0 : i32
    %add3A = arith.constant 0 : i32
    %add3A_1 = arith.addi %mul3A_0, %add3A : i32
    %c0_i32 = arith.constant 0 : i32
    return %add3A_1 : i32
  }
  func.func @transform_7(%arg0: i32) -> i32 {
    %mul3A = arith.constant 3 : i32
    %mul3A_0 = arith.muli %mul3A, %arg0 : i32
    %add3A = arith.constant 1 : i32
    %add3A_1 = arith.addi %mul3A_0, %add3A : i32
    %c0_i32 = arith.constant 0 : i32
    return %add3A_1 : i32
  }
  func.func @transform_8(%arg0: i32) -> i32 {
    %mul3A = arith.constant 3 : i32
    %mul3A_0 = arith.muli %mul3A, %arg0 : i32
    %add3A = arith.constant 2 : i32
    %add3A_1 = arith.addi %mul3A_0, %add3A : i32
    %c0_i32 = arith.constant 0 : i32
    return %add3A_1 : i32
  }
  func.func @transform_9(%arg0: i32) -> (i32, i32) {
    %c0_i32 = arith.constant 0 : i32
    %c0_i32_0 = arith.constant 0 : i32
    %c0_i32_1 = arith.constant 0 : i32
    return %c0_i32, %c0_i32_0 : i32, i32
  }
}

</mosaic_0001>

<sc_bundles>
// kernel: kernel.5.cloned.1.call-start
scs
__scs_entry_jumppad:
0x0: {  	(pc) =	sbr.rel $0x88, $3  }
0x1: {  	(tag) =	ssettag $0x0;
	lr =	simm.s32 $0x1  }
0x2: {  	[smem:$0x3F9B] =	sst lr;
	_ =	strace $0xD0000000  }
0x3: {  	_ = 	snop  }
0x4: {  	_ = 	snop  }
0x5: {  	_ = 	snop  }
0x6: {  	_ = 	snop  }
0x7: {  	_ = 	snop  }
__scs_overlays_trampoline_lowered:
0x8: {  	[smem:$0x3FAA] =	sst s0  }
0x9: {  	[smem:$0x3FAB] =	sst s1  }
0xa: {  	[smem:$0x3FAC] =	sst s2  }
0xb: {  	[smem:$0x3FAD] =	sst s3  }
0xc: {  	[smem:$0x3FAE] =	sst s4  }
0xd: {  	[smem:$0x3FAF] =	sst s5  }
0xe: {  	[smem:$0x3FB0] =	sst s6  }
0xf: {  	[smem:$0x3FB1] =	sst s7  }
0x10: {  	[smem:$0x3FB2] =	sst s8  }
0x11: {  	[smem:$0x3FB3] =	sst s9;
	s0 =	simm.s32 @!p0 $0x0  }
0x12: {  	s1 =	sld [smem:$0x3F99];
	s0 =	simm.s32 @p0 $0x1  }
0x13: {  	[smem:$0x3FB4] =	sst s0;
	s0 =	simm.s32 @!p1 $0x0  }
0x14: {  	s2 =	sld [smem:$0x3F98];
	s0 =	simm.s32 @p1 $0x1  }
0x15: {  	[smem:$0x3FB5] =	sst s0;
	s0 =	simm.s32 @!p2 $0x0  }
0x16: {  	s3 =	sld [smem:$0x3FDB];
	s0 =	simm.s32 @p2 $0x1  }
0x17: {  	s4 =	simm.s32 $0x1BF5;
	[smem:$0x3FB7] =	sst s0  }
0x18: {  	s0 =	sld [smem:$0x3F9A];
	_ =	swait.ge [sflag:s4], $0x0  }
0x19: {  	s7 =	sld [smem:$0x3F9B]  }
0x1a: {  	s8 =	sadd.s32 $0xFFFFE003, lr  }
0x1b: {  	s9 =	sadd.s32 $0xFFFFFEF7, lr;
	s5 =	simm.s32 $0xFFFFFFFF;
	p2 =	slt.u32 s8, $0xFFFFF086  }
0x1c: {  	p1 =	slt.u32 s9, $0xF7A;
	s5 =	simm.s32 @!p2 $0x0  }
0x1d: {  	s5 =	simm.s32 @p1 $0x1;
	p0 =	seq.s32 s7, s2  }
0x1e: {  	s7 =	smul.u32 @!p0 $0xF7A, s2;
	p2 =	seq.s32 @!p0 s5, $0x0  }
0x1f: {  	s9 =	smul.u32 $0xF7A, s1;
	s8 =	simm.s32 @!p0 $0x1BF5;
	p2 =	por !p2, p0  }
0x20: {  	[sflag:s8] =	ssyncset.s32 @!p0 $0xFFFFF086;
	s6 =	sadd.s32 @!p0 s3, s7;
	s7 =	simm.s32 @!p0 $0x108  }
0x21: {  	s3 =	sadd.s32 s3, s9;
	s6 =	sadd.s32 @!p0 $0x88, s6;
	s7 =	simm.s32 @p2 $0x1082  }
0x22: {  	[simem:s7], [sflag:s8] =	dma.local @!p0 [hbm:s6], $0xF7A  }
0x23: {  	s9 =	sor.u32 $0xD0000000, s2;
	s6 =	simm.s32 $0x108;
	_ =	swait.ge @!p0 [sflag:s8], $0x0  }
0x24: {  	s3 =	sadd.s32 $0x88, s3;
	s6 =	simm.s32 @!p1 $0x1082;
	[sflag:s4] =	ssyncset.s32 $0xFFFFF086  }
0x25: {  	[simem:s6], [sflag:s4] =	dma.local [hbm:s3], $0xF7A  }
0x26: {  	[smem:$0x3F9B] =	sst s1;
	(tag) =	ssettag s2;
	_ =	strace s9  }
0x27: {  	s1 =	sld [smem:$0x3FAB]  }
0x28: {  	s2 =	sld [smem:$0x3FAC]  }
0x29: {  	s4 =	sld [smem:$0x3FAE]  }
0x2a: {  	p0 =	seq.s32 s5, $0x0;
	s5 =	sld [smem:$0x3FAF]  }
0x2b: {  	s6 =	sld [smem:$0x3FB0]  }
0x2c: {  	s7 =	sld [smem:$0x3FB1]  }
0x2d: {  	s3 =	simm.s32 $0x108;
	s8 =	sld [smem:$0x3FB2]  }
0x2e: {  	s3 =	simm.s32 @!p0 $0x1082;
	s9 =	sld [smem:$0x3FB3]  }
0x2f: {  	lr =	sadd.s32 s0, s3;
	s0 =	sld [smem:$0x3FAA]  }
0x30: {  	s3 =	sld [smem:$0x3FAD]  }
0x31: {  	[smem:$0x3FB6] =	sst s10  }
0x32: {  	s10 =	sld [smem:$0x3FB4];
	_ =	sdelay $0x3  }
0x33: {  	p0 =	seq.s32 s10, $0x1;
	s10 =	sld [smem:$0x3FB6];
	_ =	sdelay $0x3  }
0x34: {  	[smem:$0x3FB6] =	sst s10  }
0x35: {  	s10 =	sld [smem:$0x3FB5];
	_ =	sdelay $0x3  }
0x36: {  	p1 =	seq.s32 s10, $0x1;
	s10 =	sld [smem:$0x3FB6];
	_ =	sdelay $0x3  }
0x37: {  	[smem:$0x3FB6] =	sst s10  }
0x38: {  	s10 =	sld [smem:$0x3FB7]  }
0x39: {  	_ = 	snop;
	(pc) =	sbr.ind lr, $3  }
0x3a: {  	_ = 	snop  }
0x3b: {  	_ = 	snop  }
0x3c: {  	p2 =	seq.s32 s10, $0x1;
	s10 =	sld [smem:$0x3FB6]  }
0x3d: {  	_ =	shalt  }
0x3e: {  	_ =	shalt  }
0x3f: {  	_ =	shalt  }
0x40: {  	_ =	shalt  }
0x41: {  	_ =	shalt  }
0x42: {  	_ =	shalt  }
0x43: {  	_ =	shalt  }
0x44: {  	_ =	shalt  }
0x45: {  	_ =	shalt  }
0x46: {  	_ =	shalt  }
0x47: {  	_ =	shalt  }
0x48: {  	_ =	shalt  }
0x49: {  	_ =	shalt  }
0x4a: {  	_ =	shalt  }
0x4b: {  	_ =	shalt  }
0x4c: {  	_ =	shalt  }
0x4d: {  	_ =	shalt  }
0x4e: {  	_ =	shalt  }
0x4f: {  	_ =	shalt  }
0x50: {  	_ =	shalt  }
0x51: {  	_ =	shalt  }
0x52: {  	_ =	shalt  }
0x53: {  	_ =	shalt  }
0x54: {  	_ =	shalt  }
0x55: {  	_ =	shalt  }
0x56: {  	_ =	shalt  }
0x57: {  	_ =	shalt  }
0x58: {  	_ =	shalt  }
0x59: {  	_ =	shalt  }
0x5a: {  	_ =	shalt  }
0x5b: {  	_ =	shalt  }
0x5c: {  	_ =	shalt  }
0x5d: {  	_ =	shalt  }
0x5e: {  	_ =	shalt  }
0x5f: {  	_ =	shalt  }
0x60: {  	_ =	shalt  }
0x61: {  	_ =	shalt  }
0x62: {  	_ =	shalt  }
0x63: {  	_ =	shalt  }
0x64: {  	_ =	shalt  }
0x65: {  	_ =	shalt  }
0x66: {  	_ =	shalt  }
0x67: {  	_ =	shalt  }
0x68: {  	_ =	shalt  }
0x69: {  	_ =	shalt  }
0x6a: {  	_ =	shalt  }
0x6b: {  	_ =	shalt  }
0x6c: {  	_ =	shalt  }
0x6d: {  	_ =	shalt  }
0x6e: {  	_ =	shalt  }
0x6f: {  	_ =	shalt  }
0x70: {  	_ =	shalt  }
0x71: {  	_ =	shalt  }
0x72: {  	_ =	shalt  }
0x73: {  	_ =	shalt  }
0x74: {  	_ =	shalt  }
0x75: {  	_ =	shalt  }
0x76: {  	_ =	shalt  }
0x77: {  	_ =	shalt  }
0x78: {  	_ =	shalt  }
0x79: {  	_ =	shalt  }
0x7a: {  	_ =	shalt  }
0x7b: {  	_ =	shalt  }
0x7c: {  	_ =	shalt  }
0x7d: {  	_ =	shalt  }
0x7e: {  	_ =	shalt  }
0x7f: {  	_ =	shalt  }
0x80: {  	_ =	shalt  }
0x81: {  	_ =	shalt  }
0x82: {  	_ =	shalt  }
0x83: {  	_ =	shalt  }
0x84: {  	_ =	shalt  }
0x85: {  	_ =	shalt  }
0x86: {  	_ =	shalt  }
0x87: {  	_ =	shalt  }
.Lfunc_end0:
.L_simem_size_0:
called_computation_lowered:
.L_overlay_start_0:
0x88: {  	s2 =	sld [smem:$0x3FD9]  }
0x89: {  	s3 =	sld [smem:$0x3FFE];
	_ =	sdelay $0x1  }
0x8a: {  	s1 =	srdreg.scid  }
0x8b: {  	s0 =	sand.u32 $0x1, s1  }
0x8c: {  	s17 =	sshll.u32 s0, $0xA;
	s2 =	sadd.s32 s3, s2  }
0x8d: {  	s2 =	sadd.s32 s2, s17  }
0x8e: {  	[smem:$0x3FC2] =	sst s2  }
0x8f: {  	_ = 	snop  }
0x90: {  	s2 =	sld [smem:$0x3FC9];
	(tm) =	ssettm $0x1  }
0x91: {  	s18 =	sld [smem:$0x3FFB];
	_ =	sdelay $0x3  }
0x92: {  	_ =	strace s18  }
0x93: {  	s3 =	sld [smem:$0x3FFC];
	_ =	sdelay $0x3  }
0x94: {  	_ =	strace s3  }
0x95: {  	s3 =	sld [smem:$0x3FFD];
	_ =	sdelay $0x3  }
0x96: {  	_ =	strace s3  }
0x97: {  	_ =	strace $0x8FFFFFFF  }
0x98: {  	s19 =	sld [smem:$0x3FDB];
	_ =	sdelay $0x1  }
0x99: {  	s4 =	simm.s32 $_scs_section_size  }
0x9a: {  	s5 =	simm.s32 $_size__tile_overlayer_lowered;
	s6 =	simm.s32 $_tile_overlayer_lowered  }
0x9b: {  	s22 =	simm.s32 $0x1BFF;
	s21 =	sshll.u32 s6, $0x1;
	s3 =	sadd.s32 s4, s19  }
0x9c: {  	s7 =	simm.s32 $0x0;
	s20 =	sshll.u32 s5, $0x1;
	s5 =	sadd.s32 s21, s3  }
0x9d: {  	[timem:s7], [sflag:s22] =	dma.local [hbm:s5], s20  }
0x9e: {  	_ =	swait.ge [sflag:s22], s20  }
0x9f: {  	s4 =	ssub.s32 $0x0, s20;
	[sflag:s22] =	ssyncset.done $0x0  }
0xa0: {  	[sflag:s22] =	ssyncadd.s32 s4;
	_ =	sdelay $0x1  }
0xa1: {  	s23 =	simm.s32 $0x1B8B  }
0xa2: {  	_ =	swait.ge [sflag:s23], $0x1  }
0xa3: {  	[sflag:s23] =	ssyncset.done $0x0  }
0xa4: {  	s25 =	simm.s32 $0x1B8E;
	s24 =	sld [smem:$0x3FFE];
	[sflag:s23] =	ssyncadd.s32 $0xFFFFFFFF  }
0xa5: {  	s26 =	simm.s32 $execute0_lowered;
	[smem:$0x3FD2] =	sst s25  }
0xa6: {  	s5 =	sshll.u32 s26, $0x1;
	_ =	strace $0x80000046;
	[dreg:$0x1] =	wrdreg $0xFFFFFFFF  }
0xa7: {  	s28 =	simm.s32 $_size_execute0_lowered;
	s3 =	sadd.s32 s3, s5;
	[dreg:$0x0] =	wrdreg $0x0  }
0xa8: {  	s5 =	sshll.u32 s28, $0x1;
	[dreg:$0x2] =	wrdreg s3  }
0xa9: {  	[dreg:$0x3] =	wrdreg s5  }
0xaa: {  	[dreg:$0x4] =	wrdreg $0xC0  }
0xab: {  	_ =	task [dreg:s7], $0x5FFFF  }
0xac: {  	[dreg:$0x1] =	wrdreg $0xFFFFFFFF  }
0xad: {  	[dreg:$0x0] =	wrdreg $0x60  }
0xae: {  	[dreg:$0x2] =	wrdreg s2  }
0xaf: {  	[dreg:$0x3] =	wrdreg s24  }
0xb0: {  	[dreg:$0x4] =	wrdreg $0x12000  }
0xb1: {  	[dreg:$0x5] =	wrdreg $0x9  }
0xb2: {  	_ =	task.clear_ibuf [dreg:s7], $0x6FFFF;
	_ =	strace $0x90000046  }
0xb3: {  	s29 =	simm.s32 $0x9;
	_ =	strace $0x80000048  }
0xb4: {  	_ =	swait.ge [sflag:s29], $0x1  }
0xb5: {  	[sflag:s29] =	ssyncadd.s32 $0xFFFFFFFF  }
0xb6: {  	_ =	strace $0x90000048  }
0xb7: {  	_ =	sfence  }
0xb8: {  	s30 =	sld [smem:$0x0];
	_ =	sdelay $0x2  }
0xb9: {  	s31 =	sshll.u32 s1, $0xD;
	s1 =	sshrl.u32 s1, $0x2  }
0xba: {  	s3 =	sand.u32 $0x4000, s31;
	s1 =	sadd.s32 s1, s30  }
0xbb: {  	s0 =	sor.u32 s3, s0;
	s1 =	sshll.u32 s1, $0x11  }
0xbc: {  	s0 =	sor.u32 s1, s0  }
0xbd: {  	s0 =	sadd.s32 $0x8F2B, s0  }
0xbe: {  	[sflag:s0] =	ssyncadd.remote.s32 $0x1  }
0xbf: {  	_ =	sfence.sel $0xFFFF  }
0xc0: {  	[dreg:$0x0] =	wrdreg $0xFFFFFFFF;
	(pc) =	sbr.abs _section_cstart, $3  }
0xc1: {  	[dreg:$0x1] =	wrdreg $0xFFFFFFFF  }
0xc2: {  	_ =	task.clear_ibuf [dreg:s7], $0x2FFFF;
	_ =	strace $0x9FFFFFFF  }
0xc3: {  	(tm) =	ssettm $0x7FFFFFFF  }
tec
execute0_lowered:
.L_overlay_start_1:
0x0: {  	(tag) =	ssettag $0x1  }
0x1: {  	s0 =	rddreg [dreg:$0x0]  }
0x2: {  	s2 =	rddreg [dreg:$0x1]  }
0x3: {  	s1 =	rddreg [dreg:$0x2]  }
0x4: {  	s3 =	simm.s32 $0x0;
	s4 =	srdreg.scid;
	s7 =	stileid.u32  }
0x5: {  	s24 =	simm.s32 $0x280;
	s25 =	simm.s32 $0x1;
	s26 =	simm.s32 $0x80  }
0x6: {  	s28 =	simm.s32 $0x200;
	s29 =	simm.s32 $0x100;
	s30 =	simm.s32 $0x180  }
0x7: {  	s31 =	simm.s32 $0x0;
	[smem:$0x7FF] =	sst s3;
	s19 =	sand.u32 $0x1, s4  }
0x8: {  	s21 =	smul.u32 $0xF700, s7;
	s7 =	sshll.u32 s7, $0x7;
	_ =	strace $0x80000047  }
0x9: {  	s4 =	ssub.s32 $0x2, s19;
	s5 =	sshll.u32 s19, $0x6;
	p0 =	seq.s32 s19, $0x1  }
0xa: {  	s6 =	sshrl.u32 s4, $0x1;
	s0 =	sadd.s32 s0, s5;
	s5 =	sadd.s32 s21, s1  }
0xb: {  	s23 =	sshrl.u32 s21, $0x3;
	s22 =	ssub.s32 s4, s6;
	s4 =	sadd.s32 s7, s0  }
0xc: {  	s6 =	sadd.s32 $0xF70, s5;
	s7 =	sadd.s32 $0x1EE0, s5;
	s8 =	sadd.s32 $0x2E50, s5  }
0xd: {  	s9 =	sadd.s32 $0x3DC0, s5;
	s10 =	sadd.s32 $0x4D30, s5;
	s11 =	sadd.s32 $0x5CA0, s5  }
0xe: {  	s12 =	sadd.s32 $0x6C10, s5;
	s13 =	sadd.s32 $0x7B80, s5;
	s14 =	sadd.s32 $0x8AF0, s5  }
0xf: {  	s15 =	sadd.s32 $0x9A60, s5;
	s16 =	sadd.s32 $0xA9D0, s5;
	s0 =	simm.s32 $0x20200  }
0x10: {  	s17 =	sadd.s32 $0xB940, s5;
	s18 =	sadd.s32 $0xC8B0, s5;
	s0 =	simm.s32 @!p0 $0x1400  }
0x11: {  	s19 =	sadd.s32 $0xD820, s5;
	s20 =	sadd.s32 $0xE790, s5;
	s0 =	sadd.s32 s0, s2  }
0x12: {  	v0 =	vimm.f32 $0.0e+00;
	v1 =	vimm.f32 $1.000000000e+00;
	s21 =	smax.u32 s22, $0x1;
	s22 =	sadd.s32 s0, s23;
	s23 =	simm.s32 $0x2  }
.LBB2_1:
0x13: {  	[tilespmem:s3], [sflag:$0x2] =	stream.linear.gather [hbm4b:s4+s3], $0x200, $0x38;
	[tilespmem:$0x10900] =	vst v63  }
0x14: {  	_ =	swait.ge [sflag:s23], $0x200  }
0x15: {  	[sflag:s23] =	ssyncset.done $0x0  }
0x16: {  	s0 =	simm.s32 $0x40;
	s2 =	simm.s32 $0x0;
	[sflag:s23] =	ssyncadd.s32 $0xFFFFFE00  }
.LBB2_2:
0x17: {  	p0 =	sne.s32 s0, $0x3D80;
	[tilespmem:s2+$0x280] =	vst v0;
	s2 =	smov.u32 s0;
	s0 =	sadd.s32 $0x40, s0  }
.Ltmp0:
0x18: {  	(pc) =	sbr.rel @p0 .LBB2_2-.Ltmp0, $2  }
0x19: {  	_ =	sdelay $0x2  }
0x1a: {  	s2 =	sshra.s32 s2, $0x2  }
0x1b: {  	[tilespmem:s2+$0x280] =	vst v0  }
0x1c: {  	[tilespmem:$0x200] =	vst v1  }
0x1d: {  	[tilespmem:$0x210] =	vst v1  }
0x1e: {  	[tilespmem:$0x220] =	vst v1  }
0x1f: {  	[tilespmem:$0x230] =	vst v1  }
0x20: {  	[tilespmem:$0x240] =	vst v1  }
0x21: {  	[tilespmem:$0x250] =	vst v1  }
0x22: {  	[tilespmem:$0x260] =	vst v1  }
0x23: {  	[tilespmem:$0x270] =	vst v1  }
0x24: {  	[spmem:s5] =	stream.linear.scatter [tilespmem:s24], [sflag:$0x1], $0xF70, $0x38;
	[tilespmem:$0x10900] =	vst v63  }
0x25: {  	_ = 	snop  }
0x26: {  	[spmem:s6] =	stream.linear.scatter [tilespmem:s24], [sflag:$0x1], $0xF70, $0x38;
	[tilespmem:$0x10900] =	vst v63  }
0x27: {  	_ = 	snop  }
0x28: {  	[spmem:s7] =	stream.linear.scatter [tilespmem:s24], [sflag:$0x1], $0xF70, $0x38;
	[tilespmem:$0x10900] =	vst v63  }
0x29: {  	_ = 	snop  }
0x2a: {  	[spmem:s8] =	stream.linear.scatter [tilespmem:s24], [sflag:$0x1], $0xF70, $0x38;
	[tilespmem:$0x10900] =	vst v63  }
0x2b: {  	_ = 	snop  }
0x2c: {  	[spmem:s9] =	stream.linear.scatter [tilespmem:s24], [sflag:$0x1], $0xF70, $0x38;
	[tilespmem:$0x10900] =	vst v63  }
0x2d: {  	_ = 	snop  }
0x2e: {  	[spmem:s10] =	stream.linear.scatter [tilespmem:s24], [sflag:$0x1], $0xF70, $0x38;
	[tilespmem:$0x10900] =	vst v63  }
0x2f: {  	_ = 	snop  }
0x30: {  	[spmem:s11] =	stream.linear.scatter [tilespmem:s24], [sflag:$0x1], $0xF70, $0x38;
	[tilespmem:$0x10900] =	vst v63  }
0x31: {  	_ = 	snop  }
0x32: {  	[spmem:s12] =	stream.linear.scatter [tilespmem:s24], [sflag:$0x1], $0xF70, $0x38;
	[tilespmem:$0x10900] =	vst v63  }
0x33: {  	_ = 	snop  }
0x34: {  	[spmem:s13] =	stream.linear.scatter [tilespmem:s24], [sflag:$0x1], $0xF70, $0x38;
	[tilespmem:$0x10900] =	vst v63  }
0x35: {  	_ = 	snop  }
0x36: {  	[spmem:s14] =	stream.linear.scatter [tilespmem:s24], [sflag:$0x1], $0xF70, $0x38;
	[tilespmem:$0x10900] =	vst v63  }
0x37: {  	_ = 	snop  }
0x38: {  	[spmem:s15] =	stream.linear.scatter [tilespmem:s24], [sflag:$0x1], $0xF70, $0x38;
	[tilespmem:$0x10900] =	vst v63  }
0x39: {  	_ = 	snop  }
0x3a: {  	[spmem:s16] =	stream.linear.scatter [tilespmem:s24], [sflag:$0x1], $0xF70, $0x38;
	[tilespmem:$0x10900] =	vst v63  }
0x3b: {  	_ = 	snop  }
0x3c: {  	[spmem:s17] =	stream.linear.scatter [tilespmem:s24], [sflag:$0x1], $0xF70, $0x38;
	[tilespmem:$0x10900] =	vst v63  }
0x3d: {  	_ = 	snop  }
0x3e: {  	[spmem:s18] =	stream.linear.scatter [tilespmem:s24], [sflag:$0x1], $0xF70, $0x38;
	[tilespmem:$0x10900] =	vst v63  }
0x3f: {  	_ = 	snop  }
0x40: {  	[spmem:s19] =	stream.linear.scatter [tilespmem:s24], [sflag:$0x1], $0xF70, $0x38;
	[tilespmem:$0x10900] =	vst v63  }
0x41: {  	_ = 	snop  }
0x42: {  	[spmem:s20] =	stream.linear.scatter [tilespmem:s24], [sflag:$0x1], $0xF70, $0x38;
	[tilespmem:$0x10900] =	vst v63  }
0x43: {  	_ =	swait.ge [sflag:s25], $0xF70  }
0x44: {  	[sflag:s25] =	ssyncset.done $0x0  }
0x45: {  	[sflag:s25] =	ssyncadd.s32 $0xFFFFF090  }
0x46: {  	_ =	swait.ge [sflag:s25], $0xF70  }
0x47: {  	[sflag:s25] =	ssyncset.done $0x0  }
0x48: {  	[sflag:s25] =	ssyncadd.s32 $0xFFFFF090  }
0x49: {  	_ =	swait.ge [sflag:s25], $0xF70  }
0x4a: {  	[sflag:s25] =	ssyncset.done $0x0  }
0x4b: {  	[sflag:s25] =	ssyncadd.s32 $0xFFFFF090  }
0x4c: {  	_ =	swait.ge [sflag:s25], $0xF70  }
0x4d: {  	[sflag:s25] =	ssyncset.done $0x0  }
0x4e: {  	[sflag:s25] =	ssyncadd.s32 $0xFFFFF090  }
0x4f: {  	_ =	swait.ge [sflag:s25], $0xF70  }
0x50: {  	[sflag:s25] =	ssyncset.done $0x0  }
0x51: {  	[sflag:s25] =	ssyncadd.s32 $0xFFFFF090  }
0x52: {  	_ =	swait.ge [sflag:s25], $0xF70  }
0x53: {  	[sflag:s25] =	ssyncset.done $0x0  }
0x54: {  	[sflag:s25] =	ssyncadd.s32 $0xFFFFF090  }
0x55: {  	_ =	swait.ge [sflag:s25], $0xF70  }
0x56: {  	[sflag:s25] =	ssyncset.done $0x0  }
0x57: {  	[sflag:s25] =	ssyncadd.s32 $0xFFFFF090  }
0x58: {  	_ =	swait.ge [sflag:s25], $0xF70  }
0x59: {  	[sflag:s25] =	ssyncset.done $0x0  }
0x5a: {  	[sflag:s25] =	ssyncadd.s32 $0xFFFFF090  }
0x5b: {  	_ =	swait.ge [sflag:s25], $0xF70  }
0x5c: {  	[sflag:s25] =	ssyncset.done $0x0  }
0x5d: {  	[sflag:s25] =	ssyncadd.s32 $0xFFFFF090  }
0x5e: {  	_ =	swait.ge [sflag:s25], $0xF70  }
0x5f: {  	[sflag:s25] =	ssyncset.done $0x0  }
0x60: {  	[sflag:s25] =	ssyncadd.s32 $0xFFFFF090  }
0x61: {  	_ =	swait.ge [sflag:s25], $0xF70  }
0x62: {  	[sflag:s25] =	ssyncset.done $0x0  }
0x63: {  	[sflag:s25] =	ssyncadd.s32 $0xFFFFF090  }
0x64: {  	_ =	swait.ge [sflag:s25], $0xF70  }
0x65: {  	[sflag:s25] =	ssyncset.done $0x0  }
0x66: {  	[sflag:s25] =	ssyncadd.s32 $0xFFFFF090  }
0x67: {  	_ =	swait.ge [sflag:s25], $0xF70  }
0x68: {  	[sflag:s25] =	ssyncset.done $0x0  }
0x69: {  	[sflag:s25] =	ssyncadd.s32 $0xFFFFF090  }
0x6a: {  	_ =	swait.ge [sflag:s25], $0xF70  }
0x6b: {  	[sflag:s25] =	ssyncset.done $0x0  }
0x6c: {  	[sflag:s25] =	ssyncadd.s32 $0xFFFFF090  }
0x6d: {  	_ =	swait.ge [sflag:s25], $0xF70  }
0x6e: {  	[sflag:s25] =	ssyncset.done $0x0  }
0x6f: {  	[sflag:s25] =	ssyncadd.s32 $0xFFFFF090  }
0x70: {  	_ =	swait.ge [sflag:s25], $0xF70  }
0x71: {  	[sflag:s25] =	ssyncset.done $0x0  }
0x72: {  	[sflag:s25] =	ssyncadd.s32 $0xFFFFF090  }
0x73: {  	[bflag:$0x0] =	sbarrier.arrive $0xFFFF  }
0x74: {  	[spmem:s1] =	stream.indirect.scatter.add.f32 [tilespmem:s28], [sflag:$0x1], $0x1, s3, s26, $0xb8;
	[tilespmem:$0x10900] =	vst v63  }
0x75: {  	_ = 	snop  }
0x76: {  	[spmem:s1] =	stream.indirect.scatter.add.f32 [tilespmem:s28], [sflag:$0x1], $0x1, s26, s26, $0xb8;
	[tilespmem:$0x10900] =	vst v63  }
0x77: {  	_ = 	snop  }
0x78: {  	[spmem:s1] =	stream.indirect.scatter.add.f32 [tilespmem:s28], [sflag:$0x1], $0x1, s29, s26, $0xb8;
	[tilespmem:$0x10900] =	vst v63  }
0x79: {  	_ = 	snop  }
0x7a: {  	[spmem:s1] =	stream.indirect.scatter.add.f32 [tilespmem:s28], [sflag:$0x1], $0x1, s30, s26, $0xb8;
	[tilespmem:$0x10900] =	vst v63  }
0x7b: {  	_ =	swait.ge [sflag:s25], $0x80  }
0x7c: {  	[sflag:s25] =	ssyncset.done $0x0  }
0x7d: {  	[sflag:s25] =	ssyncadd.s32 $0xFFFFFF80  }
0x7e: {  	_ =	swait.ge [sflag:s25], $0x80  }
0x7f: {  	[sflag:s25] =	ssyncset.done $0x0  }
0x80: {  	[sflag:s25] =	ssyncadd.s32 $0xFFFFFF80  }
0x81: {  	_ =	swait.ge [sflag:s25], $0x80  }
0x82: {  	[sflag:s25] =	ssyncset.done $0x0  }
0x83: {  	[sflag:s25] =	ssyncadd.s32 $0xFFFFFF80  }
0x84: {  	s0 =	stileid.u32;
	_ =	swait.ge [sflag:s25], $0x80  }
0x85: {  	s2 =	sshrl.u32 s5, $0x3;
	s31 =	sadd.s32 $0x1, s31;
	[sflag:s25] =	ssyncset.done $0x0  }
0x86: {  	s0 =	sshll.u32 s0, $0x6;
	p0 =	sne.s32 s31, s21;
	[sflag:s25] =	ssyncadd.s32 $0xFFFFFF80  }
.Ltmp1:
0x87: {  	s0 =	sor.u32 $0x1C02, s0;
	[bflag:$0x0] =	sbarrier.arrive $0xFFFF;
	(pc) =	sbr.rel @p0 .LBB2_1-.Ltmp1, $4  }
0x88: {  	[hbm:s22], [sflag:s0] =	dma.local [spmem:s2], $0x1EE0  }
0x89: {  	_ =	swait.ge [sflag:s23], $0x1EE0  }
0x8a: {  	[sflag:s23] =	ssyncset.done $0x0  }
0x8b: {  	[sflag:s23] =	ssyncadd.s32 $0xFFFFE120  }
0x8c: {  	_ =	sfence.sel $0x180000  }
0x8d: {  	[bflag:$0x0] =	sbarrier.arrive $0xFFFF  }
0x8e: {  	_ =	strace $0x90000047  }
0x8f: {  	s0 =	stileid.u32;
	[bflag:$0x2] =	sbarrier.arrive $0xFFFF  }
0x90: {  	p0 =	sne.s32 s0, $0x0;
	s0 =	rddreg [dreg:$0x3]  }
0x91: {  	s0 =	sadd.s32 @!p0 $0x100000, s0  }
0x92: {  	[sflag:s0] =	ssyncadd.tile.s32 @!p0 $0x1;
	_ =	shalt  }
.Lfunc_end2:
_tile_overlayer_lowered:
.L_overlay_start_2:
0x93: {  	(tag) =	ssettag $0x2  }
0x94: {  	s0 =	rddreg [dreg:$0x0];
	s2 =	stileid.u32  }
0x95: {  	s1 =	rddreg [dreg:$0x1];
	p0 =	sne.s32 s2, $0x0  }
0x96: {  	s3 =	rddreg [dreg:$0x2];
	[bflag:$0x3] =	sbarrier.arrive $0xFFFF;
	s2 =	simm.s32 @!p0 $0x1C02  }
0x97: {  	[timem:s3], [sflag:s2] =	dma.local @!p0 [hbm:s0], s1  }
0x98: {  	s0 =	simm.s32 @!p0 $0x2  }
0x99: {  	_ =	swait.ge @!p0 [sflag:s0], s1  }
0x9a: {  	s1 =	ssub.s32 @!p0 $0x0, s1;
	[sflag:s0] =	ssyncset.done @!p0 $0x0  }
0x9b: {  	[sflag:s0] =	ssyncadd.s32 @!p0 s1  }
0x9c: {  	[bflag:$0x3] =	sbarrier.arrive $0xFFFF  }
0x9d: {  	_ =	shalt  }

</sc_bundles>
